<compile_context>
chip_gen: v7x
topology: tpu7x:2x2x1
jax: 0.10.2.dev20260603
libtpu: 0.0.44.dev20260713+nightly
codegen_flags: <defaults>
</compile_context>

<pallas_src>
import functools

import jax
import jax.numpy as jnp
from jax import lax
from jax.experimental import pallas as pl
from jax.experimental.pallas import tpu as pltpu
from jax.experimental.pallas import tpu_sc as plsc

N = 10000
E = 320000
H = 128
G = 64
C = 10

NC = 2
NS = 16
NW = NC * NS
CHUNK = 128
NCHUNKS = E // CHUNK
FULL_TRIPS = NCHUNKS // NW
REM = NCHUNKS - FULL_TRIPS * NW
NPA = 10112
RPW = NPA // NS
NIB = 4
NRB = 2

_MESH = plsc.VectorSubcoreMesh(core_axis_name="c", subcore_axis_name="s")


@functools.partial(
    pl.kernel,
    out_type=jax.ShapeDtypeStruct((NC * NPA, H), jnp.float32),
    mesh=_MESH,
    scratch_types=[
        pltpu.VMEM((CHUNK,), jnp.int32),
        pltpu.VMEM((CHUNK, H), jnp.float32),
        pltpu.VMEM_SHARED((NPA, H), jnp.float32),
    ],
)
def _deg_kernel(dst_hbm, ones_hbm, zeros_hbm, out_hbm, didx, ones_v, acc):
    c = lax.axis_index("c")
    s = lax.axis_index("s")
    w = s * NC + c
    pltpu.sync_copy(ones_hbm, ones_v)
    arow = pl.multiple_of(s * RPW, 8)
    pltpu.sync_copy(zeros_hbm, acc.at[pl.ds(arow, RPW)])
    plsc.subcore_barrier()

    def trip(r):
        base = pl.multiple_of(r * CHUNK, 8)
        pltpu.sync_copy(dst_hbm.at[pl.ds(base, CHUNK)], didx)
        pltpu.sync_copy(ones_v, acc.at[didx], add=True)

    def body(j, carry):
        trip(w + j * NW)
        return carry

    lax.fori_loop(0, FULL_TRIPS, body, 0)

    @pl.when(w < REM)
    def _():
        trip(FULL_TRIPS * NW + w)

    plsc.subcore_barrier()
    orow = pl.multiple_of(c * NPA + s * RPW, 8)
    pltpu.sync_copy(acc.at[pl.ds(arow, RPW)], out_hbm.at[pl.ds(orow, RPW)])


@functools.partial(
    pl.kernel,
    out_type=jax.ShapeDtypeStruct((NC * NPA, H), jnp.float32),
    mesh=_MESH,
    scratch_types=(
        [pltpu.VMEM((CHUNK,), jnp.int32) for _ in range(NIB)]
        + [pltpu.VMEM((CHUNK,), jnp.int32) for _ in range(NIB)]
        + [pltpu.VMEM((CHUNK, H), jnp.float32) for _ in range(NRB)]
        + [pltpu.VMEM_SHARED((NPA, H), jnp.float32)]
        + [pltpu.SemaphoreType.DMA for _ in range(NIB + NRB)]
    ),
)
def _spmm_kernel(src_hbm, dst_hbm, g_hbm, zeros_hbm, out_hbm, *bufs):
    sib = bufs[0:NIB]
    dib = bufs[NIB:2 * NIB]
    rows = bufs[2 * NIB:2 * NIB + NRB]
    acc = bufs[2 * NIB + NRB]
    isem = bufs[2 * NIB + NRB + 1:2 * NIB + NRB + 1 + NIB]
    gsem = bufs[2 * NIB + NRB + 1 + NIB:]
    c = lax.axis_index("c")
    s = lax.axis_index("s")
    w = s * NC + c
    arow = pl.multiple_of(s * RPW, 8)
    pltpu.sync_copy(zeros_hbm, acc.at[pl.ds(arow, RPW)])
    plsc.subcore_barrier()

    def stage_idx(bi, cidx):
        base = pl.multiple_of((w + cidx * NW) * CHUNK, 8)
        pltpu.async_copy(src_hbm.at[pl.ds(base, CHUNK)], sib[bi], isem[bi])
        pltpu.async_copy(dst_hbm.at[pl.ds(base, CHUNK)], dib[bi], isem[bi])

    def wait_idx(bi):
        pltpu.make_async_copy(src_hbm.at[pl.ds(0, CHUNK)], sib[bi],
                              isem[bi]).wait()
        pltpu.make_async_copy(dst_hbm.at[pl.ds(0, CHUNK)], dib[bi],
                              isem[bi]).wait()

    def start_gather(bi, br):
        pltpu.async_copy(g_hbm.at[sib[bi]], rows[br], gsem[br])

    def wait_gather(bi, br):
        pltpu.make_async_copy(g_hbm.at[sib[bi]], rows[br], gsem[br]).wait()

    for bi in range(NIB):
        stage_idx(bi, bi)
    for bi in range(2):
        wait_idx(bi)
        start_gather(bi, bi)

    def group(t, carry):
        for b in range(NIB):
            cidx = t * NIB + b
            br = b % NRB
            wait_gather(b, br)
            pltpu.sync_copy(rows[br], acc.at[dib[b]], add=True)

            @pl.when(cidx + NIB < FULL_TRIPS)
            def _():
                stage_idx(b, cidx + NIB)

            @pl.when(cidx + 2 < FULL_TRIPS)
            def _():
                bi2 = (b + 2) % NIB
                wait_idx(bi2)
                start_gather(bi2, br)
        return carry

    lax.fori_loop(0, FULL_TRIPS // NIB, group, 0)

    for b in range(FULL_TRIPS % NIB):
        wait_gather(b, b % NRB)
        pltpu.sync_copy(rows[b % NRB], acc.at[dib[b]], add=True)

    @pl.when(w < REM)
    def _():
        base = pl.multiple_of((FULL_TRIPS * NW + w) * CHUNK, 8)
        pltpu.sync_copy(src_hbm.at[pl.ds(base, CHUNK)], sib[0])
        pltpu.sync_copy(dst_hbm.at[pl.ds(base, CHUNK)], dib[0])
        pltpu.async_copy(g_hbm.at[sib[0]], rows[0], gsem[0]).wait()
        pltpu.sync_copy(rows[0], acc.at[dib[0]], add=True)

    plsc.subcore_barrier()
    orow = pl.multiple_of(c * NPA + s * RPW, 8)
    pltpu.sync_copy(acc.at[pl.ds(arow, RPW)], out_hbm.at[pl.ds(orow, RPW)])


ROWS_BLK = 2000
NBLK = N // ROWS_BLK


def _tca_body(degp0, degp1, x, W1, dis_ref, g1_ref):
    deg = degp0[:, 0:1] + degp1[:, 0:1] + 1.0
    dis = lax.rsqrt(deg)
    dis_ref[...] = dis
    g1_ref[...] = jnp.dot(x[...], W1[...],
                          preferred_element_type=jnp.float32) * dis


def _tca(degp0, degp1, x, W1):
    return pl.pallas_call(
        _tca_body,
        grid=(NBLK,),
        in_specs=[
            pl.BlockSpec((ROWS_BLK, H), lambda i: (i, 0)),
            pl.BlockSpec((ROWS_BLK, H), lambda i: (i, 0)),
            pl.BlockSpec((ROWS_BLK, H), lambda i: (i, 0)),
            pl.BlockSpec((H, H), lambda i: (0, 0)),
        ],
        out_specs=[
            pl.BlockSpec((ROWS_BLK, 1), lambda i: (i, 0)),
            pl.BlockSpec((ROWS_BLK, H), lambda i: (i, 0)),
        ],
        out_shape=[
            jax.ShapeDtypeStruct((N, 1), jnp.float32),
            jax.ShapeDtypeStruct((N, H), jnp.float32),
        ],
    )(degp0, degp1, x, W1)


def _tcb_body(sp0, sp1, g, dis, b, W, gn_ref):
    a = jnp.maximum(dis[...] * (sp0[...] + sp1[...] + g[...]) + b[...], 0.0)
    gn_ref[...] = dis[...] * jnp.dot(a, W[...],
                                     preferred_element_type=jnp.float32)


def _tcb(sp0, sp1, g, dis, b, W):
    return pl.pallas_call(
        _tcb_body,
        grid=(NBLK,),
        in_specs=[
            pl.BlockSpec((ROWS_BLK, H), lambda i: (i, 0)),
            pl.BlockSpec((ROWS_BLK, H), lambda i: (i, 0)),
            pl.BlockSpec((ROWS_BLK, H), lambda i: (i, 0)),
            pl.BlockSpec((ROWS_BLK, 1), lambda i: (i, 0)),
            pl.BlockSpec((1, H), lambda i: (0, 0)),
            pl.BlockSpec((H, H), lambda i: (0, 0)),
        ],
        out_specs=pl.BlockSpec((ROWS_BLK, H), lambda i: (i, 0)),
        out_shape=jax.ShapeDtypeStruct((N, H), jnp.float32),
    )(sp0, sp1, g, dis, b, W)


def _tcc_body(sp0, sp1, g, dis, b, batchb, Wl, bl, out_ref, sums, counts):
    i = pl.program_id(0)

    @pl.when(i == 0)
    def _():
        sums[...] = jnp.zeros_like(sums)
        counts[...] = jnp.zeros_like(counts)

    a = dis[...] * (sp0[...] + sp1[...] + g[...]) + b[...]
    gid = lax.broadcasted_iota(jnp.int32, (ROWS_BLK, G), 1)
    m = (batchb[...] == gid).astype(jnp.float32)
    sums[...] += lax.dot_general(m, a, (((0,), (0,)), ((), ())),
                                 preferred_element_type=jnp.float32)
    counts[...] += lax.dot_general(
        m, jnp.ones((ROWS_BLK, H), jnp.float32), (((0,), (0,)), ((), ())),
        preferred_element_type=jnp.float32)

    @pl.when(i == NBLK - 1)
    def _():
        pooled = sums[...] / jnp.maximum(counts[...], 1.0)
        logits = jnp.dot(pooled, Wl[...],
                         preferred_element_type=jnp.float32) + bl[...]
        z = logits - jnp.max(logits, axis=-1, keepdims=True)
        e = jnp.exp(z)
        out_ref[...] = e / jnp.sum(e, axis=-1, keepdims=True)


def _tcc(sp0, sp1, g, dis, b, batch2d, Wl, bl):
    return pl.pallas_call(
        _tcc_body,
        grid=(NBLK,),
        in_specs=[
            pl.BlockSpec((ROWS_BLK, H), lambda i: (i, 0)),
            pl.BlockSpec((ROWS_BLK, H), lambda i: (i, 0)),
            pl.BlockSpec((ROWS_BLK, H), lambda i: (i, 0)),
            pl.BlockSpec((ROWS_BLK, 1), lambda i: (i, 0)),
            pl.BlockSpec((1, H), lambda i: (0, 0)),
            pl.BlockSpec((ROWS_BLK, 1), lambda i: (i, 0)),
            pl.BlockSpec((H, C), lambda i: (0, 0)),
            pl.BlockSpec((1, C), lambda i: (0, 0)),
        ],
        out_specs=pl.BlockSpec((G, C), lambda i: (0, 0)),
        out_shape=jax.ShapeDtypeStruct((G, C), jnp.float32),
        scratch_shapes=[
            pltpu.VMEM((G, H), jnp.float32),
            pltpu.VMEM((G, H), jnp.float32),
        ],
    )(sp0, sp1, g, dis, b, batch2d, Wl, bl)


def kernel(x, edge_index, batch, W1, b1, W2, b2, W3, b3, Wl, bl):
    src1d = edge_index[0]
    dst1d = edge_index[1]
    batch2d = batch.reshape(N, 1)
    zeros_spmm = jnp.zeros((RPW, H), jnp.float32)
    ones_rows = jnp.ones((CHUNK, H), jnp.float32)
    b1r, b2r, b3r = b1.reshape(1, H), b2.reshape(1, H), b3.reshape(1, H)
    blr = bl.reshape(1, C)

    degp = _deg_kernel(dst1d, ones_rows, zeros_spmm)
    dis, g1 = _tca(degp[:N], degp[NPA:NPA + N], x, W1)
    s1 = _spmm_kernel(src1d, dst1d, g1, zeros_spmm)
    g2 = _tcb(s1[:N], s1[NPA:NPA + N], g1, dis, b1r, W2)
    s2 = _spmm_kernel(src1d, dst1d, g2, zeros_spmm)
    g3 = _tcb(s2[:N], s2[NPA:NPA + N], g2, dis, b2r, W3)
    s3 = _spmm_kernel(src1d, dst1d, g3, zeros_spmm)
    return _tcc(s3[:N], s3[NPA:NPA + N], g3, dis, b3r, batch2d, Wl, blr)

# --- scband reference (transcript-rebuilt; emitter-appended) ---
"""Pipeline reference for scband-gcn-44564580663786 (READ-ONLY COPY).

The authoritative reference and input builder live on the scoring server;
editing this copy changes nothing except your own understanding.
"""

import jax, jax.numpy as jnp
import numpy as np

N = 10000       # num nodes
E = 320000      # num edges
D_IN = 128      # dataset.num_node_features
H = 128         # hidden_channels
C = 10          # dataset.num_classes
G = 64          # number of graphs in the batch


def setup_inputs(seed: int = 0):
    key = jax.random.key(seed)
    ks = jax.random.split(key, 12)
    x = jax.random.normal(ks[0], (N, D_IN), dtype=jnp.float32)
    edge_index = jax.random.randint(ks[1], (2, E), 0, N)
    batch = jnp.sort(jax.random.randint(ks[2], (N,), 0, G))
    s1 = 1.0 / np.sqrt(D_IN)
    s2 = 1.0 / np.sqrt(H)
    W1 = jax.random.normal(ks[3], (D_IN, H), dtype=jnp.float32) * s1
    b1 = jnp.zeros((H,), dtype=jnp.float32)
    W2 = jax.random.normal(ks[4], (H, H), dtype=jnp.float32) * s2
    b2 = jnp.zeros((H,), dtype=jnp.float32)
    W3 = jax.random.normal(ks[5], (H, H), dtype=jnp.float32) * s2
    b3 = jnp.zeros((H,), dtype=jnp.float32)
    Wl = jax.random.normal(ks[6], (H, C), dtype=jnp.float32) * s2
    bl = jnp.zeros((C,), dtype=jnp.float32)
    return {"x": x, "edge_index": edge_index, "batch": batch,
            "W1": W1, "b1": b1, "W2": W2, "b2": b2,
            "W3": W3, "b3": b3, "Wl": Wl, "bl": bl}


def gcn_conv(x, edge_index, W, b):
    # PyG GCNConv: add self-loops, symmetric normalization D^-1/2 (A+I) D^-1/2 X W + b
    num_nodes = x.shape[0]
    loop = jnp.arange(num_nodes, dtype=edge_index.dtype)
    src = jnp.concatenate([edge_index[0], loop])
    dst = jnp.concatenate([edge_index[1], loop])
    deg = jnp.zeros((num_nodes,), dtype=x.dtype).at[dst].add(1.0)
    deg_inv_sqrt = jnp.where(deg > 0, deg ** -0.5, 0.0)
    norm = deg_inv_sqrt[src] * deg_inv_sqrt[dst]
    h = x @ W
    msg = h[src] * norm[:, None]
    out = jnp.zeros((num_nodes, h.shape[1]), dtype=h.dtype).at[dst].add(msg)
    return out + b


def global_mean_pool(x, batch, num_graphs):
    sums = jax.ops.segment_sum(x, batch, num_segments=num_graphs)
    counts = jax.ops.segment_sum(jnp.ones((x.shape[0], 1), dtype=x.dtype), batch, num_segments=num_graphs)
    return sums / jnp.maximum(counts, 1.0)


def reference(x, edge_index, batch, W1, b1, W2, b2, W3, b3, Wl, bl):
    h = jax.nn.relu(gcn_conv(x, edge_index, W1, b1))
    h = jax.nn.relu(gcn_conv(h, edge_index, W2, b2))
    h = gcn_conv(h, edge_index, W3, b3)
    pooled = global_mean_pool(h, batch, G)
    # dropout p=0.5 is identity in eval mode
    logits = pooled @ Wl + bl
    return jax.nn.softmax(logits, axis=-1)

if __name__ == "__main__":
    import jax
    _d = setup_inputs()
    print(jax.jit(kernel)(*tuple(_d.values())))

</pallas_src>

<mosaic_0001>
#map = affine_map<(d0, d1) -> (0)>
#map1 = affine_map<(d0, d1) -> (0, 0)>
module attributes {stable_mosaic.version = 14 : i64} {
  func.func @_deg_kernel(%arg0: i32, %arg1: i32, %arg2: memref<320000xi32, #tpu.memory_space<hbm>>, %arg3: memref<128x128xf32, #tpu.memory_space<hbm>>, %arg4: memref<632x128xf32, #tpu.memory_space<hbm>>, %arg5: memref<20224x128xf32, #tpu.memory_space<hbm>>, %arg6: memref<128xi32, #tpu.memory_space<vmem>>, %arg7: memref<128x128xf32, #tpu.memory_space<vmem>>, %arg8: memref<10112x128xf32, #tpu.memory_space<vmem_shared>>) attributes {dimension_semantics = [#tpu.dimension_semantics<core_parallel>, #tpu.dimension_semantics<subcore_parallel>], iteration_bounds = array<i64: 2, 16>, scalar_prefetch = 0 : i64, scratch_operands = 3 : i64, tpu.core_type = #tpu.core_type<sc_vector_subcore>, window_params = [{transform_indices = #map}, {transform_indices = #map1}, {transform_indices = #map1}, {transform_indices = #map1}]} {
    %mul3A = arith.constant 2 : i32
    %mul3A_0 = arith.muli %arg1, %mul3A : i32
    %add3A = arith.addi %mul3A_0, %arg0 : i32
    "tpu.region"() ({
      %run_scoped3A = tpu.sem_alloc : memref<!tpu.dma_semaphore, #tpu.memory_space<semaphore_mem>>
      tpu.enqueue_dma source(%arg3 : memref<128x128xf32, #tpu.memory_space<hbm>>) target(%arg7 : memref<128x128xf32, #tpu.memory_space<vmem>>) target_semaphore(%run_scoped3A : memref<!tpu.dma_semaphore, #tpu.memory_space<semaphore_mem>>)
      tpu.wait_dma2 semaphore(%run_scoped3A : memref<!tpu.dma_semaphore, #tpu.memory_space<semaphore_mem>>) src(%arg3 : memref<128x128xf32, #tpu.memory_space<hbm>>) dst(%arg7 : memref<128x128xf32, #tpu.memory_space<vmem>>)
      tpu.yield
    }) : () -> ()
    %mul3A_1 = arith.constant 632 : i32
    %mul3A_2 = arith.muli %arg1, %mul3A_1 : i32
    %multiple_of3A = tpu.assume_multiple %mul3A_2, 8 : i32
    "tpu.region"() ({
      %run_scoped3A = tpu.sem_alloc : memref<!tpu.dma_semaphore, #tpu.memory_space<semaphore_mem>>
      %dma_start3A = arith.constant 0 : i32
      %dma_start3A_17 = tpu.memref_slice %arg8[%multiple_of3A, %dma_start3A] : memref<10112x128xf32, #tpu.memory_space<vmem_shared>> -> memref<632x128xf32, #tpu.memory_space<vmem_shared>>
      tpu.enqueue_dma source(%arg4 : memref<632x128xf32, #tpu.memory_space<hbm>>) target(%dma_start3A_17 : memref<632x128xf32, #tpu.memory_space<vmem_shared>>) target_semaphore(%run_scoped3A : memref<!tpu.dma_semaphore, #tpu.memory_space<semaphore_mem>>)
      %dma_wait3A = arith.constant 0 : i32
      %dma_wait3A_18 = tpu.memref_slice %arg8[%multiple_of3A, %dma_wait3A] : memref<10112x128xf32, #tpu.memory_space<vmem_shared>> -> memref<632x128xf32, #tpu.memory_space<vmem_shared>>
      tpu.wait_dma2 semaphore(%run_scoped3A : memref<!tpu.dma_semaphore, #tpu.memory_space<semaphore_mem>>) src(%arg4 : memref<632x128xf32, #tpu.memory_space<hbm>>) dst(%dma_wait3A_18 : memref<632x128xf32, #tpu.memory_space<vmem_shared>>)
      tpu.yield
    }) : () -> ()
    %barrier3A = arith.constant 0 : index
    tpu.barrier barrier_id(%barrier3A)
    %scan3A = arith.constant 0 : i32
    %scan3A_3 = arith.constant 0 : i32
    %scan3A_4 = arith.constant 78 : i32
    %scan3A_5 = arith.addi %scan3A_3, %scan3A_4 : i32
    %scan3A_6 = arith.constant 1 : i32
    scf.for %scan3A_17 = %scan3A_3 to %scan3A_5 step %scan3A_6  : i32 {
      %mul3A_18 = arith.constant 32 : i32
      %mul3A_19 = arith.muli %scan3A_17, %mul3A_18 : i32
      %add3A_20 = arith.addi %add3A, %mul3A_19 : i32
      %mul3A_21 = arith.constant 128 : i32
      %mul3A_22 = arith.muli %add3A_20, %mul3A_21 : i32
      %multiple_of3A_23 = tpu.assume_multiple %mul3A_22, 8 : i32
      "tpu.region"() ({
        %run_scoped3A = tpu.sem_alloc : memref<!tpu.dma_semaphore, #tpu.memory_space<semaphore_mem>>
        %dma_start3A = tpu.memref_slice %arg2[%multiple_of3A_23] : memref<320000xi32, #tpu.memory_space<hbm>> -> memref<128xi32, #tpu.memory_space<hbm>>
        %dma_start3A_24 = tpu.memref_slice %arg2[%multiple_of3A_23] : memref<320000xi32, #tpu.memory_space<hbm>> -> memref<128xi32, #tpu.memory_space<hbm>>
        tpu.enqueue_dma source(%dma_start3A_24 : memref<128xi32, #tpu.memory_space<hbm>>) target(%arg6 : memref<128xi32, #tpu.memory_space<vmem>>) target_semaphore(%run_scoped3A : memref<!tpu.dma_semaphore, #tpu.memory_space<semaphore_mem>>)
        %dma_wait3A = tpu.memref_slice %arg2[%multiple_of3A_23] : memref<320000xi32, #tpu.memory_space<hbm>> -> memref<128xi32, #tpu.memory_space<hbm>>
        %dma_wait3A_25 = tpu.memref_slice %arg2[%multiple_of3A_23] : memref<320000xi32, #tpu.memory_space<hbm>> -> memref<128xi32, #tpu.memory_space<hbm>>
        tpu.wait_dma2 semaphore(%run_scoped3A : memref<!tpu.dma_semaphore, #tpu.memory_space<semaphore_mem>>) src(%dma_wait3A_25 : memref<128xi32, #tpu.memory_space<hbm>>) dst(%arg6 : memref<128xi32, #tpu.memory_space<vmem>>)
        tpu.yield
      }) : () -> ()
      "tpu.region"() ({
        %run_scoped3A = tpu.sem_alloc : memref<!tpu.dma_semaphore, #tpu.memory_space<semaphore_mem>>
        %dma_start3A = arith.constant 0 : i32
        %dma_start3A_24 = arith.constant 0 : i32
        %dma_start3A_25 = tpu.memref_slice %arg8[%dma_start3A, %dma_start3A_24] : memref<10112x128xf32, #tpu.memory_space<vmem_shared>> -> memref<10112x128xf32, #tpu.memory_space<vmem_shared>>
        tpu.enqueue_indirect_dma source(%arg7 : memref<128x128xf32, #tpu.memory_space<vmem>>) target(%dma_start3A_25 : memref<10112x128xf32, #tpu.memory_space<vmem_shared>>) offsets(%arg6 : memref<128xi32, #tpu.memory_space<vmem>>) semaphore(%run_scoped3A : memref<!tpu.dma_semaphore, #tpu.memory_space<semaphore_mem>>) {add = true}
        %dma_wait3A = arith.constant 0 : i32
        %dma_wait3A_26 = arith.constant 0 : i32
        %dma_wait3A_27 = tpu.memref_slice %arg8[%dma_wait3A, %dma_wait3A_26] : memref<10112x128xf32, #tpu.memory_space<vmem_shared>> -> memref<10112x128xf32, #tpu.memory_space<vmem_shared>>
        tpu.wait_indirect_dma semaphore(%run_scoped3A : memref<!tpu.dma_semaphore, #tpu.memory_space<semaphore_mem>>) src(%arg7 : memref<128x128xf32, #tpu.memory_space<vmem>>) dst(%dma_wait3A_27 : memref<10112x128xf32, #tpu.memory_space<vmem_shared>>)
        tpu.yield
      }) : () -> ()
    }
    %scan3A_7 = arith.constant 78 : i32
    %lt3A = arith.constant 4 : i32
    %lt3A_8 = arith.cmpi slt, %add3A, %lt3A : i32
    %convert_element_type3A = arith.extui %lt3A_8 : i1 to i32
    %cond3A = arith.constant 0 : i32
    %cond3A_9 = arith.cmpi ne, %convert_element_type3A, %cond3A : i32
    scf.if %cond3A_9 {
      %add3A_17 = arith.constant 2496 : i32
      %add3A_18 = arith.addi %add3A_17, %add3A : i32
      %mul3A_19 = arith.constant 128 : i32
      %mul3A_20 = arith.muli %add3A_18, %mul3A_19 : i32
      %multiple_of3A_21 = tpu.assume_multiple %mul3A_20, 8 : i32
      "tpu.region"() ({
        %run_scoped3A = tpu.sem_alloc : memref<!tpu.dma_semaphore, #tpu.memory_space<semaphore_mem>>
        %dma_start3A = tpu.memref_slice %arg2[%multiple_of3A_21] : memref<320000xi32, #tpu.memory_space<hbm>> -> memref<128xi32, #tpu.memory_space<hbm>>
        %dma_start3A_22 = tpu.memref_slice %arg2[%multiple_of3A_21] : memref<320000xi32, #tpu.memory_space<hbm>> -> memref<128xi32, #tpu.memory_space<hbm>>
        tpu.enqueue_dma source(%dma_start3A_22 : memref<128xi32, #tpu.memory_space<hbm>>) target(%arg6 : memref<128xi32, #tpu.memory_space<vmem>>) target_semaphore(%run_scoped3A : memref<!tpu.dma_semaphore, #tpu.memory_space<semaphore_mem>>)
        %dma_wait3A = tpu.memref_slice %arg2[%multiple_of3A_21] : memref<320000xi32, #tpu.memory_space<hbm>> -> memref<128xi32, #tpu.memory_space<hbm>>
        %dma_wait3A_23 = tpu.memref_slice %arg2[%multiple_of3A_21] : memref<320000xi32, #tpu.memory_space<hbm>> -> memref<128xi32, #tpu.memory_space<hbm>>
        tpu.wait_dma2 semaphore(%run_scoped3A : memref<!tpu.dma_semaphore, #tpu.memory_space<semaphore_mem>>) src(%dma_wait3A_23 : memref<128xi32, #tpu.memory_space<hbm>>) dst(%arg6 : memref<128xi32, #tpu.memory_space<vmem>>)
        tpu.yield
      }) : () -> ()
      "tpu.region"() ({
        %run_scoped3A = tpu.sem_alloc : memref<!tpu.dma_semaphore, #tpu.memory_space<semaphore_mem>>
        %dma_start3A = arith.constant 0 : i32
        %dma_start3A_22 = arith.constant 0 : i32
        %dma_start3A_23 = tpu.memref_slice %arg8[%dma_start3A, %dma_start3A_22] : memref<10112x128xf32, #tpu.memory_space<vmem_shared>> -> memref<10112x128xf32, #tpu.memory_space<vmem_shared>>
        tpu.enqueue_indirect_dma source(%arg7 : memref<128x128xf32, #tpu.memory_space<vmem>>) target(%dma_start3A_23 : memref<10112x128xf32, #tpu.memory_space<vmem_shared>>) offsets(%arg6 : memref<128xi32, #tpu.memory_space<vmem>>) semaphore(%run_scoped3A : memref<!tpu.dma_semaphore, #tpu.memory_space<semaphore_mem>>) {add = true}
        %dma_wait3A = arith.constant 0 : i32
        %dma_wait3A_24 = arith.constant 0 : i32
        %dma_wait3A_25 = tpu.memref_slice %arg8[%dma_wait3A, %dma_wait3A_24] : memref<10112x128xf32, #tpu.memory_space<vmem_shared>> -> memref<10112x128xf32, #tpu.memory_space<vmem_shared>>
        tpu.wait_indirect_dma semaphore(%run_scoped3A : memref<!tpu.dma_semaphore, #tpu.memory_space<semaphore_mem>>) src(%arg7 : memref<128x128xf32, #tpu.memory_space<vmem>>) dst(%dma_wait3A_25 : memref<10112x128xf32, #tpu.memory_space<vmem_shared>>)
        tpu.yield
      }) : () -> ()
    } else {
    }
    %barrier3A_10 = arith.constant 0 : index
    tpu.barrier barrier_id(%barrier3A_10)
    %mul3A_11 = arith.constant 10112 : i32
    %mul3A_12 = arith.muli %arg0, %mul3A_11 : i32
    %mul3A_13 = arith.constant 632 : i32
    %mul3A_14 = arith.muli %arg1, %mul3A_13 : i32
    %add3A_15 = arith.addi %mul3A_12, %mul3A_14 : i32
    %multiple_of3A_16 = tpu.assume_multiple %add3A_15, 8 : i32
    "tpu.region"() ({
      %run_scoped3A = tpu.sem_alloc : memref<!tpu.dma_semaphore, #tpu.memory_space<semaphore_mem>>
      %dma_start3A = arith.constant 0 : i32
      %dma_start3A_17 = tpu.memref_slice %arg5[%multiple_of3A_16, %dma_start3A] : memref<20224x128xf32, #tpu.memory_space<hbm>> -> memref<632x128xf32, #tpu.memory_space<hbm>>
      %dma_start3A_18 = arith.constant 0 : i32
      %dma_start3A_19 = tpu.memref_slice %arg8[%multiple_of3A, %dma_start3A_18] : memref<10112x128xf32, #tpu.memory_space<vmem_shared>> -> memref<632x128xf32, #tpu.memory_space<vmem_shared>>
      tpu.enqueue_dma source(%dma_start3A_19 : memref<632x128xf32, #tpu.memory_space<vmem_shared>>) target(%dma_start3A_17 : memref<632x128xf32, #tpu.memory_space<hbm>>) target_semaphore(%run_scoped3A : memref<!tpu.dma_semaphore, #tpu.memory_space<semaphore_mem>>)
      %dma_wait3A = arith.constant 0 : i32
      %dma_wait3A_20 = tpu.memref_slice %arg5[%multiple_of3A_16, %dma_wait3A] : memref<20224x128xf32, #tpu.memory_space<hbm>> -> memref<632x128xf32, #tpu.memory_space<hbm>>
      %dma_wait3A_21 = arith.constant 0 : i32
      %dma_wait3A_22 = tpu.memref_slice %arg8[%multiple_of3A, %dma_wait3A_21] : memref<10112x128xf32, #tpu.memory_space<vmem_shared>> -> memref<632x128xf32, #tpu.memory_space<vmem_shared>>
      tpu.wait_dma2 semaphore(%run_scoped3A : memref<!tpu.dma_semaphore, #tpu.memory_space<semaphore_mem>>) src(%dma_wait3A_22 : memref<632x128xf32, #tpu.memory_space<vmem_shared>>) dst(%dma_wait3A_20 : memref<632x128xf32, #tpu.memory_space<hbm>>)
      tpu.yield
    }) : () -> ()
    return
  }
}

#map = affine_map<(d0, d1) -> (0)>
#map1 = affine_map<(d0, d1) -> (0, 0)>
module attributes {stable_mosaic.version = 14 : i64} {
  func.func @_spmm_kernel(%arg0: i32, %arg1: i32, %arg2: memref<320000xi32, #tpu.memory_space<hbm>>, %arg3: memref<320000xi32, #tpu.memory_space<hbm>>, %arg4: memref<10000x128xf32, #tpu.memory_space<hbm>>, %arg5: memref<632x128xf32, #tpu.memory_space<hbm>>, %arg6: memref<20224x128xf32, #tpu.memory_space<hbm>>, %arg7: memref<128xi32, #tpu.memory_space<vmem>>, %arg8: memref<128xi32, #tpu.memory_space<vmem>>, %arg9: memref<128xi32, #tpu.memory_space<vmem>>, %arg10: memref<128xi32, #tpu.memory_space<vmem>>, %arg11: memref<128xi32, #tpu.memory_space<vmem>>, %arg12: memref<128xi32, #tpu.memory_space<vmem>>, %arg13: memref<128xi32, #tpu.memory_space<vmem>>, %arg14: memref<128xi32, #tpu.memory_space<vmem>>, %arg15: memref<128x128xf32, #tpu.memory_space<vmem>>, %arg16: memref<128x128xf32, #tpu.memory_space<vmem>>, %arg17: memref<10112x128xf32, #tpu.memory_space<vmem_shared>>, %arg18: memref<!tpu.dma_semaphore, #tpu.memory_space<semaphore_mem>>, %arg19: memref<!tpu.dma_semaphore, #tpu.memory_space<semaphore_mem>>, %arg20: memref<!tpu.dma_semaphore, #tpu.memory_space<semaphore_mem>>, %arg21: memref<!tpu.dma_semaphore, #tpu.memory_space<semaphore_mem>>, %arg22: memref<!tpu.dma_semaphore, #tpu.memory_space<semaphore_mem>>, %arg23: memref<!tpu.dma_semaphore, #tpu.memory_space<semaphore_mem>>) attributes {dimension_semantics = [#tpu.dimension_semantics<core_parallel>, #tpu.dimension_semantics<subcore_parallel>], iteration_bounds = array<i64: 2, 16>, scalar_prefetch = 0 : i64, scratch_operands = 17 : i64, tpu.core_type = #tpu.core_type<sc_vector_subcore>, window_params = [{transform_indices = #map}, {transform_indices = #map}, {transform_indices = #map1}, {transform_indices = #map1}, {transform_indices = #map1}]} {
    %mul3A = arith.constant 2 : i32
    %mul3A_0 = arith.muli %arg1, %mul3A : i32
    %add3A = arith.addi %mul3A_0, %arg0 : i32
    %mul3A_1 = arith.constant 632 : i32
    %mul3A_2 = arith.muli %arg1, %mul3A_1 : i32
    %multiple_of3A = tpu.assume_multiple %mul3A_2, 8 : i32
    "tpu.region"() ({
      %run_scoped3A = tpu.sem_alloc : memref<!tpu.dma_semaphore, #tpu.memory_space<semaphore_mem>>
      %dma_start3A_79 = arith.constant 0 : i32
      %dma_start3A_80 = tpu.memref_slice %arg17[%multiple_of3A, %dma_start3A_79] : memref<10112x128xf32, #tpu.memory_space<vmem_shared>> -> memref<632x128xf32, #tpu.memory_space<vmem_shared>>
      tpu.enqueue_dma source(%arg5 : memref<632x128xf32, #tpu.memory_space<hbm>>) target(%dma_start3A_80 : memref<632x128xf32, #tpu.memory_space<vmem_shared>>) target_semaphore(%run_scoped3A : memref<!tpu.dma_semaphore, #tpu.memory_space<semaphore_mem>>)
      %dma_wait3A_81 = arith.constant 0 : i32
      %dma_wait3A_82 = tpu.memref_slice %arg17[%multiple_of3A, %dma_wait3A_81] : memref<10112x128xf32, #tpu.memory_space<vmem_shared>> -> memref<632x128xf32, #tpu.memory_space<vmem_shared>>
      tpu.wait_dma2 semaphore(%run_scoped3A : memref<!tpu.dma_semaphore, #tpu.memory_space<semaphore_mem>>) src(%arg5 : memref<632x128xf32, #tpu.memory_space<hbm>>) dst(%dma_wait3A_82 : memref<632x128xf32, #tpu.memory_space<vmem_shared>>)
      tpu.yield
    }) : () -> ()
    %barrier3A = arith.constant 0 : index
    tpu.barrier barrier_id(%barrier3A)
    %add3A_3 = arith.constant 0 : i32
    %add3A_4 = arith.addi %add3A, %add3A_3 : i32
    %mul3A_5 = arith.constant 128 : i32
    %mul3A_6 = arith.muli %add3A_4, %mul3A_5 : i32
    %multiple_of3A_7 = tpu.assume_multiple %mul3A_6, 8 : i32
    %dma_start3A = tpu.memref_slice %arg2[%multiple_of3A_7] : memref<320000xi32, #tpu.memory_space<hbm>> -> memref<128xi32, #tpu.memory_space<hbm>>
    %dma_start3A_8 = tpu.memref_slice %arg2[%multiple_of3A_7] : memref<320000xi32, #tpu.memory_space<hbm>> -> memref<128xi32, #tpu.memory_space<hbm>>
    tpu.enqueue_dma source(%dma_start3A_8 : memref<128xi32, #tpu.memory_space<hbm>>) target(%arg7 : memref<128xi32, #tpu.memory_space<vmem>>) target_semaphore(%arg18 : memref<!tpu.dma_semaphore, #tpu.memory_space<semaphore_mem>>)
    %dma_start3A_9 = tpu.memref_slice %arg3[%multiple_of3A_7] : memref<320000xi32, #tpu.memory_space<hbm>> -> memref<128xi32, #tpu.memory_space<hbm>>
    %dma_start3A_10 = tpu.memref_slice %arg3[%multiple_of3A_7] : memref<320000xi32, #tpu.memory_space<hbm>> -> memref<128xi32, #tpu.memory_space<hbm>>
    tpu.enqueue_dma source(%dma_start3A_10 : memref<128xi32, #tpu.memory_space<hbm>>) target(%arg11 : memref<128xi32, #tpu.memory_space<vmem>>) target_semaphore(%arg18 : memref<!tpu.dma_semaphore, #tpu.memory_space<semaphore_mem>>)
    %add3A_11 = arith.constant 32 : i32
    %add3A_12 = arith.addi %add3A, %add3A_11 : i32
    %mul3A_13 = arith.constant 128 : i32
    %mul3A_14 = arith.muli %add3A_12, %mul3A_13 : i32
    %multiple_of3A_15 = tpu.assume_multiple %mul3A_14, 8 : i32
    %dma_start3A_16 = tpu.memref_slice %arg2[%multiple_of3A_15] : memref<320000xi32, #tpu.memory_space<hbm>> -> memref<128xi32, #tpu.memory_space<hbm>>
    %dma_start3A_17 = tpu.memref_slice %arg2[%multiple_of3A_15] : memref<320000xi32, #tpu.memory_space<hbm>> -> memref<128xi32, #tpu.memory_space<hbm>>
    tpu.enqueue_dma source(%dma_start3A_17 : memref<128xi32, #tpu.memory_space<hbm>>) target(%arg8 : memref<128xi32, #tpu.memory_space<vmem>>) target_semaphore(%arg19 : memref<!tpu.dma_semaphore, #tpu.memory_space<semaphore_mem>>)
    %dma_start3A_18 = tpu.memref_slice %arg3[%multiple_of3A_15] : memref<320000xi32, #tpu.memory_space<hbm>> -> memref<128xi32, #tpu.memory_space<hbm>>
    %dma_start3A_19 = tpu.memref_slice %arg3[%multiple_of3A_15] : memref<320000xi32, #tpu.memory_space<hbm>> -> memref<128xi32, #tpu.memory_space<hbm>>
    tpu.enqueue_dma source(%dma_start3A_19 : memref<128xi32, #tpu.memory_space<hbm>>) target(%arg12 : memref<128xi32, #tpu.memory_space<vmem>>) target_semaphore(%arg19 : memref<!tpu.dma_semaphore, #tpu.memory_space<semaphore_mem>>)
    %add3A_20 = arith.constant 64 : i32
    %add3A_21 = arith.addi %add3A, %add3A_20 : i32
    %mul3A_22 = arith.constant 128 : i32
    %mul3A_23 = arith.muli %add3A_21, %mul3A_22 : i32
    %multiple_of3A_24 = tpu.assume_multiple %mul3A_23, 8 : i32
    %dma_start3A_25 = tpu.memref_slice %arg2[%multiple_of3A_24] : memref<320000xi32, #tpu.memory_space<hbm>> -> memref<128xi32, #tpu.memory_space<hbm>>
    %dma_start3A_26 = tpu.memref_slice %arg2[%multiple_of3A_24] : memref<320000xi32, #tpu.memory_space<hbm>> -> memref<128xi32, #tpu.memory_space<hbm>>
    tpu.enqueue_dma source(%dma_start3A_26 : memref<128xi32, #tpu.memory_space<hbm>>) target(%arg9 : memref<128xi32, #tpu.memory_space<vmem>>) target_semaphore(%arg20 : memref<!tpu.dma_semaphore, #tpu.memory_space<semaphore_mem>>)
    %dma_start3A_27 = tpu.memref_slice %arg3[%multiple_of3A_24] : memref<320000xi32, #tpu.memory_space<hbm>> -> memref<128xi32, #tpu.memory_space<hbm>>
    %dma_start3A_28 = tpu.memref_slice %arg3[%multiple_of3A_24] : memref<320000xi32, #tpu.memory_space<hbm>> -> memref<128xi32, #tpu.memory_space<hbm>>
    tpu.enqueue_dma source(%dma_start3A_28 : memref<128xi32, #tpu.memory_space<hbm>>) target(%arg13 : memref<128xi32, #tpu.memory_space<vmem>>) target_semaphore(%arg20 : memref<!tpu.dma_semaphore, #tpu.memory_space<semaphore_mem>>)
    %add3A_29 = arith.constant 96 : i32
    %add3A_30 = arith.addi %add3A, %add3A_29 : i32
    %mul3A_31 = arith.constant 128 : i32
    %mul3A_32 = arith.muli %add3A_30, %mul3A_31 : i32
    %multiple_of3A_33 = tpu.assume_multiple %mul3A_32, 8 : i32
    %dma_start3A_34 = tpu.memref_slice %arg2[%multiple_of3A_33] : memref<320000xi32, #tpu.memory_space<hbm>> -> memref<128xi32, #tpu.memory_space<hbm>>
    %dma_start3A_35 = tpu.memref_slice %arg2[%multiple_of3A_33] : memref<320000xi32, #tpu.memory_space<hbm>> -> memref<128xi32, #tpu.memory_space<hbm>>
    tpu.enqueue_dma source(%dma_start3A_35 : memref<128xi32, #tpu.memory_space<hbm>>) target(%arg10 : memref<128xi32, #tpu.memory_space<vmem>>) target_semaphore(%arg21 : memref<!tpu.dma_semaphore, #tpu.memory_space<semaphore_mem>>)
    %dma_start3A_36 = tpu.memref_slice %arg3[%multiple_of3A_33] : memref<320000xi32, #tpu.memory_space<hbm>> -> memref<128xi32, #tpu.memory_space<hbm>>
    %dma_start3A_37 = tpu.memref_slice %arg3[%multiple_of3A_33] : memref<320000xi32, #tpu.memory_space<hbm>> -> memref<128xi32, #tpu.memory_space<hbm>>
    tpu.enqueue_dma source(%dma_start3A_37 : memref<128xi32, #tpu.memory_space<hbm>>) target(%arg14 : memref<128xi32, #tpu.memory_space<vmem>>) target_semaphore(%arg21 : memref<!tpu.dma_semaphore, #tpu.memory_space<semaphore_mem>>)
    %dma_wait3A = arith.constant 0 : i32
    %dma_wait3A_38 = tpu.memref_slice %arg2[%dma_wait3A] : memref<320000xi32, #tpu.memory_space<hbm>> -> memref<128xi32, #tpu.memory_space<hbm>>
    %dma_wait3A_39 = arith.constant 0 : i32
    %dma_wait3A_40 = tpu.memref_slice %arg2[%dma_wait3A_39] : memref<320000xi32, #tpu.memory_space<hbm>> -> memref<128xi32, #tpu.memory_space<hbm>>
    tpu.wait_dma2 semaphore(%arg18 : memref<!tpu.dma_semaphore, #tpu.memory_space<semaphore_mem>>) src(%dma_wait3A_40 : memref<128xi32, #tpu.memory_space<hbm>>) dst(%arg7 : memref<128xi32, #tpu.memory_space<vmem>>)
    %dma_wait3A_41 = arith.constant 0 : i32
    %dma_wait3A_42 = tpu.memref_slice %arg3[%dma_wait3A_41] : memref<320000xi32, #tpu.memory_space<hbm>> -> memref<128xi32, #tpu.memory_space<hbm>>
    %dma_wait3A_43 = arith.constant 0 : i32
    %dma_wait3A_44 = tpu.memref_slice %arg3[%dma_wait3A_43] : memref<320000xi32, #tpu.memory_space<hbm>> -> memref<128xi32, #tpu.memory_space<hbm>>
    tpu.wait_dma2 semaphore(%arg18 : memref<!tpu.dma_semaphore, #tpu.memory_space<semaphore_mem>>) src(%dma_wait3A_44 : memref<128xi32, #tpu.memory_space<hbm>>) dst(%arg11 : memref<128xi32, #tpu.memory_space<vmem>>)
    %dma_start3A_45 = arith.constant 0 : i32
    %dma_start3A_46 = arith.constant 0 : i32
    %dma_start3A_47 = tpu.memref_slice %arg4[%dma_start3A_45, %dma_start3A_46] : memref<10000x128xf32, #tpu.memory_space<hbm>> -> memref<10000x128xf32, #tpu.memory_space<hbm>>
    tpu.enqueue_indirect_dma source(%dma_start3A_47 : memref<10000x128xf32, #tpu.memory_space<hbm>>) target(%arg15 : memref<128x128xf32, #tpu.memory_space<vmem>>) offsets(%arg7 : memref<128xi32, #tpu.memory_space<vmem>>) semaphore(%arg22 : memref<!tpu.dma_semaphore, #tpu.memory_space<semaphore_mem>>)
    %dma_wait3A_48 = arith.constant 0 : i32
    %dma_wait3A_49 = tpu.memref_slice %arg2[%dma_wait3A_48] : memref<320000xi32, #tpu.memory_space<hbm>> -> memref<128xi32, #tpu.memory_space<hbm>>
    %dma_wait3A_50 = arith.constant 0 : i32
    %dma_wait3A_51 = tpu.memref_slice %arg2[%dma_wait3A_50] : memref<320000xi32, #tpu.memory_space<hbm>> -> memref<128xi32, #tpu.memory_space<hbm>>
    tpu.wait_dma2 semaphore(%arg19 : memref<!tpu.dma_semaphore, #tpu.memory_space<semaphore_mem>>) src(%dma_wait3A_51 : memref<128xi32, #tpu.memory_space<hbm>>) dst(%arg8 : memref<128xi32, #tpu.memory_space<vmem>>)
    %dma_wait3A_52 = arith.constant 0 : i32
    %dma_wait3A_53 = tpu.memref_slice %arg3[%dma_wait3A_52] : memref<320000xi32, #tpu.memory_space<hbm>> -> memref<128xi32, #tpu.memory_space<hbm>>
    %dma_wait3A_54 = arith.constant 0 : i32
    %dma_wait3A_55 = tpu.memref_slice %arg3[%dma_wait3A_54] : memref<320000xi32, #tpu.memory_space<hbm>> -> memref<128xi32, #tpu.memory_space<hbm>>
    tpu.wait_dma2 semaphore(%arg19 : memref<!tpu.dma_semaphore, #tpu.memory_space<semaphore_mem>>) src(%dma_wait3A_55 : memref<128xi32, #tpu.memory_space<hbm>>) dst(%arg12 : memref<128xi32, #tpu.memory_space<vmem>>)
    %dma_start3A_56 = arith.constant 0 : i32
    %dma_start3A_57 = arith.constant 0 : i32
    %dma_start3A_58 = tpu.memref_slice %arg4[%dma_start3A_56, %dma_start3A_57] : memref<10000x128xf32, #tpu.memory_space<hbm>> -> memref<10000x128xf32, #tpu.memory_space<hbm>>
    tpu.enqueue_indirect_dma source(%dma_start3A_58 : memref<10000x128xf32, #tpu.memory_space<hbm>>) target(%arg16 : memref<128x128xf32, #tpu.memory_space<vmem>>) offsets(%arg8 : memref<128xi32, #tpu.memory_space<vmem>>) semaphore(%arg23 : memref<!tpu.dma_semaphore, #tpu.memory_space<semaphore_mem>>)
    %scan3A = arith.constant 0 : i32
    %scan3A_59 = arith.constant 0 : i32
    %scan3A_60 = arith.constant 19 : i32
    %scan3A_61 = arith.addi %scan3A_59, %scan3A_60 : i32
    %scan3A_62 = arith.constant 1 : i32
    scf.for %scan3A_79 = %scan3A_59 to %scan3A_61 step %scan3A_62  : i32 {
      %mul3A_80 = arith.constant 4 : i32
      %mul3A_81 = arith.muli %scan3A_79, %mul3A_80 : i32
      %add3A_82 = arith.constant 0 : i32
      %add3A_83 = arith.addi %mul3A_81, %add3A_82 : i32
      %dma_wait3A_84 = arith.constant 0 : i32
      %dma_wait3A_85 = arith.constant 0 : i32
      %dma_wait3A_86 = tpu.memref_slice %arg4[%dma_wait3A_84, %dma_wait3A_85] : memref<10000x128xf32, #tpu.memory_space<hbm>> -> memref<10000x128xf32, #tpu.memory_space<hbm>>
      tpu.wait_indirect_dma semaphore(%arg22 : memref<!tpu.dma_semaphore, #tpu.memory_space<semaphore_mem>>) src(%dma_wait3A_86 : memref<10000x128xf32, #tpu.memory_space<hbm>>) dst(%arg15 : memref<128x128xf32, #tpu.memory_space<vmem>>)
      "tpu.region"() ({
        %run_scoped3A = tpu.sem_alloc : memref<!tpu.dma_semaphore, #tpu.memory_space<semaphore_mem>>
        %dma_start3A_164 = arith.constant 0 : i32
        %dma_start3A_165 = arith.constant 0 : i32
        %dma_start3A_166 = tpu.memref_slice %arg17[%dma_start3A_164, %dma_start3A_165] : memref<10112x128xf32, #tpu.memory_space<vmem_shared>> -> memref<10112x128xf32, #tpu.memory_space<vmem_shared>>
        tpu.enqueue_indirect_dma source(%arg15 : memref<128x128xf32, #tpu.memory_space<vmem>>) target(%dma_start3A_166 : memref<10112x128xf32, #tpu.memory_space<vmem_shared>>) offsets(%arg11 : memref<128xi32, #tpu.memory_space<vmem>>) semaphore(%run_scoped3A : memref<!tpu.dma_semaphore, #tpu.memory_space<semaphore_mem>>) {add = true}
        %dma_wait3A_167 = arith.constant 0 : i32
        %dma_wait3A_168 = arith.constant 0 : i32
        %dma_wait3A_169 = tpu.memref_slice %arg17[%dma_wait3A_167, %dma_wait3A_168] : memref<10112x128xf32, #tpu.memory_space<vmem_shared>> -> memref<10112x128xf32, #tpu.memory_space<vmem_shared>>
        tpu.wait_indirect_dma semaphore(%run_scoped3A : memref<!tpu.dma_semaphore, #tpu.memory_space<semaphore_mem>>) src(%arg15 : memref<128x128xf32, #tpu.memory_space<vmem>>) dst(%dma_wait3A_169 : memref<10112x128xf32, #tpu.memory_space<vmem_shared>>)
        tpu.yield
      }) : () -> ()
      %add3A_87 = arith.constant 4 : i32
      %add3A_88 = arith.addi %add3A_83, %add3A_87 : i32
      %lt3A_89 = arith.constant 78 : i32
      %lt3A_90 = arith.cmpi slt, %add3A_88, %lt3A_89 : i32
      %convert_element_type3A_91 = arith.extui %lt3A_90 : i1 to i32
      %cond3A_92 = arith.constant 0 : i32
      %cond3A_93 = arith.cmpi ne, %convert_element_type3A_91, %cond3A_92 : i32
      scf.if %cond3A_93 {
        %add3A_164 = arith.constant 4 : i32
        %add3A_165 = arith.addi %add3A_83, %add3A_164 : i32
        %mul3A_166 = arith.constant 32 : i32
        %mul3A_167 = arith.muli %add3A_165, %mul3A_166 : i32
        %add3A_168 = arith.addi %add3A, %mul3A_167 : i32
        %mul3A_169 = arith.constant 128 : i32
        %mul3A_170 = arith.muli %add3A_168, %mul3A_169 : i32
        %multiple_of3A_171 = tpu.assume_multiple %mul3A_170, 8 : i32
        %dma_start3A_172 = tpu.memref_slice %arg2[%multiple_of3A_171] : memref<320000xi32, #tpu.memory_space<hbm>> -> memref<128xi32, #tpu.memory_space<hbm>>
        %dma_start3A_173 = tpu.memref_slice %arg2[%multiple_of3A_171] : memref<320000xi32, #tpu.memory_space<hbm>> -> memref<128xi32, #tpu.memory_space<hbm>>
        tpu.enqueue_dma source(%dma_start3A_173 : memref<128xi32, #tpu.memory_space<hbm>>) target(%arg7 : memref<128xi32, #tpu.memory_space<vmem>>) target_semaphore(%arg18 : memref<!tpu.dma_semaphore, #tpu.memory_space<semaphore_mem>>)
        %dma_start3A_174 = tpu.memref_slice %arg3[%multiple_of3A_171] : memref<320000xi32, #tpu.memory_space<hbm>> -> memref<128xi32, #tpu.memory_space<hbm>>
        %dma_start3A_175 = tpu.memref_slice %arg3[%multiple_of3A_171] : memref<320000xi32, #tpu.memory_space<hbm>> -> memref<128xi32, #tpu.memory_space<hbm>>
        tpu.enqueue_dma source(%dma_start3A_175 : memref<128xi32, #tpu.memory_space<hbm>>) target(%arg11 : memref<128xi32, #tpu.memory_space<vmem>>) target_semaphore(%arg18 : memref<!tpu.dma_semaphore, #tpu.memory_space<semaphore_mem>>)
      } else {
      }
      %add3A_94 = arith.constant 2 : i32
      %add3A_95 = arith.addi %add3A_83, %add3A_94 : i32
      %lt3A_96 = arith.constant 78 : i32
      %lt3A_97 = arith.cmpi slt, %add3A_95, %lt3A_96 : i32
      %convert_element_type3A_98 = arith.extui %lt3A_97 : i1 to i32
      %cond3A_99 = arith.constant 0 : i32
      %cond3A_100 = arith.cmpi ne, %convert_element_type3A_98, %cond3A_99 : i32
      scf.if %cond3A_100 {
        %dma_wait3A_164 = arith.constant 0 : i32
        %dma_wait3A_165 = tpu.memref_slice %arg2[%dma_wait3A_164] : memref<320000xi32, #tpu.memory_space<hbm>> -> memref<128xi32, #tpu.memory_space<hbm>>
        %dma_wait3A_166 = arith.constant 0 : i32
        %dma_wait3A_167 = tpu.memref_slice %arg2[%dma_wait3A_166] : memref<320000xi32, #tpu.memory_space<hbm>> -> memref<128xi32, #tpu.memory_space<hbm>>
        tpu.wait_dma2 semaphore(%arg20 : memref<!tpu.dma_semaphore, #tpu.memory_space<semaphore_mem>>) src(%dma_wait3A_167 : memref<128xi32, #tpu.memory_space<hbm>>) dst(%arg9 : memref<128xi32, #tpu.memory_space<vmem>>)
        %dma_wait3A_168 = arith.constant 0 : i32
        %dma_wait3A_169 = tpu.memref_slice %arg3[%dma_wait3A_168] : memref<320000xi32, #tpu.memory_space<hbm>> -> memref<128xi32, #tpu.memory_space<hbm>>
        %dma_wait3A_170 = arith.constant 0 : i32
        %dma_wait3A_171 = tpu.memref_slice %arg3[%dma_wait3A_170] : memref<320000xi32, #tpu.memory_space<hbm>> -> memref<128xi32, #tpu.memory_space<hbm>>
        tpu.wait_dma2 semaphore(%arg20 : memref<!tpu.dma_semaphore, #tpu.memory_space<semaphore_mem>>) src(%dma_wait3A_171 : memref<128xi32, #tpu.memory_space<hbm>>) dst(%arg13 : memref<128xi32, #tpu.memory_space<vmem>>)
        %dma_start3A_172 = arith.constant 0 : i32
        %dma_start3A_173 = arith.constant 0 : i32
        %dma_start3A_174 = tpu.memref_slice %arg4[%dma_start3A_172, %dma_start3A_173] : memref<10000x128xf32, #tpu.memory_space<hbm>> -> memref<10000x128xf32, #tpu.memory_space<hbm>>
        tpu.enqueue_indirect_dma source(%dma_start3A_174 : memref<10000x128xf32, #tpu.memory_space<hbm>>) target(%arg15 : memref<128x128xf32, #tpu.memory_space<vmem>>) offsets(%arg9 : memref<128xi32, #tpu.memory_space<vmem>>) semaphore(%arg22 : memref<!tpu.dma_semaphore, #tpu.memory_space<semaphore_mem>>)
      } else {
      }
      %mul3A_101 = arith.constant 4 : i32
      %mul3A_102 = arith.muli %scan3A_79, %mul3A_101 : i32
      %add3A_103 = arith.constant 1 : i32
      %add3A_104 = arith.addi %mul3A_102, %add3A_103 : i32
      %dma_wait3A_105 = arith.constant 0 : i32
      %dma_wait3A_106 = arith.constant 0 : i32
      %dma_wait3A_107 = tpu.memref_slice %arg4[%dma_wait3A_105, %dma_wait3A_106] : memref<10000x128xf32, #tpu.memory_space<hbm>> -> memref<10000x128xf32, #tpu.memory_space<hbm>>
      tpu.wait_indirect_dma semaphore(%arg23 : memref<!tpu.dma_semaphore, #tpu.memory_space<semaphore_mem>>) src(%dma_wait3A_107 : memref<10000x128xf32, #tpu.memory_space<hbm>>) dst(%arg16 : memref<128x128xf32, #tpu.memory_space<vmem>>)
      "tpu.region"() ({
        %run_scoped3A = tpu.sem_alloc : memref<!tpu.dma_semaphore, #tpu.memory_space<semaphore_mem>>
        %dma_start3A_164 = arith.constant 0 : i32
        %dma_start3A_165 = arith.constant 0 : i32
        %dma_start3A_166 = tpu.memref_slice %arg17[%dma_start3A_164, %dma_start3A_165] : memref<10112x128xf32, #tpu.memory_space<vmem_shared>> -> memref<10112x128xf32, #tpu.memory_space<vmem_shared>>
        tpu.enqueue_indirect_dma source(%arg16 : memref<128x128xf32, #tpu.memory_space<vmem>>) target(%dma_start3A_166 : memref<10112x128xf32, #tpu.memory_space<vmem_shared>>) offsets(%arg12 : memref<128xi32, #tpu.memory_space<vmem>>) semaphore(%run_scoped3A : memref<!tpu.dma_semaphore, #tpu.memory_space<semaphore_mem>>) {add = true}
        %dma_wait3A_167 = arith.constant 0 : i32
        %dma_wait3A_168 = arith.constant 0 : i32
        %dma_wait3A_169 = tpu.memref_slice %arg17[%dma_wait3A_167, %dma_wait3A_168] : memref<10112x128xf32, #tpu.memory_space<vmem_shared>> -> memref<10112x128xf32, #tpu.memory_space<vmem_shared>>
        tpu.wait_indirect_dma semaphore(%run_scoped3A : memref<!tpu.dma_semaphore, #tpu.memory_space<semaphore_mem>>) src(%arg16 : memref<128x128xf32, #tpu.memory_space<vmem>>) dst(%dma_wait3A_169 : memref<10112x128xf32, #tpu.memory_space<vmem_shared>>)
        tpu.yield
      }) : () -> ()
      %add3A_108 = arith.constant 4 : i32
      %add3A_109 = arith.addi %add3A_104, %add3A_108 : i32
      %lt3A_110 = arith.constant 78 : i32
      %lt3A_111 = arith.cmpi slt, %add3A_109, %lt3A_110 : i32
      %convert_element_type3A_112 = arith.extui %lt3A_111 : i1 to i32
      %cond3A_113 = arith.constant 0 : i32
      %cond3A_114 = arith.cmpi ne, %convert_element_type3A_112, %cond3A_113 : i32
      scf.if %cond3A_114 {
        %add3A_164 = arith.constant 4 : i32
        %add3A_165 = arith.addi %add3A_104, %add3A_164 : i32
        %mul3A_166 = arith.constant 32 : i32
        %mul3A_167 = arith.muli %add3A_165, %mul3A_166 : i32
        %add3A_168 = arith.addi %add3A, %mul3A_167 : i32
        %mul3A_169 = arith.constant 128 : i32
        %mul3A_170 = arith.muli %add3A_168, %mul3A_169 : i32
        %multiple_of3A_171 = tpu.assume_multiple %mul3A_170, 8 : i32
        %dma_start3A_172 = tpu.memref_slice %arg2[%multiple_of3A_171] : memref<320000xi32, #tpu.memory_space<hbm>> -> memref<128xi32, #tpu.memory_space<hbm>>
        %dma_start3A_173 = tpu.memref_slice %arg2[%multiple_of3A_171] : memref<320000xi32, #tpu.memory_space<hbm>> -> memref<128xi32, #tpu.memory_space<hbm>>
        tpu.enqueue_dma source(%dma_start3A_173 : memref<128xi32, #tpu.memory_space<hbm>>) target(%arg8 : memref<128xi32, #tpu.memory_space<vmem>>) target_semaphore(%arg19 : memref<!tpu.dma_semaphore, #tpu.memory_space<semaphore_mem>>)
        %dma_start3A_174 = tpu.memref_slice %arg3[%multiple_of3A_171] : memref<320000xi32, #tpu.memory_space<hbm>> -> memref<128xi32, #tpu.memory_space<hbm>>
        %dma_start3A_175 = tpu.memref_slice %arg3[%multiple_of3A_171] : memref<320000xi32, #tpu.memory_space<hbm>> -> memref<128xi32, #tpu.memory_space<hbm>>
        tpu.enqueue_dma source(%dma_start3A_175 : memref<128xi32, #tpu.memory_space<hbm>>) target(%arg12 : memref<128xi32, #tpu.memory_space<vmem>>) target_semaphore(%arg19 : memref<!tpu.dma_semaphore, #tpu.memory_space<semaphore_mem>>)
      } else {
      }
      %add3A_115 = arith.constant 2 : i32
      %add3A_116 = arith.addi %add3A_104, %add3A_115 : i32
      %lt3A_117 = arith.constant 78 : i32
      %lt3A_118 = arith.cmpi slt, %add3A_116, %lt3A_117 : i32
      %convert_element_type3A_119 = arith.extui %lt3A_118 : i1 to i32
      %cond3A_120 = arith.constant 0 : i32
      %cond3A_121 = arith.cmpi ne, %convert_element_type3A_119, %cond3A_120 : i32
      scf.if %cond3A_121 {
        %dma_wait3A_164 = arith.constant 0 : i32
        %dma_wait3A_165 = tpu.memref_slice %arg2[%dma_wait3A_164] : memref<320000xi32, #tpu.memory_space<hbm>> -> memref<128xi32, #tpu.memory_space<hbm>>
        %dma_wait3A_166 = arith.constant 0 : i32
        %dma_wait3A_167 = tpu.memref_slice %arg2[%dma_wait3A_166] : memref<320000xi32, #tpu.memory_space<hbm>> -> memref<128xi32, #tpu.memory_space<hbm>>
        tpu.wait_dma2 semaphore(%arg21 : memref<!tpu.dma_semaphore, #tpu.memory_space<semaphore_mem>>) src(%dma_wait3A_167 : memref<128xi32, #tpu.memory_space<hbm>>) dst(%arg10 : memref<128xi32, #tpu.memory_space<vmem>>)
        %dma_wait3A_168 = arith.constant 0 : i32
        %dma_wait3A_169 = tpu.memref_slice %arg3[%dma_wait3A_168] : memref<320000xi32, #tpu.memory_space<hbm>> -> memref<128xi32, #tpu.memory_space<hbm>>
        %dma_wait3A_170 = arith.constant 0 : i32
        %dma_wait3A_171 = tpu.memref_slice %arg3[%dma_wait3A_170] : memref<320000xi32, #tpu.memory_space<hbm>> -> memref<128xi32, #tpu.memory_space<hbm>>
        tpu.wait_dma2 semaphore(%arg21 : memref<!tpu.dma_semaphore, #tpu.memory_space<semaphore_mem>>) src(%dma_wait3A_171 : memref<128xi32, #tpu.memory_space<hbm>>) dst(%arg14 : memref<128xi32, #tpu.memory_space<vmem>>)
        %dma_start3A_172 = arith.constant 0 : i32
        %dma_start3A_173 = arith.constant 0 : i32
        %dma_start3A_174 = tpu.memref_slice %arg4[%dma_start3A_172, %dma_start3A_173] : memref<10000x128xf32, #tpu.memory_space<hbm>> -> memref<10000x128xf32, #tpu.memory_space<hbm>>
        tpu.enqueue_indirect_dma source(%dma_start3A_174 : memref<10000x128xf32, #tpu.memory_space<hbm>>) target(%arg16 : memref<128x128xf32, #tpu.memory_space<vmem>>) offsets(%arg10 : memref<128xi32, #tpu.memory_space<vmem>>) semaphore(%arg23 : memref<!tpu.dma_semaphore, #tpu.memory_space<semaphore_mem>>)
      } else {
      }
      %mul3A_122 = arith.constant 4 : i32
      %mul3A_123 = arith.muli %scan3A_79, %mul3A_122 : i32
      %add3A_124 = arith.constant 2 : i32
      %add3A_125 = arith.addi %mul3A_123, %add3A_124 : i32
      %dma_wait3A_126 = arith.constant 0 : i32
      %dma_wait3A_127 = arith.constant 0 : i32
      %dma_wait3A_128 = tpu.memref_slice %arg4[%dma_wait3A_126, %dma_wait3A_127] : memref<10000x128xf32, #tpu.memory_space<hbm>> -> memref<10000x128xf32, #tpu.memory_space<hbm>>
      tpu.wait_indirect_dma semaphore(%arg22 : memref<!tpu.dma_semaphore, #tpu.memory_space<semaphore_mem>>) src(%dma_wait3A_128 : memref<10000x128xf32, #tpu.memory_space<hbm>>) dst(%arg15 : memref<128x128xf32, #tpu.memory_space<vmem>>)
      "tpu.region"() ({
        %run_scoped3A = tpu.sem_alloc : memref<!tpu.dma_semaphore, #tpu.memory_space<semaphore_mem>>
        %dma_start3A_164 = arith.constant 0 : i32
        %dma_start3A_165 = arith.constant 0 : i32
        %dma_start3A_166 = tpu.memref_slice %arg17[%dma_start3A_164, %dma_start3A_165] : memref<10112x128xf32, #tpu.memory_space<vmem_shared>> -> memref<10112x128xf32, #tpu.memory_space<vmem_shared>>
        tpu.enqueue_indirect_dma source(%arg15 : memref<128x128xf32, #tpu.memory_space<vmem>>) target(%dma_start3A_166 : memref<10112x128xf32, #tpu.memory_space<vmem_shared>>) offsets(%arg13 : memref<128xi32, #tpu.memory_space<vmem>>) semaphore(%run_scoped3A : memref<!tpu.dma_semaphore, #tpu.memory_space<semaphore_mem>>) {add = true}
        %dma_wait3A_167 = arith.constant 0 : i32
        %dma_wait3A_168 = arith.constant 0 : i32
        %dma_wait3A_169 = tpu.memref_slice %arg17[%dma_wait3A_167, %dma_wait3A_168] : memref<10112x128xf32, #tpu.memory_space<vmem_shared>> -> memref<10112x128xf32, #tpu.memory_space<vmem_shared>>
        tpu.wait_indirect_dma semaphore(%run_scoped3A : memref<!tpu.dma_semaphore, #tpu.memory_space<semaphore_mem>>) src(%arg15 : memref<128x128xf32, #tpu.memory_space<vmem>>) dst(%dma_wait3A_169 : memref<10112x128xf32, #tpu.memory_space<vmem_shared>>)
        tpu.yield
      }) : () -> ()
      %add3A_129 = arith.constant 4 : i32
      %add3A_130 = arith.addi %add3A_125, %add3A_129 : i32
      %lt3A_131 = arith.constant 78 : i32
      %lt3A_132 = arith.cmpi slt, %add3A_130, %lt3A_131 : i32
      %convert_element_type3A_133 = arith.extui %lt3A_132 : i1 to i32
      %cond3A_134 = arith.constant 0 : i32
      %cond3A_135 = arith.cmpi ne, %convert_element_type3A_133, %cond3A_134 : i32
      scf.if %cond3A_135 {
        %add3A_164 = arith.constant 4 : i32
        %add3A_165 = arith.addi %add3A_125, %add3A_164 : i32
        %mul3A_166 = arith.constant 32 : i32
        %mul3A_167 = arith.muli %add3A_165, %mul3A_166 : i32
        %add3A_168 = arith.addi %add3A, %mul3A_167 : i32
        %mul3A_169 = arith.constant 128 : i32
        %mul3A_170 = arith.muli %add3A_168, %mul3A_169 : i32
        %multiple_of3A_171 = tpu.assume_multiple %mul3A_170, 8 : i32
        %dma_start3A_172 = tpu.memref_slice %arg2[%multiple_of3A_171] : memref<320000xi32, #tpu.memory_space<hbm>> -> memref<128xi32, #tpu.memory_space<hbm>>
        %dma_start3A_173 = tpu.memref_slice %arg2[%multiple_of3A_171] : memref<320000xi32, #tpu.memory_space<hbm>> -> memref<128xi32, #tpu.memory_space<hbm>>
        tpu.enqueue_dma source(%dma_start3A_173 : memref<128xi32, #tpu.memory_space<hbm>>) target(%arg9 : memref<128xi32, #tpu.memory_space<vmem>>) target_semaphore(%arg20 : memref<!tpu.dma_semaphore, #tpu.memory_space<semaphore_mem>>)
        %dma_start3A_174 = tpu.memref_slice %arg3[%multiple_of3A_171] : memref<320000xi32, #tpu.memory_space<hbm>> -> memref<128xi32, #tpu.memory_space<hbm>>
        %dma_start3A_175 = tpu.memref_slice %arg3[%multiple_of3A_171] : memref<320000xi32, #tpu.memory_space<hbm>> -> memref<128xi32, #tpu.memory_space<hbm>>
        tpu.enqueue_dma source(%dma_start3A_175 : memref<128xi32, #tpu.memory_space<hbm>>) target(%arg13 : memref<128xi32, #tpu.memory_space<vmem>>) target_semaphore(%arg20 : memref<!tpu.dma_semaphore, #tpu.memory_space<semaphore_mem>>)
      } else {
      }
      %add3A_136 = arith.constant 2 : i32
      %add3A_137 = arith.addi %add3A_125, %add3A_136 : i32
      %lt3A_138 = arith.constant 78 : i32
      %lt3A_139 = arith.cmpi slt, %add3A_137, %lt3A_138 : i32
      %convert_element_type3A_140 = arith.extui %lt3A_139 : i1 to i32
      %cond3A_141 = arith.constant 0 : i32
      %cond3A_142 = arith.cmpi ne, %convert_element_type3A_140, %cond3A_141 : i32
      scf.if %cond3A_142 {
        %dma_wait3A_164 = arith.constant 0 : i32
        %dma_wait3A_165 = tpu.memref_slice %arg2[%dma_wait3A_164] : memref<320000xi32, #tpu.memory_space<hbm>> -> memref<128xi32, #tpu.memory_space<hbm>>
        %dma_wait3A_166 = arith.constant 0 : i32
        %dma_wait3A_167 = tpu.memref_slice %arg2[%dma_wait3A_166] : memref<320000xi32, #tpu.memory_space<hbm>> -> memref<128xi32, #tpu.memory_space<hbm>>
        tpu.wait_dma2 semaphore(%arg18 : memref<!tpu.dma_semaphore, #tpu.memory_space<semaphore_mem>>) src(%dma_wait3A_167 : memref<128xi32, #tpu.memory_space<hbm>>) dst(%arg7 : memref<128xi32, #tpu.memory_space<vmem>>)
        %dma_wait3A_168 = arith.constant 0 : i32
        %dma_wait3A_169 = tpu.memref_slice %arg3[%dma_wait3A_168] : memref<320000xi32, #tpu.memory_space<hbm>> -> memref<128xi32, #tpu.memory_space<hbm>>
        %dma_wait3A_170 = arith.constant 0 : i32
        %dma_wait3A_171 = tpu.memref_slice %arg3[%dma_wait3A_170] : memref<320000xi32, #tpu.memory_space<hbm>> -> memref<128xi32, #tpu.memory_space<hbm>>
        tpu.wait_dma2 semaphore(%arg18 : memref<!tpu.dma_semaphore, #tpu.memory_space<semaphore_mem>>) src(%dma_wait3A_171 : memref<128xi32, #tpu.memory_space<hbm>>) dst(%arg11 : memref<128xi32, #tpu.memory_space<vmem>>)
        %dma_start3A_172 = arith.constant 0 : i32
        %dma_start3A_173 = arith.constant 0 : i32
        %dma_start3A_174 = tpu.memref_slice %arg4[%dma_start3A_172, %dma_start3A_173] : memref<10000x128xf32, #tpu.memory_space<hbm>> -> memref<10000x128xf32, #tpu.memory_space<hbm>>
        tpu.enqueue_indirect_dma source(%dma_start3A_174 : memref<10000x128xf32, #tpu.memory_space<hbm>>) target(%arg15 : memref<128x128xf32, #tpu.memory_space<vmem>>) offsets(%arg7 : memref<128xi32, #tpu.memory_space<vmem>>) semaphore(%arg22 : memref<!tpu.dma_semaphore, #tpu.memory_space<semaphore_mem>>)
      } else {
      }
      %mul3A_143 = arith.constant 4 : i32
      %mul3A_144 = arith.muli %scan3A_79, %mul3A_143 : i32
      %add3A_145 = arith.constant 3 : i32
      %add3A_146 = arith.addi %mul3A_144, %add3A_145 : i32
      %dma_wait3A_147 = arith.constant 0 : i32
      %dma_wait3A_148 = arith.constant 0 : i32
      %dma_wait3A_149 = tpu.memref_slice %arg4[%dma_wait3A_147, %dma_wait3A_148] : memref<10000x128xf32, #tpu.memory_space<hbm>> -> memref<10000x128xf32, #tpu.memory_space<hbm>>
      tpu.wait_indirect_dma semaphore(%arg23 : memref<!tpu.dma_semaphore, #tpu.memory_space<semaphore_mem>>) src(%dma_wait3A_149 : memref<10000x128xf32, #tpu.memory_space<hbm>>) dst(%arg16 : memref<128x128xf32, #tpu.memory_space<vmem>>)
      "tpu.region"() ({
        %run_scoped3A = tpu.sem_alloc : memref<!tpu.dma_semaphore, #tpu.memory_space<semaphore_mem>>
        %dma_start3A_164 = arith.constant 0 : i32
        %dma_start3A_165 = arith.constant 0 : i32
        %dma_start3A_166 = tpu.memref_slice %arg17[%dma_start3A_164, %dma_start3A_165] : memref<10112x128xf32, #tpu.memory_space<vmem_shared>> -> memref<10112x128xf32, #tpu.memory_space<vmem_shared>>
        tpu.enqueue_indirect_dma source(%arg16 : memref<128x128xf32, #tpu.memory_space<vmem>>) target(%dma_start3A_166 : memref<10112x128xf32, #tpu.memory_space<vmem_shared>>) offsets(%arg14 : memref<128xi32, #tpu.memory_space<vmem>>) semaphore(%run_scoped3A : memref<!tpu.dma_semaphore, #tpu.memory_space<semaphore_mem>>) {add = true}
        %dma_wait3A_167 = arith.constant 0 : i32
        %dma_wait3A_168 = arith.constant 0 : i32
        %dma_wait3A_169 = tpu.memref_slice %arg17[%dma_wait3A_167, %dma_wait3A_168] : memref<10112x128xf32, #tpu.memory_space<vmem_shared>> -> memref<10112x128xf32, #tpu.memory_space<vmem_shared>>
        tpu.wait_indirect_dma semaphore(%run_scoped3A : memref<!tpu.dma_semaphore, #tpu.memory_space<semaphore_mem>>) src(%arg16 : memref<128x128xf32, #tpu.memory_space<vmem>>) dst(%dma_wait3A_169 : memref<10112x128xf32, #tpu.memory_space<vmem_shared>>)
        tpu.yield
      }) : () -> ()
      %add3A_150 = arith.constant 4 : i32
      %add3A_151 = arith.addi %add3A_146, %add3A_150 : i32
      %lt3A_152 = arith.constant 78 : i32
      %lt3A_153 = arith.cmpi slt, %add3A_151, %lt3A_152 : i32
      %convert_element_type3A_154 = arith.extui %lt3A_153 : i1 to i32
      %cond3A_155 = arith.constant 0 : i32
      %cond3A_156 = arith.cmpi ne, %convert_element_type3A_154, %cond3A_155 : i32
      scf.if %cond3A_156 {
        %add3A_164 = arith.constant 4 : i32
        %add3A_165 = arith.addi %add3A_146, %add3A_164 : i32
        %mul3A_166 = arith.constant 32 : i32
        %mul3A_167 = arith.muli %add3A_165, %mul3A_166 : i32
        %add3A_168 = arith.addi %add3A, %mul3A_167 : i32
        %mul3A_169 = arith.constant 128 : i32
        %mul3A_170 = arith.muli %add3A_168, %mul3A_169 : i32
        %multiple_of3A_171 = tpu.assume_multiple %mul3A_170, 8 : i32
        %dma_start3A_172 = tpu.memref_slice %arg2[%multiple_of3A_171] : memref<320000xi32, #tpu.memory_space<hbm>> -> memref<128xi32, #tpu.memory_space<hbm>>
        %dma_start3A_173 = tpu.memref_slice %arg2[%multiple_of3A_171] : memref<320000xi32, #tpu.memory_space<hbm>> -> memref<128xi32, #tpu.memory_space<hbm>>
        tpu.enqueue_dma source(%dma_start3A_173 : memref<128xi32, #tpu.memory_space<hbm>>) target(%arg10 : memref<128xi32, #tpu.memory_space<vmem>>) target_semaphore(%arg21 : memref<!tpu.dma_semaphore, #tpu.memory_space<semaphore_mem>>)
        %dma_start3A_174 = tpu.memref_slice %arg3[%multiple_of3A_171] : memref<320000xi32, #tpu.memory_space<hbm>> -> memref<128xi32, #tpu.memory_space<hbm>>
        %dma_start3A_175 = tpu.memref_slice %arg3[%multiple_of3A_171] : memref<320000xi32, #tpu.memory_space<hbm>> -> memref<128xi32, #tpu.memory_space<hbm>>
        tpu.enqueue_dma source(%dma_start3A_175 : memref<128xi32, #tpu.memory_space<hbm>>) target(%arg14 : memref<128xi32, #tpu.memory_space<vmem>>) target_semaphore(%arg21 : memref<!tpu.dma_semaphore, #tpu.memory_space<semaphore_mem>>)
      } else {
      }
      %add3A_157 = arith.constant 2 : i32
      %add3A_158 = arith.addi %add3A_146, %add3A_157 : i32
      %lt3A_159 = arith.constant 78 : i32
      %lt3A_160 = arith.cmpi slt, %add3A_158, %lt3A_159 : i32
      %convert_element_type3A_161 = arith.extui %lt3A_160 : i1 to i32
      %cond3A_162 = arith.constant 0 : i32
      %cond3A_163 = arith.cmpi ne, %convert_element_type3A_161, %cond3A_162 : i32
      scf.if %cond3A_163 {
        %dma_wait3A_164 = arith.constant 0 : i32
        %dma_wait3A_165 = tpu.memref_slice %arg2[%dma_wait3A_164] : memref<320000xi32, #tpu.memory_space<hbm>> -> memref<128xi32, #tpu.memory_space<hbm>>
        %dma_wait3A_166 = arith.constant 0 : i32
        %dma_wait3A_167 = tpu.memref_slice %arg2[%dma_wait3A_166] : memref<320000xi32, #tpu.memory_space<hbm>> -> memref<128xi32, #tpu.memory_space<hbm>>
        tpu.wait_dma2 semaphore(%arg19 : memref<!tpu.dma_semaphore, #tpu.memory_space<semaphore_mem>>) src(%dma_wait3A_167 : memref<128xi32, #tpu.memory_space<hbm>>) dst(%arg8 : memref<128xi32, #tpu.memory_space<vmem>>)
        %dma_wait3A_168 = arith.constant 0 : i32
        %dma_wait3A_169 = tpu.memref_slice %arg3[%dma_wait3A_168] : memref<320000xi32, #tpu.memory_space<hbm>> -> memref<128xi32, #tpu.memory_space<hbm>>
        %dma_wait3A_170 = arith.constant 0 : i32
        %dma_wait3A_171 = tpu.memref_slice %arg3[%dma_wait3A_170] : memref<320000xi32, #tpu.memory_space<hbm>> -> memref<128xi32, #tpu.memory_space<hbm>>
        tpu.wait_dma2 semaphore(%arg19 : memref<!tpu.dma_semaphore, #tpu.memory_space<semaphore_mem>>) src(%dma_wait3A_171 : memref<128xi32, #tpu.memory_space<hbm>>) dst(%arg12 : memref<128xi32, #tpu.memory_space<vmem>>)
        %dma_start3A_172 = arith.constant 0 : i32
        %dma_start3A_173 = arith.constant 0 : i32
        %dma_start3A_174 = tpu.memref_slice %arg4[%dma_start3A_172, %dma_start3A_173] : memref<10000x128xf32, #tpu.memory_space<hbm>> -> memref<10000x128xf32, #tpu.memory_space<hbm>>
        tpu.enqueue_indirect_dma source(%dma_start3A_174 : memref<10000x128xf32, #tpu.memory_space<hbm>>) target(%arg16 : memref<128x128xf32, #tpu.memory_space<vmem>>) offsets(%arg8 : memref<128xi32, #tpu.memory_space<vmem>>) semaphore(%arg23 : memref<!tpu.dma_semaphore, #tpu.memory_space<semaphore_mem>>)
      } else {
      }
    }
    %scan3A_63 = arith.constant 19 : i32
    %dma_wait3A_64 = arith.constant 0 : i32
    %dma_wait3A_65 = arith.constant 0 : i32
    %dma_wait3A_66 = tpu.memref_slice %arg4[%dma_wait3A_64, %dma_wait3A_65] : memref<10000x128xf32, #tpu.memory_space<hbm>> -> memref<10000x128xf32, #tpu.memory_space<hbm>>
    tpu.wait_indirect_dma semaphore(%arg22 : memref<!tpu.dma_semaphore, #tpu.memory_space<semaphore_mem>>) src(%dma_wait3A_66 : memref<10000x128xf32, #tpu.memory_space<hbm>>) dst(%arg15 : memref<128x128xf32, #tpu.memory_space<vmem>>)
    "tpu.region"() ({
      %run_scoped3A = tpu.sem_alloc : memref<!tpu.dma_semaphore, #tpu.memory_space<semaphore_mem>>
      %dma_start3A_79 = arith.constant 0 : i32
      %dma_start3A_80 = arith.constant 0 : i32
      %dma_start3A_81 = tpu.memref_slice %arg17[%dma_start3A_79, %dma_start3A_80] : memref<10112x128xf32, #tpu.memory_space<vmem_shared>> -> memref<10112x128xf32, #tpu.memory_space<vmem_shared>>
      tpu.enqueue_indirect_dma source(%arg15 : memref<128x128xf32, #tpu.memory_space<vmem>>) target(%dma_start3A_81 : memref<10112x128xf32, #tpu.memory_space<vmem_shared>>) offsets(%arg11 : memref<128xi32, #tpu.memory_space<vmem>>) semaphore(%run_scoped3A : memref<!tpu.dma_semaphore, #tpu.memory_space<semaphore_mem>>) {add = true}
      %dma_wait3A_82 = arith.constant 0 : i32
      %dma_wait3A_83 = arith.constant 0 : i32
      %dma_wait3A_84 = tpu.memref_slice %arg17[%dma_wait3A_82, %dma_wait3A_83] : memref<10112x128xf32, #tpu.memory_space<vmem_shared>> -> memref<10112x128xf32, #tpu.memory_space<vmem_shared>>
      tpu.wait_indirect_dma semaphore(%run_scoped3A : memref<!tpu.dma_semaphore, #tpu.memory_space<semaphore_mem>>) src(%arg15 : memref<128x128xf32, #tpu.memory_space<vmem>>) dst(%dma_wait3A_84 : memref<10112x128xf32, #tpu.memory_space<vmem_shared>>)
      tpu.yield
    }) : () -> ()
    %dma_wait3A_67 = arith.constant 0 : i32
    %dma_wait3A_68 = arith.constant 0 : i32
    %dma_wait3A_69 = tpu.memref_slice %arg4[%dma_wait3A_67, %dma_wait3A_68] : memref<10000x128xf32, #tpu.memory_space<hbm>> -> memref<10000x128xf32, #tpu.memory_space<hbm>>
    tpu.wait_indirect_dma semaphore(%arg23 : memref<!tpu.dma_semaphore, #tpu.memory_space<semaphore_mem>>) src(%dma_wait3A_69 : memref<10000x128xf32, #tpu.memory_space<hbm>>) dst(%arg16 : memref<128x128xf32, #tpu.memory_space<vmem>>)
    "tpu.region"() ({
      %run_scoped3A = tpu.sem_alloc : memref<!tpu.dma_semaphore, #tpu.memory_space<semaphore_mem>>
      %dma_start3A_79 = arith.constant 0 : i32
      %dma_start3A_80 = arith.constant 0 : i32
      %dma_start3A_81 = tpu.memref_slice %arg17[%dma_start3A_79, %dma_start3A_80] : memref<10112x128xf32, #tpu.memory_space<vmem_shared>> -> memref<10112x128xf32, #tpu.memory_space<vmem_shared>>
      tpu.enqueue_indirect_dma source(%arg16 : memref<128x128xf32, #tpu.memory_space<vmem>>) target(%dma_start3A_81 : memref<10112x128xf32, #tpu.memory_space<vmem_shared>>) offsets(%arg12 : memref<128xi32, #tpu.memory_space<vmem>>) semaphore(%run_scoped3A : memref<!tpu.dma_semaphore, #tpu.memory_space<semaphore_mem>>) {add = true}
      %dma_wait3A_82 = arith.constant 0 : i32
      %dma_wait3A_83 = arith.constant 0 : i32
      %dma_wait3A_84 = tpu.memref_slice %arg17[%dma_wait3A_82, %dma_wait3A_83] : memref<10112x128xf32, #tpu.memory_space<vmem_shared>> -> memref<10112x128xf32, #tpu.memory_space<vmem_shared>>
      tpu.wait_indirect_dma semaphore(%run_scoped3A : memref<!tpu.dma_semaphore, #tpu.memory_space<semaphore_mem>>) src(%arg16 : memref<128x128xf32, #tpu.memory_space<vmem>>) dst(%dma_wait3A_84 : memref<10112x128xf32, #tpu.memory_space<vmem_shared>>)
      tpu.yield
    }) : () -> ()
    %lt3A = arith.constant 4 : i32
    %lt3A_70 = arith.cmpi slt, %add3A, %lt3A : i32
    %convert_element_type3A = arith.extui %lt3A_70 : i1 to i32
    %cond3A = arith.constant 0 : i32
    %cond3A_71 = arith.cmpi ne, %convert_element_type3A, %cond3A : i32
    scf.if %cond3A_71 {
      %add3A_79 = arith.constant 2496 : i32
      %add3A_80 = arith.addi %add3A_79, %add3A : i32
      %mul3A_81 = arith.constant 128 : i32
      %mul3A_82 = arith.muli %add3A_80, %mul3A_81 : i32
      %multiple_of3A_83 = tpu.assume_multiple %mul3A_82, 8 : i32
      "tpu.region"() ({
        %run_scoped3A = tpu.sem_alloc : memref<!tpu.dma_semaphore, #tpu.memory_space<semaphore_mem>>
        %dma_start3A_90 = tpu.memref_slice %arg2[%multiple_of3A_83] : memref<320000xi32, #tpu.memory_space<hbm>> -> memref<128xi32, #tpu.memory_space<hbm>>
        %dma_start3A_91 = tpu.memref_slice %arg2[%multiple_of3A_83] : memref<320000xi32, #tpu.memory_space<hbm>> -> memref<128xi32, #tpu.memory_space<hbm>>
        tpu.enqueue_dma source(%dma_start3A_91 : memref<128xi32, #tpu.memory_space<hbm>>) target(%arg7 : memref<128xi32, #tpu.memory_space<vmem>>) target_semaphore(%run_scoped3A : memref<!tpu.dma_semaphore, #tpu.memory_space<semaphore_mem>>)
        %dma_wait3A_92 = tpu.memref_slice %arg2[%multiple_of3A_83] : memref<320000xi32, #tpu.memory_space<hbm>> -> memref<128xi32, #tpu.memory_space<hbm>>
        %dma_wait3A_93 = tpu.memref_slice %arg2[%multiple_of3A_83] : memref<320000xi32, #tpu.memory_space<hbm>> -> memref<128xi32, #tpu.memory_space<hbm>>
        tpu.wait_dma2 semaphore(%run_scoped3A : memref<!tpu.dma_semaphore, #tpu.memory_space<semaphore_mem>>) src(%dma_wait3A_93 : memref<128xi32, #tpu.memory_space<hbm>>) dst(%arg7 : memref<128xi32, #tpu.memory_space<vmem>>)
        tpu.yield
      }) : () -> ()
      "tpu.region"() ({
        %run_scoped3A = tpu.sem_alloc : memref<!tpu.dma_semaphore, #tpu.memory_space<semaphore_mem>>
        %dma_start3A_90 = tpu.memref_slice %arg3[%multiple_of3A_83] : memref<320000xi32, #tpu.memory_space<hbm>> -> memref<128xi32, #tpu.memory_space<hbm>>
        %dma_start3A_91 = tpu.memref_slice %arg3[%multiple_of3A_83] : memref<320000xi32, #tpu.memory_space<hbm>> -> memref<128xi32, #tpu.memory_space<hbm>>
        tpu.enqueue_dma source(%dma_start3A_91 : memref<128xi32, #tpu.memory_space<hbm>>) target(%arg11 : memref<128xi32, #tpu.memory_space<vmem>>) target_semaphore(%run_scoped3A : memref<!tpu.dma_semaphore, #tpu.memory_space<semaphore_mem>>)
        %dma_wait3A_92 = tpu.memref_slice %arg3[%multiple_of3A_83] : memref<320000xi32, #tpu.memory_space<hbm>> -> memref<128xi32, #tpu.memory_space<hbm>>
        %dma_wait3A_93 = tpu.memref_slice %arg3[%multiple_of3A_83] : memref<320000xi32, #tpu.memory_space<hbm>> -> memref<128xi32, #tpu.memory_space<hbm>>
        tpu.wait_dma2 semaphore(%run_scoped3A : memref<!tpu.dma_semaphore, #tpu.memory_space<semaphore_mem>>) src(%dma_wait3A_93 : memref<128xi32, #tpu.memory_space<hbm>>) dst(%arg11 : memref<128xi32, #tpu.memory_space<vmem>>)
        tpu.yield
      }) : () -> ()
      %dma_start3A_84 = arith.constant 0 : i32
      %dma_start3A_85 = arith.constant 0 : i32
      %dma_start3A_86 = tpu.memref_slice %arg4[%dma_start3A_84, %dma_start3A_85] : memref<10000x128xf32, #tpu.memory_space<hbm>> -> memref<10000x128xf32, #tpu.memory_space<hbm>>
      tpu.enqueue_indirect_dma source(%dma_start3A_86 : memref<10000x128xf32, #tpu.memory_space<hbm>>) target(%arg15 : memref<128x128xf32, #tpu.memory_space<vmem>>) offsets(%arg7 : memref<128xi32, #tpu.memory_space<vmem>>) semaphore(%arg22 : memref<!tpu.dma_semaphore, #tpu.memory_space<semaphore_mem>>)
      %dma_wait3A_87 = arith.constant 0 : i32
      %dma_wait3A_88 = arith.constant 0 : i32
      %dma_wait3A_89 = tpu.memref_slice %arg4[%dma_wait3A_87, %dma_wait3A_88] : memref<10000x128xf32, #tpu.memory_space<hbm>> -> memref<10000x128xf32, #tpu.memory_space<hbm>>
      tpu.wait_indirect_dma semaphore(%arg22 : memref<!tpu.dma_semaphore, #tpu.memory_space<semaphore_mem>>) src(%dma_wait3A_89 : memref<10000x128xf32, #tpu.memory_space<hbm>>) dst(%arg15 : memref<128x128xf32, #tpu.memory_space<vmem>>)
      "tpu.region"() ({
        %run_scoped3A = tpu.sem_alloc : memref<!tpu.dma_semaphore, #tpu.memory_space<semaphore_mem>>
        %dma_start3A_90 = arith.constant 0 : i32
        %dma_start3A_91 = arith.constant 0 : i32
        %dma_start3A_92 = tpu.memref_slice %arg17[%dma_start3A_90, %dma_start3A_91] : memref<10112x128xf32, #tpu.memory_space<vmem_shared>> -> memref<10112x128xf32, #tpu.memory_space<vmem_shared>>
        tpu.enqueue_indirect_dma source(%arg15 : memref<128x128xf32, #tpu.memory_space<vmem>>) target(%dma_start3A_92 : memref<10112x128xf32, #tpu.memory_space<vmem_shared>>) offsets(%arg11 : memref<128xi32, #tpu.memory_space<vmem>>) semaphore(%run_scoped3A : memref<!tpu.dma_semaphore, #tpu.memory_space<semaphore_mem>>) {add = true}
        %dma_wait3A_93 = arith.constant 0 : i32
        %dma_wait3A_94 = arith.constant 0 : i32
        %dma_wait3A_95 = tpu.memref_slice %arg17[%dma_wait3A_93, %dma_wait3A_94] : memref<10112x128xf32, #tpu.memory_space<vmem_shared>> -> memref<10112x128xf32, #tpu.memory_space<vmem_shared>>
        tpu.wait_indirect_dma semaphore(%run_scoped3A : memref<!tpu.dma_semaphore, #tpu.memory_space<semaphore_mem>>) src(%arg15 : memref<128x128xf32, #tpu.memory_space<vmem>>) dst(%dma_wait3A_95 : memref<10112x128xf32, #tpu.memory_space<vmem_shared>>)
        tpu.yield
      }) : () -> ()
    } else {
    }
    %barrier3A_72 = arith.constant 0 : index
    tpu.barrier barrier_id(%barrier3A_72)
    %mul3A_73 = arith.constant 10112 : i32
    %mul3A_74 = arith.muli %arg0, %mul3A_73 : i32
    %mul3A_75 = arith.constant 632 : i32
    %mul3A_76 = arith.muli %arg1, %mul3A_75 : i32
    %add3A_77 = arith.addi %mul3A_74, %mul3A_76 : i32
    %multiple_of3A_78 = tpu.assume_multiple %add3A_77, 8 : i32
    "tpu.region"() ({
      %run_scoped3A = tpu.sem_alloc : memref<!tpu.dma_semaphore, #tpu.memory_space<semaphore_mem>>
      %dma_start3A_79 = arith.constant 0 : i32
      %dma_start3A_80 = tpu.memref_slice %arg6[%multiple_of3A_78, %dma_start3A_79] : memref<20224x128xf32, #tpu.memory_space<hbm>> -> memref<632x128xf32, #tpu.memory_space<hbm>>
      %dma_start3A_81 = arith.constant 0 : i32
      %dma_start3A_82 = tpu.memref_slice %arg17[%multiple_of3A, %dma_start3A_81] : memref<10112x128xf32, #tpu.memory_space<vmem_shared>> -> memref<632x128xf32, #tpu.memory_space<vmem_shared>>
      tpu.enqueue_dma source(%dma_start3A_82 : memref<632x128xf32, #tpu.memory_space<vmem_shared>>) target(%dma_start3A_80 : memref<632x128xf32, #tpu.memory_space<hbm>>) target_semaphore(%run_scoped3A : memref<!tpu.dma_semaphore, #tpu.memory_space<semaphore_mem>>)
      %dma_wait3A_83 = arith.constant 0 : i32
      %dma_wait3A_84 = tpu.memref_slice %arg6[%multiple_of3A_78, %dma_wait3A_83] : memref<20224x128xf32, #tpu.memory_space<hbm>> -> memref<632x128xf32, #tpu.memory_space<hbm>>
      %dma_wait3A_85 = arith.constant 0 : i32
      %dma_wait3A_86 = tpu.memref_slice %arg17[%multiple_of3A, %dma_wait3A_85] : memref<10112x128xf32, #tpu.memory_space<vmem_shared>> -> memref<632x128xf32, #tpu.memory_space<vmem_shared>>
      tpu.wait_dma2 semaphore(%run_scoped3A : memref<!tpu.dma_semaphore, #tpu.memory_space<semaphore_mem>>) src(%dma_wait3A_86 : memref<632x128xf32, #tpu.memory_space<vmem_shared>>) dst(%dma_wait3A_84 : memref<632x128xf32, #tpu.memory_space<hbm>>)
      tpu.yield
    }) : () -> ()
    return
  }
}

#map = affine_map<(d0, d1) -> (0)>
#map1 = affine_map<(d0, d1) -> (0, 0)>
module attributes {stable_mosaic.version = 14 : i64} {
  func.func @_spmm_kernel(%arg0: i32, %arg1: i32, %arg2: memref<320000xi32, #tpu.memory_space<hbm>>, %arg3: memref<320000xi32, #tpu.memory_space<hbm>>, %arg4: memref<10000x128xf32, #tpu.memory_space<hbm>>, %arg5: memref<632x128xf32, #tpu.memory_space<hbm>>, %arg6: memref<20224x128xf32, #tpu.memory_space<hbm>>, %arg7: memref<128xi32, #tpu.memory_space<vmem>>, %arg8: memref<128xi32, #tpu.memory_space<vmem>>, %arg9: memref<128xi32, #tpu.memory_space<vmem>>, %arg10: memref<128xi32, #tpu.memory_space<vmem>>, %arg11: memref<128xi32, #tpu.memory_space<vmem>>, %arg12: memref<128xi32, #tpu.memory_space<vmem>>, %arg13: memref<128xi32, #tpu.memory_space<vmem>>, %arg14: memref<128xi32, #tpu.memory_space<vmem>>, %arg15: memref<128x128xf32, #tpu.memory_space<vmem>>, %arg16: memref<128x128xf32, #tpu.memory_space<vmem>>, %arg17: memref<10112x128xf32, #tpu.memory_space<vmem_shared>>, %arg18: memref<!tpu.dma_semaphore, #tpu.memory_space<semaphore_mem>>, %arg19: memref<!tpu.dma_semaphore, #tpu.memory_space<semaphore_mem>>, %arg20: memref<!tpu.dma_semaphore, #tpu.memory_space<semaphore_mem>>, %arg21: memref<!tpu.dma_semaphore, #tpu.memory_space<semaphore_mem>>, %arg22: memref<!tpu.dma_semaphore, #tpu.memory_space<semaphore_mem>>, %arg23: memref<!tpu.dma_semaphore, #tpu.memory_space<semaphore_mem>>) attributes {dimension_semantics = [#tpu.dimension_semantics<core_parallel>, #tpu.dimension_semantics<subcore_parallel>], iteration_bounds = array<i64: 2, 16>, scalar_prefetch = 0 : i64, scratch_operands = 17 : i64, tpu.core_type = #tpu.core_type<sc_vector_subcore>, window_params = [{transform_indices = #map}, {transform_indices = #map}, {transform_indices = #map1}, {transform_indices = #map1}, {transform_indices = #map1}]} {
    %mul3A = arith.constant 2 : i32
    %mul3A_0 = arith.muli %arg1, %mul3A : i32
    %add3A = arith.addi %mul3A_0, %arg0 : i32
    %mul3A_1 = arith.constant 632 : i32
    %mul3A_2 = arith.muli %arg1, %mul3A_1 : i32
    %multiple_of3A = tpu.assume_multiple %mul3A_2, 8 : i32
    "tpu.region"() ({
      %run_scoped3A = tpu.sem_alloc : memref<!tpu.dma_semaphore, #tpu.memory_space<semaphore_mem>>
      %dma_start3A_79 = arith.constant 0 : i32
      %dma_start3A_80 = tpu.memref_slice %arg17[%multiple_of3A, %dma_start3A_79] : memref<10112x128xf32, #tpu.memory_space<vmem_shared>> -> memref<632x128xf32, #tpu.memory_space<vmem_shared>>
      tpu.enqueue_dma source(%arg5 : memref<632x128xf32, #tpu.memory_space<hbm>>) target(%dma_start3A_80 : memref<632x128xf32, #tpu.memory_space<vmem_shared>>) target_semaphore(%run_scoped3A : memref<!tpu.dma_semaphore, #tpu.memory_space<semaphore_mem>>)
      %dma_wait3A_81 = arith.constant 0 : i32
      %dma_wait3A_82 = tpu.memref_slice %arg17[%multiple_of3A, %dma_wait3A_81] : memref<10112x128xf32, #tpu.memory_space<vmem_shared>> -> memref<632x128xf32, #tpu.memory_space<vmem_shared>>
      tpu.wait_dma2 semaphore(%run_scoped3A : memref<!tpu.dma_semaphore, #tpu.memory_space<semaphore_mem>>) src(%arg5 : memref<632x128xf32, #tpu.memory_space<hbm>>) dst(%dma_wait3A_82 : memref<632x128xf32, #tpu.memory_space<vmem_shared>>)
      tpu.yield
    }) : () -> ()
    %barrier3A = arith.constant 0 : index
    tpu.barrier barrier_id(%barrier3A)
    %add3A_3 = arith.constant 0 : i32
    %add3A_4 = arith.addi %add3A, %add3A_3 : i32
    %mul3A_5 = arith.constant 128 : i32
    %mul3A_6 = arith.muli %add3A_4, %mul3A_5 : i32
    %multiple_of3A_7 = tpu.assume_multiple %mul3A_6, 8 : i32
    %dma_start3A = tpu.memref_slice %arg2[%multiple_of3A_7] : memref<320000xi32, #tpu.memory_space<hbm>> -> memref<128xi32, #tpu.memory_space<hbm>>
    %dma_start3A_8 = tpu.memref_slice %arg2[%multiple_of3A_7] : memref<320000xi32, #tpu.memory_space<hbm>> -> memref<128xi32, #tpu.memory_space<hbm>>
    tpu.enqueue_dma source(%dma_start3A_8 : memref<128xi32, #tpu.memory_space<hbm>>) target(%arg7 : memref<128xi32, #tpu.memory_space<vmem>>) target_semaphore(%arg18 : memref<!tpu.dma_semaphore, #tpu.memory_space<semaphore_mem>>)
    %dma_start3A_9 = tpu.memref_slice %arg3[%multiple_of3A_7] : memref<320000xi32, #tpu.memory_space<hbm>> -> memref<128xi32, #tpu.memory_space<hbm>>
    %dma_start3A_10 = tpu.memref_slice %arg3[%multiple_of3A_7] : memref<320000xi32, #tpu.memory_space<hbm>> -> memref<128xi32, #tpu.memory_space<hbm>>
    tpu.enqueue_dma source(%dma_start3A_10 : memref<128xi32, #tpu.memory_space<hbm>>) target(%arg11 : memref<128xi32, #tpu.memory_space<vmem>>) target_semaphore(%arg18 : memref<!tpu.dma_semaphore, #tpu.memory_space<semaphore_mem>>)
    %add3A_11 = arith.constant 32 : i32
    %add3A_12 = arith.addi %add3A, %add3A_11 : i32
    %mul3A_13 = arith.constant 128 : i32
    %mul3A_14 = arith.muli %add3A_12, %mul3A_13 : i32
    %multiple_of3A_15 = tpu.assume_multiple %mul3A_14, 8 : i32
    %dma_start3A_16 = tpu.memref_slice %arg2[%multiple_of3A_15] : memref<320000xi32, #tpu.memory_space<hbm>> -> memref<128xi32, #tpu.memory_space<hbm>>
    %dma_start3A_17 = tpu.memref_slice %arg2[%multiple_of3A_15] : memref<320000xi32, #tpu.memory_space<hbm>> -> memref<128xi32, #tpu.memory_space<hbm>>
    tpu.enqueue_dma source(%dma_start3A_17 : memref<128xi32, #tpu.memory_space<hbm>>) target(%arg8 : memref<128xi32, #tpu.memory_space<vmem>>) target_semaphore(%arg19 : memref<!tpu.dma_semaphore, #tpu.memory_space<semaphore_mem>>)
    %dma_start3A_18 = tpu.memref_slice %arg3[%multiple_of3A_15] : memref<320000xi32, #tpu.memory_space<hbm>> -> memref<128xi32, #tpu.memory_space<hbm>>
    %dma_start3A_19 = tpu.memref_slice %arg3[%multiple_of3A_15] : memref<320000xi32, #tpu.memory_space<hbm>> -> memref<128xi32, #tpu.memory_space<hbm>>
    tpu.enqueue_dma source(%dma_start3A_19 : memref<128xi32, #tpu.memory_space<hbm>>) target(%arg12 : memref<128xi32, #tpu.memory_space<vmem>>) target_semaphore(%arg19 : memref<!tpu.dma_semaphore, #tpu.memory_space<semaphore_mem>>)
    %add3A_20 = arith.constant 64 : i32
    %add3A_21 = arith.addi %add3A, %add3A_20 : i32
    %mul3A_22 = arith.constant 128 : i32
    %mul3A_23 = arith.muli %add3A_21, %mul3A_22 : i32
    %multiple_of3A_24 = tpu.assume_multiple %mul3A_23, 8 : i32
    %dma_start3A_25 = tpu.memref_slice %arg2[%multiple_of3A_24] : memref<320000xi32, #tpu.memory_space<hbm>> -> memref<128xi32, #tpu.memory_space<hbm>>
    %dma_start3A_26 = tpu.memref_slice %arg2[%multiple_of3A_24] : memref<320000xi32, #tpu.memory_space<hbm>> -> memref<128xi32, #tpu.memory_space<hbm>>
    tpu.enqueue_dma source(%dma_start3A_26 : memref<128xi32, #tpu.memory_space<hbm>>) target(%arg9 : memref<128xi32, #tpu.memory_space<vmem>>) target_semaphore(%arg20 : memref<!tpu.dma_semaphore, #tpu.memory_space<semaphore_mem>>)
    %dma_start3A_27 = tpu.memref_slice %arg3[%multiple_of3A_24] : memref<320000xi32, #tpu.memory_space<hbm>> -> memref<128xi32, #tpu.memory_space<hbm>>
    %dma_start3A_28 = tpu.memref_slice %arg3[%multiple_of3A_24] : memref<320000xi32, #tpu.memory_space<hbm>> -> memref<128xi32, #tpu.memory_space<hbm>>
    tpu.enqueue_dma source(%dma_start3A_28 : memref<128xi32, #tpu.memory_space<hbm>>) target(%arg13 : memref<128xi32, #tpu.memory_space<vmem>>) target_semaphore(%arg20 : memref<!tpu.dma_semaphore, #tpu.memory_space<semaphore_mem>>)
    %add3A_29 = arith.constant 96 : i32
    %add3A_30 = arith.addi %add3A, %add3A_29 : i32
    %mul3A_31 = arith.constant 128 : i32
    %mul3A_32 = arith.muli %add3A_30, %mul3A_31 : i32
    %multiple_of3A_33 = tpu.assume_multiple %mul3A_32, 8 : i32
    %dma_start3A_34 = tpu.memref_slice %arg2[%multiple_of3A_33] : memref<320000xi32, #tpu.memory_space<hbm>> -> memref<128xi32, #tpu.memory_space<hbm>>
    %dma_start3A_35 = tpu.memref_slice %arg2[%multiple_of3A_33] : memref<320000xi32, #tpu.memory_space<hbm>> -> memref<128xi32, #tpu.memory_space<hbm>>
    tpu.enqueue_dma source(%dma_start3A_35 : memref<128xi32, #tpu.memory_space<hbm>>) target(%arg10 : memref<128xi32, #tpu.memory_space<vmem>>) target_semaphore(%arg21 : memref<!tpu.dma_semaphore, #tpu.memory_space<semaphore_mem>>)
    %dma_start3A_36 = tpu.memref_slice %arg3[%multiple_of3A_33] : memref<320000xi32, #tpu.memory_space<hbm>> -> memref<128xi32, #tpu.memory_space<hbm>>
    %dma_start3A_37 = tpu.memref_slice %arg3[%multiple_of3A_33] : memref<320000xi32, #tpu.memory_space<hbm>> -> memref<128xi32, #tpu.memory_space<hbm>>
    tpu.enqueue_dma source(%dma_start3A_37 : memref<128xi32, #tpu.memory_space<hbm>>) target(%arg14 : memref<128xi32, #tpu.memory_space<vmem>>) target_semaphore(%arg21 : memref<!tpu.dma_semaphore, #tpu.memory_space<semaphore_mem>>)
    %dma_wait3A = arith.constant 0 : i32
    %dma_wait3A_38 = tpu.memref_slice %arg2[%dma_wait3A] : memref<320000xi32, #tpu.memory_space<hbm>> -> memref<128xi32, #tpu.memory_space<hbm>>
    %dma_wait3A_39 = arith.constant 0 : i32
    %dma_wait3A_40 = tpu.memref_slice %arg2[%dma_wait3A_39] : memref<320000xi32, #tpu.memory_space<hbm>> -> memref<128xi32, #tpu.memory_space<hbm>>
    tpu.wait_dma2 semaphore(%arg18 : memref<!tpu.dma_semaphore, #tpu.memory_space<semaphore_mem>>) src(%dma_wait3A_40 : memref<128xi32, #tpu.memory_space<hbm>>) dst(%arg7 : memref<128xi32, #tpu.memory_space<vmem>>)
    %dma_wait3A_41 = arith.constant 0 : i32
    %dma_wait3A_42 = tpu.memref_slice %arg3[%dma_wait3A_41] : memref<320000xi32, #tpu.memory_space<hbm>> -> memref<128xi32, #tpu.memory_space<hbm>>
    %dma_wait3A_43 = arith.constant 0 : i32
    %dma_wait3A_44 = tpu.memref_slice %arg3[%dma_wait3A_43] : memref<320000xi32, #tpu.memory_space<hbm>> -> memref<128xi32, #tpu.memory_space<hbm>>
    tpu.wait_dma2 semaphore(%arg18 : memref<!tpu.dma_semaphore, #tpu.memory_space<semaphore_mem>>) src(%dma_wait3A_44 : memref<128xi32, #tpu.memory_space<hbm>>) dst(%arg11 : memref<128xi32, #tpu.memory_space<vmem>>)
    %dma_start3A_45 = arith.constant 0 : i32
    %dma_start3A_46 = arith.constant 0 : i32
    %dma_start3A_47 = tpu.memref_slice %arg4[%dma_start3A_45, %dma_start3A_46] : memref<10000x128xf32, #tpu.memory_space<hbm>> -> memref<10000x128xf32, #tpu.memory_space<hbm>>
    tpu.enqueue_indirect_dma source(%dma_start3A_47 : memref<10000x128xf32, #tpu.memory_space<hbm>>) target(%arg15 : memref<128x128xf32, #tpu.memory_space<vmem>>) offsets(%arg7 : memref<128xi32, #tpu.memory_space<vmem>>) semaphore(%arg22 : memref<!tpu.dma_semaphore, #tpu.memory_space<semaphore_mem>>)
    %dma_wait3A_48 = arith.constant 0 : i32
    %dma_wait3A_49 = tpu.memref_slice %arg2[%dma_wait3A_48] : memref<320000xi32, #tpu.memory_space<hbm>> -> memref<128xi32, #tpu.memory_space<hbm>>
    %dma_wait3A_50 = arith.constant 0 : i32
    %dma_wait3A_51 = tpu.memref_slice %arg2[%dma_wait3A_50] : memref<320000xi32, #tpu.memory_space<hbm>> -> memref<128xi32, #tpu.memory_space<hbm>>
    tpu.wait_dma2 semaphore(%arg19 : memref<!tpu.dma_semaphore, #tpu.memory_space<semaphore_mem>>) src(%dma_wait3A_51 : memref<128xi32, #tpu.memory_space<hbm>>) dst(%arg8 : memref<128xi32, #tpu.memory_space<vmem>>)
    %dma_wait3A_52 = arith.constant 0 : i32
    %dma_wait3A_53 = tpu.memref_slice %arg3[%dma_wait3A_52] : memref<320000xi32, #tpu.memory_space<hbm>> -> memref<128xi32, #tpu.memory_space<hbm>>
    %dma_wait3A_54 = arith.constant 0 : i32
    %dma_wait3A_55 = tpu.memref_slice %arg3[%dma_wait3A_54] : memref<320000xi32, #tpu.memory_space<hbm>> -> memref<128xi32, #tpu.memory_space<hbm>>
    tpu.wait_dma2 semaphore(%arg19 : memref<!tpu.dma_semaphore, #tpu.memory_space<semaphore_mem>>) src(%dma_wait3A_55 : memref<128xi32, #tpu.memory_space<hbm>>) dst(%arg12 : memref<128xi32, #tpu.memory_space<vmem>>)
    %dma_start3A_56 = arith.constant 0 : i32
    %dma_start3A_57 = arith.constant 0 : i32
    %dma_start3A_58 = tpu.memref_slice %arg4[%dma_start3A_56, %dma_start3A_57] : memref<10000x128xf32, #tpu.memory_space<hbm>> -> memref<10000x128xf32, #tpu.memory_space<hbm>>
    tpu.enqueue_indirect_dma source(%dma_start3A_58 : memref<10000x128xf32, #tpu.memory_space<hbm>>) target(%arg16 : memref<128x128xf32, #tpu.memory_space<vmem>>) offsets(%arg8 : memref<128xi32, #tpu.memory_space<vmem>>) semaphore(%arg23 : memref<!tpu.dma_semaphore, #tpu.memory_space<semaphore_mem>>)
    %scan3A = arith.constant 0 : i32
    %scan3A_59 = arith.constant 0 : i32
    %scan3A_60 = arith.constant 19 : i32
    %scan3A_61 = arith.addi %scan3A_59, %scan3A_60 : i32
    %scan3A_62 = arith.constant 1 : i32
    scf.for %scan3A_79 = %scan3A_59 to %scan3A_61 step %scan3A_62  : i32 {
      %mul3A_80 = arith.constant 4 : i32
      %mul3A_81 = arith.muli %scan3A_79, %mul3A_80 : i32
      %add3A_82 = arith.constant 0 : i32
      %add3A_83 = arith.addi %mul3A_81, %add3A_82 : i32
      %dma_wait3A_84 = arith.constant 0 : i32
      %dma_wait3A_85 = arith.constant 0 : i32
      %dma_wait3A_86 = tpu.memref_slice %arg4[%dma_wait3A_84, %dma_wait3A_85] : memref<10000x128xf32, #tpu.memory_space<hbm>> -> memref<10000x128xf32, #tpu.memory_space<hbm>>
      tpu.wait_indirect_dma semaphore(%arg22 : memref<!tpu.dma_semaphore, #tpu.memory_space<semaphore_mem>>) src(%dma_wait3A_86 : memref<10000x128xf32, #tpu.memory_space<hbm>>) dst(%arg15 : memref<128x128xf32, #tpu.memory_space<vmem>>)
      "tpu.region"() ({
        %run_scoped3A = tpu.sem_alloc : memref<!tpu.dma_semaphore, #tpu.memory_space<semaphore_mem>>
        %dma_start3A_164 = arith.constant 0 : i32
        %dma_start3A_165 = arith.constant 0 : i32
        %dma_start3A_166 = tpu.memref_slice %arg17[%dma_start3A_164, %dma_start3A_165] : memref<10112x128xf32, #tpu.memory_space<vmem_shared>> -> memref<10112x128xf32, #tpu.memory_space<vmem_shared>>
        tpu.enqueue_indirect_dma source(%arg15 : memref<128x128xf32, #tpu.memory_space<vmem>>) target(%dma_start3A_166 : memref<10112x128xf32, #tpu.memory_space<vmem_shared>>) offsets(%arg11 : memref<128xi32, #tpu.memory_space<vmem>>) semaphore(%run_scoped3A : memref<!tpu.dma_semaphore, #tpu.memory_space<semaphore_mem>>) {add = true}
        %dma_wait3A_167 = arith.constant 0 : i32
        %dma_wait3A_168 = arith.constant 0 : i32
        %dma_wait3A_169 = tpu.memref_slice %arg17[%dma_wait3A_167, %dma_wait3A_168] : memref<10112x128xf32, #tpu.memory_space<vmem_shared>> -> memref<10112x128xf32, #tpu.memory_space<vmem_shared>>
        tpu.wait_indirect_dma semaphore(%run_scoped3A : memref<!tpu.dma_semaphore, #tpu.memory_space<semaphore_mem>>) src(%arg15 : memref<128x128xf32, #tpu.memory_space<vmem>>) dst(%dma_wait3A_169 : memref<10112x128xf32, #tpu.memory_space<vmem_shared>>)
        tpu.yield
      }) : () -> ()
      %add3A_87 = arith.constant 4 : i32
      %add3A_88 = arith.addi %add3A_83, %add3A_87 : i32
      %lt3A_89 = arith.constant 78 : i32
      %lt3A_90 = arith.cmpi slt, %add3A_88, %lt3A_89 : i32
      %convert_element_type3A_91 = arith.extui %lt3A_90 : i1 to i32
      %cond3A_92 = arith.constant 0 : i32
      %cond3A_93 = arith.cmpi ne, %convert_element_type3A_91, %cond3A_92 : i32
      scf.if %cond3A_93 {
        %add3A_164 = arith.constant 4 : i32
        %add3A_165 = arith.addi %add3A_83, %add3A_164 : i32
        %mul3A_166 = arith.constant 32 : i32
        %mul3A_167 = arith.muli %add3A_165, %mul3A_166 : i32
        %add3A_168 = arith.addi %add3A, %mul3A_167 : i32
        %mul3A_169 = arith.constant 128 : i32
        %mul3A_170 = arith.muli %add3A_168, %mul3A_169 : i32
        %multiple_of3A_171 = tpu.assume_multiple %mul3A_170, 8 : i32
        %dma_start3A_172 = tpu.memref_slice %arg2[%multiple_of3A_171] : memref<320000xi32, #tpu.memory_space<hbm>> -> memref<128xi32, #tpu.memory_space<hbm>>
        %dma_start3A_173 = tpu.memref_slice %arg2[%multiple_of3A_171] : memref<320000xi32, #tpu.memory_space<hbm>> -> memref<128xi32, #tpu.memory_space<hbm>>
        tpu.enqueue_dma source(%dma_start3A_173 : memref<128xi32, #tpu.memory_space<hbm>>) target(%arg7 : memref<128xi32, #tpu.memory_space<vmem>>) target_semaphore(%arg18 : memref<!tpu.dma_semaphore, #tpu.memory_space<semaphore_mem>>)
        %dma_start3A_174 = tpu.memref_slice %arg3[%multiple_of3A_171] : memref<320000xi32, #tpu.memory_space<hbm>> -> memref<128xi32, #tpu.memory_space<hbm>>
        %dma_start3A_175 = tpu.memref_slice %arg3[%multiple_of3A_171] : memref<320000xi32, #tpu.memory_space<hbm>> -> memref<128xi32, #tpu.memory_space<hbm>>
        tpu.enqueue_dma source(%dma_start3A_175 : memref<128xi32, #tpu.memory_space<hbm>>) target(%arg11 : memref<128xi32, #tpu.memory_space<vmem>>) target_semaphore(%arg18 : memref<!tpu.dma_semaphore, #tpu.memory_space<semaphore_mem>>)
      } else {
      }
      %add3A_94 = arith.constant 2 : i32
      %add3A_95 = arith.addi %add3A_83, %add3A_94 : i32
      %lt3A_96 = arith.constant 78 : i32
      %lt3A_97 = arith.cmpi slt, %add3A_95, %lt3A_96 : i32
      %convert_element_type3A_98 = arith.extui %lt3A_97 : i1 to i32
      %cond3A_99 = arith.constant 0 : i32
      %cond3A_100 = arith.cmpi ne, %convert_element_type3A_98, %cond3A_99 : i32
      scf.if %cond3A_100 {
        %dma_wait3A_164 = arith.constant 0 : i32
        %dma_wait3A_165 = tpu.memref_slice %arg2[%dma_wait3A_164] : memref<320000xi32, #tpu.memory_space<hbm>> -> memref<128xi32, #tpu.memory_space<hbm>>
        %dma_wait3A_166 = arith.constant 0 : i32
        %dma_wait3A_167 = tpu.memref_slice %arg2[%dma_wait3A_166] : memref<320000xi32, #tpu.memory_space<hbm>> -> memref<128xi32, #tpu.memory_space<hbm>>
        tpu.wait_dma2 semaphore(%arg20 : memref<!tpu.dma_semaphore, #tpu.memory_space<semaphore_mem>>) src(%dma_wait3A_167 : memref<128xi32, #tpu.memory_space<hbm>>) dst(%arg9 : memref<128xi32, #tpu.memory_space<vmem>>)
        %dma_wait3A_168 = arith.constant 0 : i32
        %dma_wait3A_169 = tpu.memref_slice %arg3[%dma_wait3A_168] : memref<320000xi32, #tpu.memory_space<hbm>> -> memref<128xi32, #tpu.memory_space<hbm>>
        %dma_wait3A_170 = arith.constant 0 : i32
        %dma_wait3A_171 = tpu.memref_slice %arg3[%dma_wait3A_170] : memref<320000xi32, #tpu.memory_space<hbm>> -> memref<128xi32, #tpu.memory_space<hbm>>
        tpu.wait_dma2 semaphore(%arg20 : memref<!tpu.dma_semaphore, #tpu.memory_space<semaphore_mem>>) src(%dma_wait3A_171 : memref<128xi32, #tpu.memory_space<hbm>>) dst(%arg13 : memref<128xi32, #tpu.memory_space<vmem>>)
        %dma_start3A_172 = arith.constant 0 : i32
        %dma_start3A_173 = arith.constant 0 : i32
        %dma_start3A_174 = tpu.memref_slice %arg4[%dma_start3A_172, %dma_start3A_173] : memref<10000x128xf32, #tpu.memory_space<hbm>> -> memref<10000x128xf32, #tpu.memory_space<hbm>>
        tpu.enqueue_indirect_dma source(%dma_start3A_174 : memref<10000x128xf32, #tpu.memory_space<hbm>>) target(%arg15 : memref<128x128xf32, #tpu.memory_space<vmem>>) offsets(%arg9 : memref<128xi32, #tpu.memory_space<vmem>>) semaphore(%arg22 : memref<!tpu.dma_semaphore, #tpu.memory_space<semaphore_mem>>)
      } else {
      }
      %mul3A_101 = arith.constant 4 : i32
      %mul3A_102 = arith.muli %scan3A_79, %mul3A_101 : i32
      %add3A_103 = arith.constant 1 : i32
      %add3A_104 = arith.addi %mul3A_102, %add3A_103 : i32
      %dma_wait3A_105 = arith.constant 0 : i32
      %dma_wait3A_106 = arith.constant 0 : i32
      %dma_wait3A_107 = tpu.memref_slice %arg4[%dma_wait3A_105, %dma_wait3A_106] : memref<10000x128xf32, #tpu.memory_space<hbm>> -> memref<10000x128xf32, #tpu.memory_space<hbm>>
      tpu.wait_indirect_dma semaphore(%arg23 : memref<!tpu.dma_semaphore, #tpu.memory_space<semaphore_mem>>) src(%dma_wait3A_107 : memref<10000x128xf32, #tpu.memory_space<hbm>>) dst(%arg16 : memref<128x128xf32, #tpu.memory_space<vmem>>)
      "tpu.region"() ({
        %run_scoped3A = tpu.sem_alloc : memref<!tpu.dma_semaphore, #tpu.memory_space<semaphore_mem>>
        %dma_start3A_164 = arith.constant 0 : i32
        %dma_start3A_165 = arith.constant 0 : i32
        %dma_start3A_166 = tpu.memref_slice %arg17[%dma_start3A_164, %dma_start3A_165] : memref<10112x128xf32, #tpu.memory_space<vmem_shared>> -> memref<10112x128xf32, #tpu.memory_space<vmem_shared>>
        tpu.enqueue_indirect_dma source(%arg16 : memref<128x128xf32, #tpu.memory_space<vmem>>) target(%dma_start3A_166 : memref<10112x128xf32, #tpu.memory_space<vmem_shared>>) offsets(%arg12 : memref<128xi32, #tpu.memory_space<vmem>>) semaphore(%run_scoped3A : memref<!tpu.dma_semaphore, #tpu.memory_space<semaphore_mem>>) {add = true}
        %dma_wait3A_167 = arith.constant 0 : i32
        %dma_wait3A_168 = arith.constant 0 : i32
        %dma_wait3A_169 = tpu.memref_slice %arg17[%dma_wait3A_167, %dma_wait3A_168] : memref<10112x128xf32, #tpu.memory_space<vmem_shared>> -> memref<10112x128xf32, #tpu.memory_space<vmem_shared>>
        tpu.wait_indirect_dma semaphore(%run_scoped3A : memref<!tpu.dma_semaphore, #tpu.memory_space<semaphore_mem>>) src(%arg16 : memref<128x128xf32, #tpu.memory_space<vmem>>) dst(%dma_wait3A_169 : memref<10112x128xf32, #tpu.memory_space<vmem_shared>>)
        tpu.yield
      }) : () -> ()
      %add3A_108 = arith.constant 4 : i32
      %add3A_109 = arith.addi %add3A_104, %add3A_108 : i32
      %lt3A_110 = arith.constant 78 : i32
      %lt3A_111 = arith.cmpi slt, %add3A_109, %lt3A_110 : i32
      %convert_element_type3A_112 = arith.extui %lt3A_111 : i1 to i32
      %cond3A_113 = arith.constant 0 : i32
      %cond3A_114 = arith.cmpi ne, %convert_element_type3A_112, %cond3A_113 : i32
      scf.if %cond3A_114 {
        %add3A_164 = arith.constant 4 : i32
        %add3A_165 = arith.addi %add3A_104, %add3A_164 : i32
        %mul3A_166 = arith.constant 32 : i32
        %mul3A_167 = arith.muli %add3A_165, %mul3A_166 : i32
        %add3A_168 = arith.addi %add3A, %mul3A_167 : i32
        %mul3A_169 = arith.constant 128 : i32
        %mul3A_170 = arith.muli %add3A_168, %mul3A_169 : i32
        %multiple_of3A_171 = tpu.assume_multiple %mul3A_170, 8 : i32
        %dma_start3A_172 = tpu.memref_slice %arg2[%multiple_of3A_171] : memref<320000xi32, #tpu.memory_space<hbm>> -> memref<128xi32, #tpu.memory_space<hbm>>
        %dma_start3A_173 = tpu.memref_slice %arg2[%multiple_of3A_171] : memref<320000xi32, #tpu.memory_space<hbm>> -> memref<128xi32, #tpu.memory_space<hbm>>
        tpu.enqueue_dma source(%dma_start3A_173 : memref<128xi32, #tpu.memory_space<hbm>>) target(%arg8 : memref<128xi32, #tpu.memory_space<vmem>>) target_semaphore(%arg19 : memref<!tpu.dma_semaphore, #tpu.memory_space<semaphore_mem>>)
        %dma_start3A_174 = tpu.memref_slice %arg3[%multiple_of3A_171] : memref<320000xi32, #tpu.memory_space<hbm>> -> memref<128xi32, #tpu.memory_space<hbm>>
        %dma_start3A_175 = tpu.memref_slice %arg3[%multiple_of3A_171] : memref<320000xi32, #tpu.memory_space<hbm>> -> memref<128xi32, #tpu.memory_space<hbm>>
        tpu.enqueue_dma source(%dma_start3A_175 : memref<128xi32, #tpu.memory_space<hbm>>) target(%arg12 : memref<128xi32, #tpu.memory_space<vmem>>) target_semaphore(%arg19 : memref<!tpu.dma_semaphore, #tpu.memory_space<semaphore_mem>>)
      } else {
      }
      %add3A_115 = arith.constant 2 : i32
      %add3A_116 = arith.addi %add3A_104, %add3A_115 : i32
      %lt3A_117 = arith.constant 78 : i32
      %lt3A_118 = arith.cmpi slt, %add3A_116, %lt3A_117 : i32
      %convert_element_type3A_119 = arith.extui %lt3A_118 : i1 to i32
      %cond3A_120 = arith.constant 0 : i32
      %cond3A_121 = arith.cmpi ne, %convert_element_type3A_119, %cond3A_120 : i32
      scf.if %cond3A_121 {
        %dma_wait3A_164 = arith.constant 0 : i32
        %dma_wait3A_165 = tpu.memref_slice %arg2[%dma_wait3A_164] : memref<320000xi32, #tpu.memory_space<hbm>> -> memref<128xi32, #tpu.memory_space<hbm>>
        %dma_wait3A_166 = arith.constant 0 : i32
        %dma_wait3A_167 = tpu.memref_slice %arg2[%dma_wait3A_166] : memref<320000xi32, #tpu.memory_space<hbm>> -> memref<128xi32, #tpu.memory_space<hbm>>
        tpu.wait_dma2 semaphore(%arg21 : memref<!tpu.dma_semaphore, #tpu.memory_space<semaphore_mem>>) src(%dma_wait3A_167 : memref<128xi32, #tpu.memory_space<hbm>>) dst(%arg10 : memref<128xi32, #tpu.memory_space<vmem>>)
        %dma_wait3A_168 = arith.constant 0 : i32
        %dma_wait3A_169 = tpu.memref_slice %arg3[%dma_wait3A_168] : memref<320000xi32, #tpu.memory_space<hbm>> -> memref<128xi32, #tpu.memory_space<hbm>>
        %dma_wait3A_170 = arith.constant 0 : i32
        %dma_wait3A_171 = tpu.memref_slice %arg3[%dma_wait3A_170] : memref<320000xi32, #tpu.memory_space<hbm>> -> memref<128xi32, #tpu.memory_space<hbm>>
        tpu.wait_dma2 semaphore(%arg21 : memref<!tpu.dma_semaphore, #tpu.memory_space<semaphore_mem>>) src(%dma_wait3A_171 : memref<128xi32, #tpu.memory_space<hbm>>) dst(%arg14 : memref<128xi32, #tpu.memory_space<vmem>>)
        %dma_start3A_172 = arith.constant 0 : i32
        %dma_start3A_173 = arith.constant 0 : i32
        %dma_start3A_174 = tpu.memref_slice %arg4[%dma_start3A_172, %dma_start3A_173] : memref<10000x128xf32, #tpu.memory_space<hbm>> -> memref<10000x128xf32, #tpu.memory_space<hbm>>
        tpu.enqueue_indirect_dma source(%dma_start3A_174 : memref<10000x128xf32, #tpu.memory_space<hbm>>) target(%arg16 : memref<128x128xf32, #tpu.memory_space<vmem>>) offsets(%arg10 : memref<128xi32, #tpu.memory_space<vmem>>) semaphore(%arg23 : memref<!tpu.dma_semaphore, #tpu.memory_space<semaphore_mem>>)
      } else {
      }
      %mul3A_122 = arith.constant 4 : i32
      %mul3A_123 = arith.muli %scan3A_79, %mul3A_122 : i32
      %add3A_124 = arith.constant 2 : i32
      %add3A_125 = arith.addi %mul3A_123, %add3A_124 : i32
      %dma_wait3A_126 = arith.constant 0 : i32
      %dma_wait3A_127 = arith.constant 0 : i32
      %dma_wait3A_128 = tpu.memref_slice %arg4[%dma_wait3A_126, %dma_wait3A_127] : memref<10000x128xf32, #tpu.memory_space<hbm>> -> memref<10000x128xf32, #tpu.memory_space<hbm>>
      tpu.wait_indirect_dma semaphore(%arg22 : memref<!tpu.dma_semaphore, #tpu.memory_space<semaphore_mem>>) src(%dma_wait3A_128 : memref<10000x128xf32, #tpu.memory_space<hbm>>) dst(%arg15 : memref<128x128xf32, #tpu.memory_space<vmem>>)
      "tpu.region"() ({
        %run_scoped3A = tpu.sem_alloc : memref<!tpu.dma_semaphore, #tpu.memory_space<semaphore_mem>>
        %dma_start3A_164 = arith.constant 0 : i32
        %dma_start3A_165 = arith.constant 0 : i32
        %dma_start3A_166 = tpu.memref_slice %arg17[%dma_start3A_164, %dma_start3A_165] : memref<10112x128xf32, #tpu.memory_space<vmem_shared>> -> memref<10112x128xf32, #tpu.memory_space<vmem_shared>>
        tpu.enqueue_indirect_dma source(%arg15 : memref<128x128xf32, #tpu.memory_space<vmem>>) target(%dma_start3A_166 : memref<10112x128xf32, #tpu.memory_space<vmem_shared>>) offsets(%arg13 : memref<128xi32, #tpu.memory_space<vmem>>) semaphore(%run_scoped3A : memref<!tpu.dma_semaphore, #tpu.memory_space<semaphore_mem>>) {add = true}
        %dma_wait3A_167 = arith.constant 0 : i32
        %dma_wait3A_168 = arith.constant 0 : i32
        %dma_wait3A_169 = tpu.memref_slice %arg17[%dma_wait3A_167, %dma_wait3A_168] : memref<10112x128xf32, #tpu.memory_space<vmem_shared>> -> memref<10112x128xf32, #tpu.memory_space<vmem_shared>>
        tpu.wait_indirect_dma semaphore(%run_scoped3A : memref<!tpu.dma_semaphore, #tpu.memory_space<semaphore_mem>>) src(%arg15 : memref<128x128xf32, #tpu.memory_space<vmem>>) dst(%dma_wait3A_169 : memref<10112x128xf32, #tpu.memory_space<vmem_shared>>)
        tpu.yield
      }) : () -> ()
      %add3A_129 = arith.constant 4 : i32
      %add3A_130 = arith.addi %add3A_125, %add3A_129 : i32
      %lt3A_131 = arith.constant 78 : i32
      %lt3A_132 = arith.cmpi slt, %add3A_130, %lt3A_131 : i32
      %convert_element_type3A_133 = arith.extui %lt3A_132 : i1 to i32
      %cond3A_134 = arith.constant 0 : i32
      %cond3A_135 = arith.cmpi ne, %convert_element_type3A_133, %cond3A_134 : i32
      scf.if %cond3A_135 {
        %add3A_164 = arith.constant 4 : i32
        %add3A_165 = arith.addi %add3A_125, %add3A_164 : i32
        %mul3A_166 = arith.constant 32 : i32
        %mul3A_167 = arith.muli %add3A_165, %mul3A_166 : i32
        %add3A_168 = arith.addi %add3A, %mul3A_167 : i32
        %mul3A_169 = arith.constant 128 : i32
        %mul3A_170 = arith.muli %add3A_168, %mul3A_169 : i32
        %multiple_of3A_171 = tpu.assume_multiple %mul3A_170, 8 : i32
        %dma_start3A_172 = tpu.memref_slice %arg2[%multiple_of3A_171] : memref<320000xi32, #tpu.memory_space<hbm>> -> memref<128xi32, #tpu.memory_space<hbm>>
        %dma_start3A_173 = tpu.memref_slice %arg2[%multiple_of3A_171] : memref<320000xi32, #tpu.memory_space<hbm>> -> memref<128xi32, #tpu.memory_space<hbm>>
        tpu.enqueue_dma source(%dma_start3A_173 : memref<128xi32, #tpu.memory_space<hbm>>) target(%arg9 : memref<128xi32, #tpu.memory_space<vmem>>) target_semaphore(%arg20 : memref<!tpu.dma_semaphore, #tpu.memory_space<semaphore_mem>>)
        %dma_start3A_174 = tpu.memref_slice %arg3[%multiple_of3A_171] : memref<320000xi32, #tpu.memory_space<hbm>> -> memref<128xi32, #tpu.memory_space<hbm>>
        %dma_start3A_175 = tpu.memref_slice %arg3[%multiple_of3A_171] : memref<320000xi32, #tpu.memory_space<hbm>> -> memref<128xi32, #tpu.memory_space<hbm>>
        tpu.enqueue_dma source(%dma_start3A_175 : memref<128xi32, #tpu.memory_space<hbm>>) target(%arg13 : memref<128xi32, #tpu.memory_space<vmem>>) target_semaphore(%arg20 : memref<!tpu.dma_semaphore, #tpu.memory_space<semaphore_mem>>)
      } else {
      }
      %add3A_136 = arith.constant 2 : i32
      %add3A_137 = arith.addi %add3A_125, %add3A_136 : i32
      %lt3A_138 = arith.constant 78 : i32
      %lt3A_139 = arith.cmpi slt, %add3A_137, %lt3A_138 : i32
      %convert_element_type3A_140 = arith.extui %lt3A_139 : i1 to i32
      %cond3A_141 = arith.constant 0 : i32
      %cond3A_142 = arith.cmpi ne, %convert_element_type3A_140, %cond3A_141 : i32
      scf.if %cond3A_142 {
        %dma_wait3A_164 = arith.constant 0 : i32
        %dma_wait3A_165 = tpu.memref_slice %arg2[%dma_wait3A_164] : memref<320000xi32, #tpu.memory_space<hbm>> -> memref<128xi32, #tpu.memory_space<hbm>>
        %dma_wait3A_166 = arith.constant 0 : i32
        %dma_wait3A_167 = tpu.memref_slice %arg2[%dma_wait3A_166] : memref<320000xi32, #tpu.memory_space<hbm>> -> memref<128xi32, #tpu.memory_space<hbm>>
        tpu.wait_dma2 semaphore(%arg18 : memref<!tpu.dma_semaphore, #tpu.memory_space<semaphore_mem>>) src(%dma_wait3A_167 : memref<128xi32, #tpu.memory_space<hbm>>) dst(%arg7 : memref<128xi32, #tpu.memory_space<vmem>>)
        %dma_wait3A_168 = arith.constant 0 : i32
        %dma_wait3A_169 = tpu.memref_slice %arg3[%dma_wait3A_168] : memref<320000xi32, #tpu.memory_space<hbm>> -> memref<128xi32, #tpu.memory_space<hbm>>
        %dma_wait3A_170 = arith.constant 0 : i32
        %dma_wait3A_171 = tpu.memref_slice %arg3[%dma_wait3A_170] : memref<320000xi32, #tpu.memory_space<hbm>> -> memref<128xi32, #tpu.memory_space<hbm>>
        tpu.wait_dma2 semaphore(%arg18 : memref<!tpu.dma_semaphore, #tpu.memory_space<semaphore_mem>>) src(%dma_wait3A_171 : memref<128xi32, #tpu.memory_space<hbm>>) dst(%arg11 : memref<128xi32, #tpu.memory_space<vmem>>)
        %dma_start3A_172 = arith.constant 0 : i32
        %dma_start3A_173 = arith.constant 0 : i32
        %dma_start3A_174 = tpu.memref_slice %arg4[%dma_start3A_172, %dma_start3A_173] : memref<10000x128xf32, #tpu.memory_space<hbm>> -> memref<10000x128xf32, #tpu.memory_space<hbm>>
        tpu.enqueue_indirect_dma source(%dma_start3A_174 : memref<10000x128xf32, #tpu.memory_space<hbm>>) target(%arg15 : memref<128x128xf32, #tpu.memory_space<vmem>>) offsets(%arg7 : memref<128xi32, #tpu.memory_space<vmem>>) semaphore(%arg22 : memref<!tpu.dma_semaphore, #tpu.memory_space<semaphore_mem>>)
      } else {
      }
      %mul3A_143 = arith.constant 4 : i32
      %mul3A_144 = arith.muli %scan3A_79, %mul3A_143 : i32
      %add3A_145 = arith.constant 3 : i32
      %add3A_146 = arith.addi %mul3A_144, %add3A_145 : i32
      %dma_wait3A_147 = arith.constant 0 : i32
      %dma_wait3A_148 = arith.constant 0 : i32
      %dma_wait3A_149 = tpu.memref_slice %arg4[%dma_wait3A_147, %dma_wait3A_148] : memref<10000x128xf32, #tpu.memory_space<hbm>> -> memref<10000x128xf32, #tpu.memory_space<hbm>>
      tpu.wait_indirect_dma semaphore(%arg23 : memref<!tpu.dma_semaphore, #tpu.memory_space<semaphore_mem>>) src(%dma_wait3A_149 : memref<10000x128xf32, #tpu.memory_space<hbm>>) dst(%arg16 : memref<128x128xf32, #tpu.memory_space<vmem>>)
      "tpu.region"() ({
        %run_scoped3A = tpu.sem_alloc : memref<!tpu.dma_semaphore, #tpu.memory_space<semaphore_mem>>
        %dma_start3A_164 = arith.constant 0 : i32
        %dma_start3A_165 = arith.constant 0 : i32
        %dma_start3A_166 = tpu.memref_slice %arg17[%dma_start3A_164, %dma_start3A_165] : memref<10112x128xf32, #tpu.memory_space<vmem_shared>> -> memref<10112x128xf32, #tpu.memory_space<vmem_shared>>
        tpu.enqueue_indirect_dma source(%arg16 : memref<128x128xf32, #tpu.memory_space<vmem>>) target(%dma_start3A_166 : memref<10112x128xf32, #tpu.memory_space<vmem_shared>>) offsets(%arg14 : memref<128xi32, #tpu.memory_space<vmem>>) semaphore(%run_scoped3A : memref<!tpu.dma_semaphore, #tpu.memory_space<semaphore_mem>>) {add = true}
        %dma_wait3A_167 = arith.constant 0 : i32
        %dma_wait3A_168 = arith.constant 0 : i32
        %dma_wait3A_169 = tpu.memref_slice %arg17[%dma_wait3A_167, %dma_wait3A_168] : memref<10112x128xf32, #tpu.memory_space<vmem_shared>> -> memref<10112x128xf32, #tpu.memory_space<vmem_shared>>
        tpu.wait_indirect_dma semaphore(%run_scoped3A : memref<!tpu.dma_semaphore, #tpu.memory_space<semaphore_mem>>) src(%arg16 : memref<128x128xf32, #tpu.memory_space<vmem>>) dst(%dma_wait3A_169 : memref<10112x128xf32, #tpu.memory_space<vmem_shared>>)
        tpu.yield
      }) : () -> ()
      %add3A_150 = arith.constant 4 : i32
      %add3A_151 = arith.addi %add3A_146, %add3A_150 : i32
      %lt3A_152 = arith.constant 78 : i32
      %lt3A_153 = arith.cmpi slt, %add3A_151, %lt3A_152 : i32
      %convert_element_type3A_154 = arith.extui %lt3A_153 : i1 to i32
      %cond3A_155 = arith.constant 0 : i32
      %cond3A_156 = arith.cmpi ne, %convert_element_type3A_154, %cond3A_155 : i32
      scf.if %cond3A_156 {
        %add3A_164 = arith.constant 4 : i32
        %add3A_165 = arith.addi %add3A_146, %add3A_164 : i32
        %mul3A_166 = arith.constant 32 : i32
        %mul3A_167 = arith.muli %add3A_165, %mul3A_166 : i32
        %add3A_168 = arith.addi %add3A, %mul3A_167 : i32
        %mul3A_169 = arith.constant 128 : i32
        %mul3A_170 = arith.muli %add3A_168, %mul3A_169 : i32
        %multiple_of3A_171 = tpu.assume_multiple %mul3A_170, 8 : i32
        %dma_start3A_172 = tpu.memref_slice %arg2[%multiple_of3A_171] : memref<320000xi32, #tpu.memory_space<hbm>> -> memref<128xi32, #tpu.memory_space<hbm>>
        %dma_start3A_173 = tpu.memref_slice %arg2[%multiple_of3A_171] : memref<320000xi32, #tpu.memory_space<hbm>> -> memref<128xi32, #tpu.memory_space<hbm>>
        tpu.enqueue_dma source(%dma_start3A_173 : memref<128xi32, #tpu.memory_space<hbm>>) target(%arg10 : memref<128xi32, #tpu.memory_space<vmem>>) target_semaphore(%arg21 : memref<!tpu.dma_semaphore, #tpu.memory_space<semaphore_mem>>)
        %dma_start3A_174 = tpu.memref_slice %arg3[%multiple_of3A_171] : memref<320000xi32, #tpu.memory_space<hbm>> -> memref<128xi32, #tpu.memory_space<hbm>>
        %dma_start3A_175 = tpu.memref_slice %arg3[%multiple_of3A_171] : memref<320000xi32, #tpu.memory_space<hbm>> -> memref<128xi32, #tpu.memory_space<hbm>>
        tpu.enqueue_dma source(%dma_start3A_175 : memref<128xi32, #tpu.memory_space<hbm>>) target(%arg14 : memref<128xi32, #tpu.memory_space<vmem>>) target_semaphore(%arg21 : memref<!tpu.dma_semaphore, #tpu.memory_space<semaphore_mem>>)
      } else {
      }
      %add3A_157 = arith.constant 2 : i32
      %add3A_158 = arith.addi %add3A_146, %add3A_157 : i32
      %lt3A_159 = arith.constant 78 : i32
      %lt3A_160 = arith.cmpi slt, %add3A_158, %lt3A_159 : i32
      %convert_element_type3A_161 = arith.extui %lt3A_160 : i1 to i32
      %cond3A_162 = arith.constant 0 : i32
      %cond3A_163 = arith.cmpi ne, %convert_element_type3A_161, %cond3A_162 : i32
      scf.if %cond3A_163 {
        %dma_wait3A_164 = arith.constant 0 : i32
        %dma_wait3A_165 = tpu.memref_slice %arg2[%dma_wait3A_164] : memref<320000xi32, #tpu.memory_space<hbm>> -> memref<128xi32, #tpu.memory_space<hbm>>
        %dma_wait3A_166 = arith.constant 0 : i32
        %dma_wait3A_167 = tpu.memref_slice %arg2[%dma_wait3A_166] : memref<320000xi32, #tpu.memory_space<hbm>> -> memref<128xi32, #tpu.memory_space<hbm>>
        tpu.wait_dma2 semaphore(%arg19 : memref<!tpu.dma_semaphore, #tpu.memory_space<semaphore_mem>>) src(%dma_wait3A_167 : memref<128xi32, #tpu.memory_space<hbm>>) dst(%arg8 : memref<128xi32, #tpu.memory_space<vmem>>)
        %dma_wait3A_168 = arith.constant 0 : i32
        %dma_wait3A_169 = tpu.memref_slice %arg3[%dma_wait3A_168] : memref<320000xi32, #tpu.memory_space<hbm>> -> memref<128xi32, #tpu.memory_space<hbm>>
        %dma_wait3A_170 = arith.constant 0 : i32
        %dma_wait3A_171 = tpu.memref_slice %arg3[%dma_wait3A_170] : memref<320000xi32, #tpu.memory_space<hbm>> -> memref<128xi32, #tpu.memory_space<hbm>>
        tpu.wait_dma2 semaphore(%arg19 : memref<!tpu.dma_semaphore, #tpu.memory_space<semaphore_mem>>) src(%dma_wait3A_171 : memref<128xi32, #tpu.memory_space<hbm>>) dst(%arg12 : memref<128xi32, #tpu.memory_space<vmem>>)
        %dma_start3A_172 = arith.constant 0 : i32
        %dma_start3A_173 = arith.constant 0 : i32
        %dma_start3A_174 = tpu.memref_slice %arg4[%dma_start3A_172, %dma_start3A_173] : memref<10000x128xf32, #tpu.memory_space<hbm>> -> memref<10000x128xf32, #tpu.memory_space<hbm>>
        tpu.enqueue_indirect_dma source(%dma_start3A_174 : memref<10000x128xf32, #tpu.memory_space<hbm>>) target(%arg16 : memref<128x128xf32, #tpu.memory_space<vmem>>) offsets(%arg8 : memref<128xi32, #tpu.memory_space<vmem>>) semaphore(%arg23 : memref<!tpu.dma_semaphore, #tpu.memory_space<semaphore_mem>>)
      } else {
      }
    }
    %scan3A_63 = arith.constant 19 : i32
    %dma_wait3A_64 = arith.constant 0 : i32
    %dma_wait3A_65 = arith.constant 0 : i32
    %dma_wait3A_66 = tpu.memref_slice %arg4[%dma_wait3A_64, %dma_wait3A_65] : memref<10000x128xf32, #tpu.memory_space<hbm>> -> memref<10000x128xf32, #tpu.memory_space<hbm>>
    tpu.wait_indirect_dma semaphore(%arg22 : memref<!tpu.dma_semaphore, #tpu.memory_space<semaphore_mem>>) src(%dma_wait3A_66 : memref<10000x128xf32, #tpu.memory_space<hbm>>) dst(%arg15 : memref<128x128xf32, #tpu.memory_space<vmem>>)
    "tpu.region"() ({
      %run_scoped3A = tpu.sem_alloc : memref<!tpu.dma_semaphore, #tpu.memory_space<semaphore_mem>>
      %dma_start3A_79 = arith.constant 0 : i32
      %dma_start3A_80 = arith.constant 0 : i32
      %dma_start3A_81 = tpu.memref_slice %arg17[%dma_start3A_79, %dma_start3A_80] : memref<10112x128xf32, #tpu.memory_space<vmem_shared>> -> memref<10112x128xf32, #tpu.memory_space<vmem_shared>>
      tpu.enqueue_indirect_dma source(%arg15 : memref<128x128xf32, #tpu.memory_space<vmem>>) target(%dma_start3A_81 : memref<10112x128xf32, #tpu.memory_space<vmem_shared>>) offsets(%arg11 : memref<128xi32, #tpu.memory_space<vmem>>) semaphore(%run_scoped3A : memref<!tpu.dma_semaphore, #tpu.memory_space<semaphore_mem>>) {add = true}
      %dma_wait3A_82 = arith.constant 0 : i32
      %dma_wait3A_83 = arith.constant 0 : i32
      %dma_wait3A_84 = tpu.memref_slice %arg17[%dma_wait3A_82, %dma_wait3A_83] : memref<10112x128xf32, #tpu.memory_space<vmem_shared>> -> memref<10112x128xf32, #tpu.memory_space<vmem_shared>>
      tpu.wait_indirect_dma semaphore(%run_scoped3A : memref<!tpu.dma_semaphore, #tpu.memory_space<semaphore_mem>>) src(%arg15 : memref<128x128xf32, #tpu.memory_space<vmem>>) dst(%dma_wait3A_84 : memref<10112x128xf32, #tpu.memory_space<vmem_shared>>)
      tpu.yield
    }) : () -> ()
    %dma_wait3A_67 = arith.constant 0 : i32
    %dma_wait3A_68 = arith.constant 0 : i32
    %dma_wait3A_69 = tpu.memref_slice %arg4[%dma_wait3A_67, %dma_wait3A_68] : memref<10000x128xf32, #tpu.memory_space<hbm>> -> memref<10000x128xf32, #tpu.memory_space<hbm>>
    tpu.wait_indirect_dma semaphore(%arg23 : memref<!tpu.dma_semaphore, #tpu.memory_space<semaphore_mem>>) src(%dma_wait3A_69 : memref<10000x128xf32, #tpu.memory_space<hbm>>) dst(%arg16 : memref<128x128xf32, #tpu.memory_space<vmem>>)
    "tpu.region"() ({
      %run_scoped3A = tpu.sem_alloc : memref<!tpu.dma_semaphore, #tpu.memory_space<semaphore_mem>>
      %dma_start3A_79 = arith.constant 0 : i32
      %dma_start3A_80 = arith.constant 0 : i32
      %dma_start3A_81 = tpu.memref_slice %arg17[%dma_start3A_79, %dma_start3A_80] : memref<10112x128xf32, #tpu.memory_space<vmem_shared>> -> memref<10112x128xf32, #tpu.memory_space<vmem_shared>>
      tpu.enqueue_indirect_dma source(%arg16 : memref<128x128xf32, #tpu.memory_space<vmem>>) target(%dma_start3A_81 : memref<10112x128xf32, #tpu.memory_space<vmem_shared>>) offsets(%arg12 : memref<128xi32, #tpu.memory_space<vmem>>) semaphore(%run_scoped3A : memref<!tpu.dma_semaphore, #tpu.memory_space<semaphore_mem>>) {add = true}
      %dma_wait3A_82 = arith.constant 0 : i32
      %dma_wait3A_83 = arith.constant 0 : i32
      %dma_wait3A_84 = tpu.memref_slice %arg17[%dma_wait3A_82, %dma_wait3A_83] : memref<10112x128xf32, #tpu.memory_space<vmem_shared>> -> memref<10112x128xf32, #tpu.memory_space<vmem_shared>>
      tpu.wait_indirect_dma semaphore(%run_scoped3A : memref<!tpu.dma_semaphore, #tpu.memory_space<semaphore_mem>>) src(%arg16 : memref<128x128xf32, #tpu.memory_space<vmem>>) dst(%dma_wait3A_84 : memref<10112x128xf32, #tpu.memory_space<vmem_shared>>)
      tpu.yield
    }) : () -> ()
    %lt3A = arith.constant 4 : i32
    %lt3A_70 = arith.cmpi slt, %add3A, %lt3A : i32
    %convert_element_type3A = arith.extui %lt3A_70 : i1 to i32
    %cond3A = arith.constant 0 : i32
    %cond3A_71 = arith.cmpi ne, %convert_element_type3A, %cond3A : i32
    scf.if %cond3A_71 {
      %add3A_79 = arith.constant 2496 : i32
      %add3A_80 = arith.addi %add3A_79, %add3A : i32
      %mul3A_81 = arith.constant 128 : i32
      %mul3A_82 = arith.muli %add3A_80, %mul3A_81 : i32
      %multiple_of3A_83 = tpu.assume_multiple %mul3A_82, 8 : i32
      "tpu.region"() ({
        %run_scoped3A = tpu.sem_alloc : memref<!tpu.dma_semaphore, #tpu.memory_space<semaphore_mem>>
        %dma_start3A_90 = tpu.memref_slice %arg2[%multiple_of3A_83] : memref<320000xi32, #tpu.memory_space<hbm>> -> memref<128xi32, #tpu.memory_space<hbm>>
        %dma_start3A_91 = tpu.memref_slice %arg2[%multiple_of3A_83] : memref<320000xi32, #tpu.memory_space<hbm>> -> memref<128xi32, #tpu.memory_space<hbm>>
        tpu.enqueue_dma source(%dma_start3A_91 : memref<128xi32, #tpu.memory_space<hbm>>) target(%arg7 : memref<128xi32, #tpu.memory_space<vmem>>) target_semaphore(%run_scoped3A : memref<!tpu.dma_semaphore, #tpu.memory_space<semaphore_mem>>)
        %dma_wait3A_92 = tpu.memref_slice %arg2[%multiple_of3A_83] : memref<320000xi32, #tpu.memory_space<hbm>> -> memref<128xi32, #tpu.memory_space<hbm>>
        %dma_wait3A_93 = tpu.memref_slice %arg2[%multiple_of3A_83] : memref<320000xi32, #tpu.memory_space<hbm>> -> memref<128xi32, #tpu.memory_space<hbm>>
        tpu.wait_dma2 semaphore(%run_scoped3A : memref<!tpu.dma_semaphore, #tpu.memory_space<semaphore_mem>>) src(%dma_wait3A_93 : memref<128xi32, #tpu.memory_space<hbm>>) dst(%arg7 : memref<128xi32, #tpu.memory_space<vmem>>)
        tpu.yield
      }) : () -> ()
      "tpu.region"() ({
        %run_scoped3A = tpu.sem_alloc : memref<!tpu.dma_semaphore, #tpu.memory_space<semaphore_mem>>
        %dma_start3A_90 = tpu.memref_slice %arg3[%multiple_of3A_83] : memref<320000xi32, #tpu.memory_space<hbm>> -> memref<128xi32, #tpu.memory_space<hbm>>
        %dma_start3A_91 = tpu.memref_slice %arg3[%multiple_of3A_83] : memref<320000xi32, #tpu.memory_space<hbm>> -> memref<128xi32, #tpu.memory_space<hbm>>
        tpu.enqueue_dma source(%dma_start3A_91 : memref<128xi32, #tpu.memory_space<hbm>>) target(%arg11 : memref<128xi32, #tpu.memory_space<vmem>>) target_semaphore(%run_scoped3A : memref<!tpu.dma_semaphore, #tpu.memory_space<semaphore_mem>>)
        %dma_wait3A_92 = tpu.memref_slice %arg3[%multiple_of3A_83] : memref<320000xi32, #tpu.memory_space<hbm>> -> memref<128xi32, #tpu.memory_space<hbm>>
        %dma_wait3A_93 = tpu.memref_slice %arg3[%multiple_of3A_83] : memref<320000xi32, #tpu.memory_space<hbm>> -> memref<128xi32, #tpu.memory_space<hbm>>
        tpu.wait_dma2 semaphore(%run_scoped3A : memref<!tpu.dma_semaphore, #tpu.memory_space<semaphore_mem>>) src(%dma_wait3A_93 : memref<128xi32, #tpu.memory_space<hbm>>) dst(%arg11 : memref<128xi32, #tpu.memory_space<vmem>>)
        tpu.yield
      }) : () -> ()
      %dma_start3A_84 = arith.constant 0 : i32
      %dma_start3A_85 = arith.constant 0 : i32
      %dma_start3A_86 = tpu.memref_slice %arg4[%dma_start3A_84, %dma_start3A_85] : memref<10000x128xf32, #tpu.memory_space<hbm>> -> memref<10000x128xf32, #tpu.memory_space<hbm>>
      tpu.enqueue_indirect_dma source(%dma_start3A_86 : memref<10000x128xf32, #tpu.memory_space<hbm>>) target(%arg15 : memref<128x128xf32, #tpu.memory_space<vmem>>) offsets(%arg7 : memref<128xi32, #tpu.memory_space<vmem>>) semaphore(%arg22 : memref<!tpu.dma_semaphore, #tpu.memory_space<semaphore_mem>>)
      %dma_wait3A_87 = arith.constant 0 : i32
      %dma_wait3A_88 = arith.constant 0 : i32
      %dma_wait3A_89 = tpu.memref_slice %arg4[%dma_wait3A_87, %dma_wait3A_88] : memref<10000x128xf32, #tpu.memory_space<hbm>> -> memref<10000x128xf32, #tpu.memory_space<hbm>>
      tpu.wait_indirect_dma semaphore(%arg22 : memref<!tpu.dma_semaphore, #tpu.memory_space<semaphore_mem>>) src(%dma_wait3A_89 : memref<10000x128xf32, #tpu.memory_space<hbm>>) dst(%arg15 : memref<128x128xf32, #tpu.memory_space<vmem>>)
      "tpu.region"() ({
        %run_scoped3A = tpu.sem_alloc : memref<!tpu.dma_semaphore, #tpu.memory_space<semaphore_mem>>
        %dma_start3A_90 = arith.constant 0 : i32
        %dma_start3A_91 = arith.constant 0 : i32
        %dma_start3A_92 = tpu.memref_slice %arg17[%dma_start3A_90, %dma_start3A_91] : memref<10112x128xf32, #tpu.memory_space<vmem_shared>> -> memref<10112x128xf32, #tpu.memory_space<vmem_shared>>
        tpu.enqueue_indirect_dma source(%arg15 : memref<128x128xf32, #tpu.memory_space<vmem>>) target(%dma_start3A_92 : memref<10112x128xf32, #tpu.memory_space<vmem_shared>>) offsets(%arg11 : memref<128xi32, #tpu.memory_space<vmem>>) semaphore(%run_scoped3A : memref<!tpu.dma_semaphore, #tpu.memory_space<semaphore_mem>>) {add = true}
        %dma_wait3A_93 = arith.constant 0 : i32
        %dma_wait3A_94 = arith.constant 0 : i32
        %dma_wait3A_95 = tpu.memref_slice %arg17[%dma_wait3A_93, %dma_wait3A_94] : memref<10112x128xf32, #tpu.memory_space<vmem_shared>> -> memref<10112x128xf32, #tpu.memory_space<vmem_shared>>
        tpu.wait_indirect_dma semaphore(%run_scoped3A : memref<!tpu.dma_semaphore, #tpu.memory_space<semaphore_mem>>) src(%arg15 : memref<128x128xf32, #tpu.memory_space<vmem>>) dst(%dma_wait3A_95 : memref<10112x128xf32, #tpu.memory_space<vmem_shared>>)
        tpu.yield
      }) : () -> ()
    } else {
    }
    %barrier3A_72 = arith.constant 0 : index
    tpu.barrier barrier_id(%barrier3A_72)
    %mul3A_73 = arith.constant 10112 : i32
    %mul3A_74 = arith.muli %arg0, %mul3A_73 : i32
    %mul3A_75 = arith.constant 632 : i32
    %mul3A_76 = arith.muli %arg1, %mul3A_75 : i32
    %add3A_77 = arith.addi %mul3A_74, %mul3A_76 : i32
    %multiple_of3A_78 = tpu.assume_multiple %add3A_77, 8 : i32
    "tpu.region"() ({
      %run_scoped3A = tpu.sem_alloc : memref<!tpu.dma_semaphore, #tpu.memory_space<semaphore_mem>>
      %dma_start3A_79 = arith.constant 0 : i32
      %dma_start3A_80 = tpu.memref_slice %arg6[%multiple_of3A_78, %dma_start3A_79] : memref<20224x128xf32, #tpu.memory_space<hbm>> -> memref<632x128xf32, #tpu.memory_space<hbm>>
      %dma_start3A_81 = arith.constant 0 : i32
      %dma_start3A_82 = tpu.memref_slice %arg17[%multiple_of3A, %dma_start3A_81] : memref<10112x128xf32, #tpu.memory_space<vmem_shared>> -> memref<632x128xf32, #tpu.memory_space<vmem_shared>>
      tpu.enqueue_dma source(%dma_start3A_82 : memref<632x128xf32, #tpu.memory_space<vmem_shared>>) target(%dma_start3A_80 : memref<632x128xf32, #tpu.memory_space<hbm>>) target_semaphore(%run_scoped3A : memref<!tpu.dma_semaphore, #tpu.memory_space<semaphore_mem>>)
      %dma_wait3A_83 = arith.constant 0 : i32
      %dma_wait3A_84 = tpu.memref_slice %arg6[%multiple_of3A_78, %dma_wait3A_83] : memref<20224x128xf32, #tpu.memory_space<hbm>> -> memref<632x128xf32, #tpu.memory_space<hbm>>
      %dma_wait3A_85 = arith.constant 0 : i32
      %dma_wait3A_86 = tpu.memref_slice %arg17[%multiple_of3A, %dma_wait3A_85] : memref<10112x128xf32, #tpu.memory_space<vmem_shared>> -> memref<632x128xf32, #tpu.memory_space<vmem_shared>>
      tpu.wait_dma2 semaphore(%run_scoped3A : memref<!tpu.dma_semaphore, #tpu.memory_space<semaphore_mem>>) src(%dma_wait3A_86 : memref<632x128xf32, #tpu.memory_space<vmem_shared>>) dst(%dma_wait3A_84 : memref<632x128xf32, #tpu.memory_space<hbm>>)
      tpu.yield
    }) : () -> ()
    return
  }
}

#map = affine_map<(d0, d1) -> (0)>
#map1 = affine_map<(d0, d1) -> (0, 0)>
module attributes {stable_mosaic.version = 14 : i64} {
  func.func @_spmm_kernel(%arg0: i32, %arg1: i32, %arg2: memref<320000xi32, #tpu.memory_space<hbm>>, %arg3: memref<320000xi32, #tpu.memory_space<hbm>>, %arg4: memref<10000x128xf32, #tpu.memory_space<hbm>>, %arg5: memref<632x128xf32, #tpu.memory_space<hbm>>, %arg6: memref<20224x128xf32, #tpu.memory_space<hbm>>, %arg7: memref<128xi32, #tpu.memory_space<vmem>>, %arg8: memref<128xi32, #tpu.memory_space<vmem>>, %arg9: memref<128xi32, #tpu.memory_space<vmem>>, %arg10: memref<128xi32, #tpu.memory_space<vmem>>, %arg11: memref<128xi32, #tpu.memory_space<vmem>>, %arg12: memref<128xi32, #tpu.memory_space<vmem>>, %arg13: memref<128xi32, #tpu.memory_space<vmem>>, %arg14: memref<128xi32, #tpu.memory_space<vmem>>, %arg15: memref<128x128xf32, #tpu.memory_space<vmem>>, %arg16: memref<128x128xf32, #tpu.memory_space<vmem>>, %arg17: memref<10112x128xf32, #tpu.memory_space<vmem_shared>>, %arg18: memref<!tpu.dma_semaphore, #tpu.memory_space<semaphore_mem>>, %arg19: memref<!tpu.dma_semaphore, #tpu.memory_space<semaphore_mem>>, %arg20: memref<!tpu.dma_semaphore, #tpu.memory_space<semaphore_mem>>, %arg21: memref<!tpu.dma_semaphore, #tpu.memory_space<semaphore_mem>>, %arg22: memref<!tpu.dma_semaphore, #tpu.memory_space<semaphore_mem>>, %arg23: memref<!tpu.dma_semaphore, #tpu.memory_space<semaphore_mem>>) attributes {dimension_semantics = [#tpu.dimension_semantics<core_parallel>, #tpu.dimension_semantics<subcore_parallel>], iteration_bounds = array<i64: 2, 16>, scalar_prefetch = 0 : i64, scratch_operands = 17 : i64, tpu.core_type = #tpu.core_type<sc_vector_subcore>, window_params = [{transform_indices = #map}, {transform_indices = #map}, {transform_indices = #map1}, {transform_indices = #map1}, {transform_indices = #map1}]} {
    %mul3A = arith.constant 2 : i32
    %mul3A_0 = arith.muli %arg1, %mul3A : i32
    %add3A = arith.addi %mul3A_0, %arg0 : i32
    %mul3A_1 = arith.constant 632 : i32
    %mul3A_2 = arith.muli %arg1, %mul3A_1 : i32
    %multiple_of3A = tpu.assume_multiple %mul3A_2, 8 : i32
    "tpu.region"() ({
      %run_scoped3A = tpu.sem_alloc : memref<!tpu.dma_semaphore, #tpu.memory_space<semaphore_mem>>
      %dma_start3A_79 = arith.constant 0 : i32
      %dma_start3A_80 = tpu.memref_slice %arg17[%multiple_of3A, %dma_start3A_79] : memref<10112x128xf32, #tpu.memory_space<vmem_shared>> -> memref<632x128xf32, #tpu.memory_space<vmem_shared>>
      tpu.enqueue_dma source(%arg5 : memref<632x128xf32, #tpu.memory_space<hbm>>) target(%dma_start3A_80 : memref<632x128xf32, #tpu.memory_space<vmem_shared>>) target_semaphore(%run_scoped3A : memref<!tpu.dma_semaphore, #tpu.memory_space<semaphore_mem>>)
      %dma_wait3A_81 = arith.constant 0 : i32
      %dma_wait3A_82 = tpu.memref_slice %arg17[%multiple_of3A, %dma_wait3A_81] : memref<10112x128xf32, #tpu.memory_space<vmem_shared>> -> memref<632x128xf32, #tpu.memory_space<vmem_shared>>
      tpu.wait_dma2 semaphore(%run_scoped3A : memref<!tpu.dma_semaphore, #tpu.memory_space<semaphore_mem>>) src(%arg5 : memref<632x128xf32, #tpu.memory_space<hbm>>) dst(%dma_wait3A_82 : memref<632x128xf32, #tpu.memory_space<vmem_shared>>)
      tpu.yield
    }) : () -> ()
    %barrier3A = arith.constant 0 : index
    tpu.barrier barrier_id(%barrier3A)
    %add3A_3 = arith.constant 0 : i32
    %add3A_4 = arith.addi %add3A, %add3A_3 : i32
    %mul3A_5 = arith.constant 128 : i32
    %mul3A_6 = arith.muli %add3A_4, %mul3A_5 : i32
    %multiple_of3A_7 = tpu.assume_multiple %mul3A_6, 8 : i32
    %dma_start3A = tpu.memref_slice %arg2[%multiple_of3A_7] : memref<320000xi32, #tpu.memory_space<hbm>> -> memref<128xi32, #tpu.memory_space<hbm>>
    %dma_start3A_8 = tpu.memref_slice %arg2[%multiple_of3A_7] : memref<320000xi32, #tpu.memory_space<hbm>> -> memref<128xi32, #tpu.memory_space<hbm>>
    tpu.enqueue_dma source(%dma_start3A_8 : memref<128xi32, #tpu.memory_space<hbm>>) target(%arg7 : memref<128xi32, #tpu.memory_space<vmem>>) target_semaphore(%arg18 : memref<!tpu.dma_semaphore, #tpu.memory_space<semaphore_mem>>)
    %dma_start3A_9 = tpu.memref_slice %arg3[%multiple_of3A_7] : memref<320000xi32, #tpu.memory_space<hbm>> -> memref<128xi32, #tpu.memory_space<hbm>>
    %dma_start3A_10 = tpu.memref_slice %arg3[%multiple_of3A_7] : memref<320000xi32, #tpu.memory_space<hbm>> -> memref<128xi32, #tpu.memory_space<hbm>>
    tpu.enqueue_dma source(%dma_start3A_10 : memref<128xi32, #tpu.memory_space<hbm>>) target(%arg11 : memref<128xi32, #tpu.memory_space<vmem>>) target_semaphore(%arg18 : memref<!tpu.dma_semaphore, #tpu.memory_space<semaphore_mem>>)
    %add3A_11 = arith.constant 32 : i32
    %add3A_12 = arith.addi %add3A, %add3A_11 : i32
    %mul3A_13 = arith.constant 128 : i32
    %mul3A_14 = arith.muli %add3A_12, %mul3A_13 : i32
    %multiple_of3A_15 = tpu.assume_multiple %mul3A_14, 8 : i32
    %dma_start3A_16 = tpu.memref_slice %arg2[%multiple_of3A_15] : memref<320000xi32, #tpu.memory_space<hbm>> -> memref<128xi32, #tpu.memory_space<hbm>>
    %dma_start3A_17 = tpu.memref_slice %arg2[%multiple_of3A_15] : memref<320000xi32, #tpu.memory_space<hbm>> -> memref<128xi32, #tpu.memory_space<hbm>>
    tpu.enqueue_dma source(%dma_start3A_17 : memref<128xi32, #tpu.memory_space<hbm>>) target(%arg8 : memref<128xi32, #tpu.memory_space<vmem>>) target_semaphore(%arg19 : memref<!tpu.dma_semaphore, #tpu.memory_space<semaphore_mem>>)
    %dma_start3A_18 = tpu.memref_slice %arg3[%multiple_of3A_15] : memref<320000xi32, #tpu.memory_space<hbm>> -> memref<128xi32, #tpu.memory_space<hbm>>
    %dma_start3A_19 = tpu.memref_slice %arg3[%multiple_of3A_15] : memref<320000xi32, #tpu.memory_space<hbm>> -> memref<128xi32, #tpu.memory_space<hbm>>
    tpu.enqueue_dma source(%dma_start3A_19 : memref<128xi32, #tpu.memory_space<hbm>>) target(%arg12 : memref<128xi32, #tpu.memory_space<vmem>>) target_semaphore(%arg19 : memref<!tpu.dma_semaphore, #tpu.memory_space<semaphore_mem>>)
    %add3A_20 = arith.constant 64 : i32
    %add3A_21 = arith.addi %add3A, %add3A_20 : i32
    %mul3A_22 = arith.constant 128 : i32
    %mul3A_23 = arith.muli %add3A_21, %mul3A_22 : i32
    %multiple_of3A_24 = tpu.assume_multiple %mul3A_23, 8 : i32
    %dma_start3A_25 = tpu.memref_slice %arg2[%multiple_of3A_24] : memref<320000xi32, #tpu.memory_space<hbm>> -> memref<128xi32, #tpu.memory_space<hbm>>
    %dma_start3A_26 = tpu.memref_slice %arg2[%multiple_of3A_24] : memref<320000xi32, #tpu.memory_space<hbm>> -> memref<128xi32, #tpu.memory_space<hbm>>
    tpu.enqueue_dma source(%dma_start3A_26 : memref<128xi32, #tpu.memory_space<hbm>>) target(%arg9 : memref<128xi32, #tpu.memory_space<vmem>>) target_semaphore(%arg20 : memref<!tpu.dma_semaphore, #tpu.memory_space<semaphore_mem>>)
    %dma_start3A_27 = tpu.memref_slice %arg3[%multiple_of3A_24] : memref<320000xi32, #tpu.memory_space<hbm>> -> memref<128xi32, #tpu.memory_space<hbm>>
    %dma_start3A_28 = tpu.memref_slice %arg3[%multiple_of3A_24] : memref<320000xi32, #tpu.memory_space<hbm>> -> memref<128xi32, #tpu.memory_space<hbm>>
    tpu.enqueue_dma source(%dma_start3A_28 : memref<128xi32, #tpu.memory_space<hbm>>) target(%arg13 : memref<128xi32, #tpu.memory_space<vmem>>) target_semaphore(%arg20 : memref<!tpu.dma_semaphore, #tpu.memory_space<semaphore_mem>>)
    %add3A_29 = arith.constant 96 : i32
    %add3A_30 = arith.addi %add3A, %add3A_29 : i32
    %mul3A_31 = arith.constant 128 : i32
    %mul3A_32 = arith.muli %add3A_30, %mul3A_31 : i32
    %multiple_of3A_33 = tpu.assume_multiple %mul3A_32, 8 : i32
    %dma_start3A_34 = tpu.memref_slice %arg2[%multiple_of3A_33] : memref<320000xi32, #tpu.memory_space<hbm>> -> memref<128xi32, #tpu.memory_space<hbm>>
    %dma_start3A_35 = tpu.memref_slice %arg2[%multiple_of3A_33] : memref<320000xi32, #tpu.memory_space<hbm>> -> memref<128xi32, #tpu.memory_space<hbm>>
    tpu.enqueue_dma source(%dma_start3A_35 : memref<128xi32, #tpu.memory_space<hbm>>) target(%arg10 : memref<128xi32, #tpu.memory_space<vmem>>) target_semaphore(%arg21 : memref<!tpu.dma_semaphore, #tpu.memory_space<semaphore_mem>>)
    %dma_start3A_36 = tpu.memref_slice %arg3[%multiple_of3A_33] : memref<320000xi32, #tpu.memory_space<hbm>> -> memref<128xi32, #tpu.memory_space<hbm>>
    %dma_start3A_37 = tpu.memref_slice %arg3[%multiple_of3A_33] : memref<320000xi32, #tpu.memory_space<hbm>> -> memref<128xi32, #tpu.memory_space<hbm>>
    tpu.enqueue_dma source(%dma_start3A_37 : memref<128xi32, #tpu.memory_space<hbm>>) target(%arg14 : memref<128xi32, #tpu.memory_space<vmem>>) target_semaphore(%arg21 : memref<!tpu.dma_semaphore, #tpu.memory_space<semaphore_mem>>)
    %dma_wait3A = arith.constant 0 : i32
    %dma_wait3A_38 = tpu.memref_slice %arg2[%dma_wait3A] : memref<320000xi32, #tpu.memory_space<hbm>> -> memref<128xi32, #tpu.memory_space<hbm>>
    %dma_wait3A_39 = arith.constant 0 : i32
    %dma_wait3A_40 = tpu.memref_slice %arg2[%dma_wait3A_39] : memref<320000xi32, #tpu.memory_space<hbm>> -> memref<128xi32, #tpu.memory_space<hbm>>
    tpu.wait_dma2 semaphore(%arg18 : memref<!tpu.dma_semaphore, #tpu.memory_space<semaphore_mem>>) src(%dma_wait3A_40 : memref<128xi32, #tpu.memory_space<hbm>>) dst(%arg7 : memref<128xi32, #tpu.memory_space<vmem>>)
    %dma_wait3A_41 = arith.constant 0 : i32
    %dma_wait3A_42 = tpu.memref_slice %arg3[%dma_wait3A_41] : memref<320000xi32, #tpu.memory_space<hbm>> -> memref<128xi32, #tpu.memory_space<hbm>>
    %dma_wait3A_43 = arith.constant 0 : i32
    %dma_wait3A_44 = tpu.memref_slice %arg3[%dma_wait3A_43] : memref<320000xi32, #tpu.memory_space<hbm>> -> memref<128xi32, #tpu.memory_space<hbm>>
    tpu.wait_dma2 semaphore(%arg18 : memref<!tpu.dma_semaphore, #tpu.memory_space<semaphore_mem>>) src(%dma_wait3A_44 : memref<128xi32, #tpu.memory_space<hbm>>) dst(%arg11 : memref<128xi32, #tpu.memory_space<vmem>>)
    %dma_start3A_45 = arith.constant 0 : i32
    %dma_start3A_46 = arith.constant 0 : i32
    %dma_start3A_47 = tpu.memref_slice %arg4[%dma_start3A_45, %dma_start3A_46] : memref<10000x128xf32, #tpu.memory_space<hbm>> -> memref<10000x128xf32, #tpu.memory_space<hbm>>
    tpu.enqueue_indirect_dma source(%dma_start3A_47 : memref<10000x128xf32, #tpu.memory_space<hbm>>) target(%arg15 : memref<128x128xf32, #tpu.memory_space<vmem>>) offsets(%arg7 : memref<128xi32, #tpu.memory_space<vmem>>) semaphore(%arg22 : memref<!tpu.dma_semaphore, #tpu.memory_space<semaphore_mem>>)
    %dma_wait3A_48 = arith.constant 0 : i32
    %dma_wait3A_49 = tpu.memref_slice %arg2[%dma_wait3A_48] : memref<320000xi32, #tpu.memory_space<hbm>> -> memref<128xi32, #tpu.memory_space<hbm>>
    %dma_wait3A_50 = arith.constant 0 : i32
    %dma_wait3A_51 = tpu.memref_slice %arg2[%dma_wait3A_50] : memref<320000xi32, #tpu.memory_space<hbm>> -> memref<128xi32, #tpu.memory_space<hbm>>
    tpu.wait_dma2 semaphore(%arg19 : memref<!tpu.dma_semaphore, #tpu.memory_space<semaphore_mem>>) src(%dma_wait3A_51 : memref<128xi32, #tpu.memory_space<hbm>>) dst(%arg8 : memref<128xi32, #tpu.memory_space<vmem>>)
    %dma_wait3A_52 = arith.constant 0 : i32
    %dma_wait3A_53 = tpu.memref_slice %arg3[%dma_wait3A_52] : memref<320000xi32, #tpu.memory_space<hbm>> -> memref<128xi32, #tpu.memory_space<hbm>>
    %dma_wait3A_54 = arith.constant 0 : i32
    %dma_wait3A_55 = tpu.memref_slice %arg3[%dma_wait3A_54] : memref<320000xi32, #tpu.memory_space<hbm>> -> memref<128xi32, #tpu.memory_space<hbm>>
    tpu.wait_dma2 semaphore(%arg19 : memref<!tpu.dma_semaphore, #tpu.memory_space<semaphore_mem>>) src(%dma_wait3A_55 : memref<128xi32, #tpu.memory_space<hbm>>) dst(%arg12 : memref<128xi32, #tpu.memory_space<vmem>>)
    %dma_start3A_56 = arith.constant 0 : i32
    %dma_start3A_57 = arith.constant 0 : i32
    %dma_start3A_58 = tpu.memref_slice %arg4[%dma_start3A_56, %dma_start3A_57] : memref<10000x128xf32, #tpu.memory_space<hbm>> -> memref<10000x128xf32, #tpu.memory_space<hbm>>
    tpu.enqueue_indirect_dma source(%dma_start3A_58 : memref<10000x128xf32, #tpu.memory_space<hbm>>) target(%arg16 : memref<128x128xf32, #tpu.memory_space<vmem>>) offsets(%arg8 : memref<128xi32, #tpu.memory_space<vmem>>) semaphore(%arg23 : memref<!tpu.dma_semaphore, #tpu.memory_space<semaphore_mem>>)
    %scan3A = arith.constant 0 : i32
    %scan3A_59 = arith.constant 0 : i32
    %scan3A_60 = arith.constant 19 : i32
    %scan3A_61 = arith.addi %scan3A_59, %scan3A_60 : i32
    %scan3A_62 = arith.constant 1 : i32
    scf.for %scan3A_79 = %scan3A_59 to %scan3A_61 step %scan3A_62  : i32 {
      %mul3A_80 = arith.constant 4 : i32
      %mul3A_81 = arith.muli %scan3A_79, %mul3A_80 : i32
      %add3A_82 = arith.constant 0 : i32
      %add3A_83 = arith.addi %mul3A_81, %add3A_82 : i32
      %dma_wait3A_84 = arith.constant 0 : i32
      %dma_wait3A_85 = arith.constant 0 : i32
      %dma_wait3A_86 = tpu.memref_slice %arg4[%dma_wait3A_84, %dma_wait3A_85] : memref<10000x128xf32, #tpu.memory_space<hbm>> -> memref<10000x128xf32, #tpu.memory_space<hbm>>
      tpu.wait_indirect_dma semaphore(%arg22 : memref<!tpu.dma_semaphore, #tpu.memory_space<semaphore_mem>>) src(%dma_wait3A_86 : memref<10000x128xf32, #tpu.memory_space<hbm>>) dst(%arg15 : memref<128x128xf32, #tpu.memory_space<vmem>>)
      "tpu.region"() ({
        %run_scoped3A = tpu.sem_alloc : memref<!tpu.dma_semaphore, #tpu.memory_space<semaphore_mem>>
        %dma_start3A_164 = arith.constant 0 : i32
        %dma_start3A_165 = arith.constant 0 : i32
        %dma_start3A_166 = tpu.memref_slice %arg17[%dma_start3A_164, %dma_start3A_165] : memref<10112x128xf32, #tpu.memory_space<vmem_shared>> -> memref<10112x128xf32, #tpu.memory_space<vmem_shared>>
        tpu.enqueue_indirect_dma source(%arg15 : memref<128x128xf32, #tpu.memory_space<vmem>>) target(%dma_start3A_166 : memref<10112x128xf32, #tpu.memory_space<vmem_shared>>) offsets(%arg11 : memref<128xi32, #tpu.memory_space<vmem>>) semaphore(%run_scoped3A : memref<!tpu.dma_semaphore, #tpu.memory_space<semaphore_mem>>) {add = true}
        %dma_wait3A_167 = arith.constant 0 : i32
        %dma_wait3A_168 = arith.constant 0 : i32
        %dma_wait3A_169 = tpu.memref_slice %arg17[%dma_wait3A_167, %dma_wait3A_168] : memref<10112x128xf32, #tpu.memory_space<vmem_shared>> -> memref<10112x128xf32, #tpu.memory_space<vmem_shared>>
        tpu.wait_indirect_dma semaphore(%run_scoped3A : memref<!tpu.dma_semaphore, #tpu.memory_space<semaphore_mem>>) src(%arg15 : memref<128x128xf32, #tpu.memory_space<vmem>>) dst(%dma_wait3A_169 : memref<10112x128xf32, #tpu.memory_space<vmem_shared>>)
        tpu.yield
      }) : () -> ()
      %add3A_87 = arith.constant 4 : i32
      %add3A_88 = arith.addi %add3A_83, %add3A_87 : i32
      %lt3A_89 = arith.constant 78 : i32
      %lt3A_90 = arith.cmpi slt, %add3A_88, %lt3A_89 : i32
      %convert_element_type3A_91 = arith.extui %lt3A_90 : i1 to i32
      %cond3A_92 = arith.constant 0 : i32
      %cond3A_93 = arith.cmpi ne, %convert_element_type3A_91, %cond3A_92 : i32
      scf.if %cond3A_93 {
        %add3A_164 = arith.constant 4 : i32
        %add3A_165 = arith.addi %add3A_83, %add3A_164 : i32
        %mul3A_166 = arith.constant 32 : i32
        %mul3A_167 = arith.muli %add3A_165, %mul3A_166 : i32
        %add3A_168 = arith.addi %add3A, %mul3A_167 : i32
        %mul3A_169 = arith.constant 128 : i32
        %mul3A_170 = arith.muli %add3A_168, %mul3A_169 : i32
        %multiple_of3A_171 = tpu.assume_multiple %mul3A_170, 8 : i32
        %dma_start3A_172 = tpu.memref_slice %arg2[%multiple_of3A_171] : memref<320000xi32, #tpu.memory_space<hbm>> -> memref<128xi32, #tpu.memory_space<hbm>>
        %dma_start3A_173 = tpu.memref_slice %arg2[%multiple_of3A_171] : memref<320000xi32, #tpu.memory_space<hbm>> -> memref<128xi32, #tpu.memory_space<hbm>>
        tpu.enqueue_dma source(%dma_start3A_173 : memref<128xi32, #tpu.memory_space<hbm>>) target(%arg7 : memref<128xi32, #tpu.memory_space<vmem>>) target_semaphore(%arg18 : memref<!tpu.dma_semaphore, #tpu.memory_space<semaphore_mem>>)
        %dma_start3A_174 = tpu.memref_slice %arg3[%multiple_of3A_171] : memref<320000xi32, #tpu.memory_space<hbm>> -> memref<128xi32, #tpu.memory_space<hbm>>
        %dma_start3A_175 = tpu.memref_slice %arg3[%multiple_of3A_171] : memref<320000xi32, #tpu.memory_space<hbm>> -> memref<128xi32, #tpu.memory_space<hbm>>
        tpu.enqueue_dma source(%dma_start3A_175 : memref<128xi32, #tpu.memory_space<hbm>>) target(%arg11 : memref<128xi32, #tpu.memory_space<vmem>>) target_semaphore(%arg18 : memref<!tpu.dma_semaphore, #tpu.memory_space<semaphore_mem>>)
      } else {
      }
      %add3A_94 = arith.constant 2 : i32
      %add3A_95 = arith.addi %add3A_83, %add3A_94 : i32
      %lt3A_96 = arith.constant 78 : i32
      %lt3A_97 = arith.cmpi slt, %add3A_95, %lt3A_96 : i32
      %convert_element_type3A_98 = arith.extui %lt3A_97 : i1 to i32
      %cond3A_99 = arith.constant 0 : i32
      %cond3A_100 = arith.cmpi ne, %convert_element_type3A_98, %cond3A_99 : i32
      scf.if %cond3A_100 {
        %dma_wait3A_164 = arith.constant 0 : i32
        %dma_wait3A_165 = tpu.memref_slice %arg2[%dma_wait3A_164] : memref<320000xi32, #tpu.memory_space<hbm>> -> memref<128xi32, #tpu.memory_space<hbm>>
        %dma_wait3A_166 = arith.constant 0 : i32
        %dma_wait3A_167 = tpu.memref_slice %arg2[%dma_wait3A_166] : memref<320000xi32, #tpu.memory_space<hbm>> -> memref<128xi32, #tpu.memory_space<hbm>>
        tpu.wait_dma2 semaphore(%arg20 : memref<!tpu.dma_semaphore, #tpu.memory_space<semaphore_mem>>) src(%dma_wait3A_167 : memref<128xi32, #tpu.memory_space<hbm>>) dst(%arg9 : memref<128xi32, #tpu.memory_space<vmem>>)
        %dma_wait3A_168 = arith.constant 0 : i32
        %dma_wait3A_169 = tpu.memref_slice %arg3[%dma_wait3A_168] : memref<320000xi32, #tpu.memory_space<hbm>> -> memref<128xi32, #tpu.memory_space<hbm>>
        %dma_wait3A_170 = arith.constant 0 : i32
        %dma_wait3A_171 = tpu.memref_slice %arg3[%dma_wait3A_170] : memref<320000xi32, #tpu.memory_space<hbm>> -> memref<128xi32, #tpu.memory_space<hbm>>
        tpu.wait_dma2 semaphore(%arg20 : memref<!tpu.dma_semaphore, #tpu.memory_space<semaphore_mem>>) src(%dma_wait3A_171 : memref<128xi32, #tpu.memory_space<hbm>>) dst(%arg13 : memref<128xi32, #tpu.memory_space<vmem>>)
        %dma_start3A_172 = arith.constant 0 : i32
        %dma_start3A_173 = arith.constant 0 : i32
        %dma_start3A_174 = tpu.memref_slice %arg4[%dma_start3A_172, %dma_start3A_173] : memref<10000x128xf32, #tpu.memory_space<hbm>> -> memref<10000x128xf32, #tpu.memory_space<hbm>>
        tpu.enqueue_indirect_dma source(%dma_start3A_174 : memref<10000x128xf32, #tpu.memory_space<hbm>>) target(%arg15 : memref<128x128xf32, #tpu.memory_space<vmem>>) offsets(%arg9 : memref<128xi32, #tpu.memory_space<vmem>>) semaphore(%arg22 : memref<!tpu.dma_semaphore, #tpu.memory_space<semaphore_mem>>)
      } else {
      }
      %mul3A_101 = arith.constant 4 : i32
      %mul3A_102 = arith.muli %scan3A_79, %mul3A_101 : i32
      %add3A_103 = arith.constant 1 : i32
      %add3A_104 = arith.addi %mul3A_102, %add3A_103 : i32
      %dma_wait3A_105 = arith.constant 0 : i32
      %dma_wait3A_106 = arith.constant 0 : i32
      %dma_wait3A_107 = tpu.memref_slice %arg4[%dma_wait3A_105, %dma_wait3A_106] : memref<10000x128xf32, #tpu.memory_space<hbm>> -> memref<10000x128xf32, #tpu.memory_space<hbm>>
      tpu.wait_indirect_dma semaphore(%arg23 : memref<!tpu.dma_semaphore, #tpu.memory_space<semaphore_mem>>) src(%dma_wait3A_107 : memref<10000x128xf32, #tpu.memory_space<hbm>>) dst(%arg16 : memref<128x128xf32, #tpu.memory_space<vmem>>)
      "tpu.region"() ({
        %run_scoped3A = tpu.sem_alloc : memref<!tpu.dma_semaphore, #tpu.memory_space<semaphore_mem>>
        %dma_start3A_164 = arith.constant 0 : i32
        %dma_start3A_165 = arith.constant 0 : i32
        %dma_start3A_166 = tpu.memref_slice %arg17[%dma_start3A_164, %dma_start3A_165] : memref<10112x128xf32, #tpu.memory_space<vmem_shared>> -> memref<10112x128xf32, #tpu.memory_space<vmem_shared>>
        tpu.enqueue_indirect_dma source(%arg16 : memref<128x128xf32, #tpu.memory_space<vmem>>) target(%dma_start3A_166 : memref<10112x128xf32, #tpu.memory_space<vmem_shared>>) offsets(%arg12 : memref<128xi32, #tpu.memory_space<vmem>>) semaphore(%run_scoped3A : memref<!tpu.dma_semaphore, #tpu.memory_space<semaphore_mem>>) {add = true}
        %dma_wait3A_167 = arith.constant 0 : i32
        %dma_wait3A_168 = arith.constant 0 : i32
        %dma_wait3A_169 = tpu.memref_slice %arg17[%dma_wait3A_167, %dma_wait3A_168] : memref<10112x128xf32, #tpu.memory_space<vmem_shared>> -> memref<10112x128xf32, #tpu.memory_space<vmem_shared>>
        tpu.wait_indirect_dma semaphore(%run_scoped3A : memref<!tpu.dma_semaphore, #tpu.memory_space<semaphore_mem>>) src(%arg16 : memref<128x128xf32, #tpu.memory_space<vmem>>) dst(%dma_wait3A_169 : memref<10112x128xf32, #tpu.memory_space<vmem_shared>>)
        tpu.yield
      }) : () -> ()
      %add3A_108 = arith.constant 4 : i32
      %add3A_109 = arith.addi %add3A_104, %add3A_108 : i32
      %lt3A_110 = arith.constant 78 : i32
      %lt3A_111 = arith.cmpi slt, %add3A_109, %lt3A_110 : i32
      %convert_element_type3A_112 = arith.extui %lt3A_111 : i1 to i32
      %cond3A_113 = arith.constant 0 : i32
      %cond3A_114 = arith.cmpi ne, %convert_element_type3A_112, %cond3A_113 : i32
      scf.if %cond3A_114 {
        %add3A_164 = arith.constant 4 : i32
        %add3A_165 = arith.addi %add3A_104, %add3A_164 : i32
        %mul3A_166 = arith.constant 32 : i32
        %mul3A_167 = arith.muli %add3A_165, %mul3A_166 : i32
        %add3A_168 = arith.addi %add3A, %mul3A_167 : i32
        %mul3A_169 = arith.constant 128 : i32
        %mul3A_170 = arith.muli %add3A_168, %mul3A_169 : i32
        %multiple_of3A_171 = tpu.assume_multiple %mul3A_170, 8 : i32
        %dma_start3A_172 = tpu.memref_slice %arg2[%multiple_of3A_171] : memref<320000xi32, #tpu.memory_space<hbm>> -> memref<128xi32, #tpu.memory_space<hbm>>
        %dma_start3A_173 = tpu.memref_slice %arg2[%multiple_of3A_171] : memref<320000xi32, #tpu.memory_space<hbm>> -> memref<128xi32, #tpu.memory_space<hbm>>
        tpu.enqueue_dma source(%dma_start3A_173 : memref<128xi32, #tpu.memory_space<hbm>>) target(%arg8 : memref<128xi32, #tpu.memory_space<vmem>>) target_semaphore(%arg19 : memref<!tpu.dma_semaphore, #tpu.memory_space<semaphore_mem>>)
        %dma_start3A_174 = tpu.memref_slice %arg3[%multiple_of3A_171] : memref<320000xi32, #tpu.memory_space<hbm>> -> memref<128xi32, #tpu.memory_space<hbm>>
        %dma_start3A_175 = tpu.memref_slice %arg3[%multiple_of3A_171] : memref<320000xi32, #tpu.memory_space<hbm>> -> memref<128xi32, #tpu.memory_space<hbm>>
        tpu.enqueue_dma source(%dma_start3A_175 : memref<128xi32, #tpu.memory_space<hbm>>) target(%arg12 : memref<128xi32, #tpu.memory_space<vmem>>) target_semaphore(%arg19 : memref<!tpu.dma_semaphore, #tpu.memory_space<semaphore_mem>>)
      } else {
      }
      %add3A_115 = arith.constant 2 : i32
      %add3A_116 = arith.addi %add3A_104, %add3A_115 : i32
      %lt3A_117 = arith.constant 78 : i32
      %lt3A_118 = arith.cmpi slt, %add3A_116, %lt3A_117 : i32
      %convert_element_type3A_119 = arith.extui %lt3A_118 : i1 to i32
      %cond3A_120 = arith.constant 0 : i32
      %cond3A_121 = arith.cmpi ne, %convert_element_type3A_119, %cond3A_120 : i32
      scf.if %cond3A_121 {
        %dma_wait3A_164 = arith.constant 0 : i32
        %dma_wait3A_165 = tpu.memref_slice %arg2[%dma_wait3A_164] : memref<320000xi32, #tpu.memory_space<hbm>> -> memref<128xi32, #tpu.memory_space<hbm>>
        %dma_wait3A_166 = arith.constant 0 : i32
        %dma_wait3A_167 = tpu.memref_slice %arg2[%dma_wait3A_166] : memref<320000xi32, #tpu.memory_space<hbm>> -> memref<128xi32, #tpu.memory_space<hbm>>
        tpu.wait_dma2 semaphore(%arg21 : memref<!tpu.dma_semaphore, #tpu.memory_space<semaphore_mem>>) src(%dma_wait3A_167 : memref<128xi32, #tpu.memory_space<hbm>>) dst(%arg10 : memref<128xi32, #tpu.memory_space<vmem>>)
        %dma_wait3A_168 = arith.constant 0 : i32
        %dma_wait3A_169 = tpu.memref_slice %arg3[%dma_wait3A_168] : memref<320000xi32, #tpu.memory_space<hbm>> -> memref<128xi32, #tpu.memory_space<hbm>>
        %dma_wait3A_170 = arith.constant 0 : i32
        %dma_wait3A_171 = tpu.memref_slice %arg3[%dma_wait3A_170] : memref<320000xi32, #tpu.memory_space<hbm>> -> memref<128xi32, #tpu.memory_space<hbm>>
        tpu.wait_dma2 semaphore(%arg21 : memref<!tpu.dma_semaphore, #tpu.memory_space<semaphore_mem>>) src(%dma_wait3A_171 : memref<128xi32, #tpu.memory_space<hbm>>) dst(%arg14 : memref<128xi32, #tpu.memory_space<vmem>>)
        %dma_start3A_172 = arith.constant 0 : i32
        %dma_start3A_173 = arith.constant 0 : i32
        %dma_start3A_174 = tpu.memref_slice %arg4[%dma_start3A_172, %dma_start3A_173] : memref<10000x128xf32, #tpu.memory_space<hbm>> -> memref<10000x128xf32, #tpu.memory_space<hbm>>
        tpu.enqueue_indirect_dma source(%dma_start3A_174 : memref<10000x128xf32, #tpu.memory_space<hbm>>) target(%arg16 : memref<128x128xf32, #tpu.memory_space<vmem>>) offsets(%arg10 : memref<128xi32, #tpu.memory_space<vmem>>) semaphore(%arg23 : memref<!tpu.dma_semaphore, #tpu.memory_space<semaphore_mem>>)
      } else {
      }
      %mul3A_122 = arith.constant 4 : i32
      %mul3A_123 = arith.muli %scan3A_79, %mul3A_122 : i32
      %add3A_124 = arith.constant 2 : i32
      %add3A_125 = arith.addi %mul3A_123, %add3A_124 : i32
      %dma_wait3A_126 = arith.constant 0 : i32
      %dma_wait3A_127 = arith.constant 0 : i32
      %dma_wait3A_128 = tpu.memref_slice %arg4[%dma_wait3A_126, %dma_wait3A_127] : memref<10000x128xf32, #tpu.memory_space<hbm>> -> memref<10000x128xf32, #tpu.memory_space<hbm>>
      tpu.wait_indirect_dma semaphore(%arg22 : memref<!tpu.dma_semaphore, #tpu.memory_space<semaphore_mem>>) src(%dma_wait3A_128 : memref<10000x128xf32, #tpu.memory_space<hbm>>) dst(%arg15 : memref<128x128xf32, #tpu.memory_space<vmem>>)
      "tpu.region"() ({
        %run_scoped3A = tpu.sem_alloc : memref<!tpu.dma_semaphore, #tpu.memory_space<semaphore_mem>>
        %dma_start3A_164 = arith.constant 0 : i32
        %dma_start3A_165 = arith.constant 0 : i32
        %dma_start3A_166 = tpu.memref_slice %arg17[%dma_start3A_164, %dma_start3A_165] : memref<10112x128xf32, #tpu.memory_space<vmem_shared>> -> memref<10112x128xf32, #tpu.memory_space<vmem_shared>>
        tpu.enqueue_indirect_dma source(%arg15 : memref<128x128xf32, #tpu.memory_space<vmem>>) target(%dma_start3A_166 : memref<10112x128xf32, #tpu.memory_space<vmem_shared>>) offsets(%arg13 : memref<128xi32, #tpu.memory_space<vmem>>) semaphore(%run_scoped3A : memref<!tpu.dma_semaphore, #tpu.memory_space<semaphore_mem>>) {add = true}
        %dma_wait3A_167 = arith.constant 0 : i32
        %dma_wait3A_168 = arith.constant 0 : i32
        %dma_wait3A_169 = tpu.memref_slice %arg17[%dma_wait3A_167, %dma_wait3A_168] : memref<10112x128xf32, #tpu.memory_space<vmem_shared>> -> memref<10112x128xf32, #tpu.memory_space<vmem_shared>>
        tpu.wait_indirect_dma semaphore(%run_scoped3A : memref<!tpu.dma_semaphore, #tpu.memory_space<semaphore_mem>>) src(%arg15 : memref<128x128xf32, #tpu.memory_space<vmem>>) dst(%dma_wait3A_169 : memref<10112x128xf32, #tpu.memory_space<vmem_shared>>)
        tpu.yield
      }) : () -> ()
      %add3A_129 = arith.constant 4 : i32
      %add3A_130 = arith.addi %add3A_125, %add3A_129 : i32
      %lt3A_131 = arith.constant 78 : i32
      %lt3A_132 = arith.cmpi slt, %add3A_130, %lt3A_131 : i32
      %convert_element_type3A_133 = arith.extui %lt3A_132 : i1 to i32
      %cond3A_134 = arith.constant 0 : i32
      %cond3A_135 = arith.cmpi ne, %convert_element_type3A_133, %cond3A_134 : i32
      scf.if %cond3A_135 {
        %add3A_164 = arith.constant 4 : i32
        %add3A_165 = arith.addi %add3A_125, %add3A_164 : i32
        %mul3A_166 = arith.constant 32 : i32
        %mul3A_167 = arith.muli %add3A_165, %mul3A_166 : i32
        %add3A_168 = arith.addi %add3A, %mul3A_167 : i32
        %mul3A_169 = arith.constant 128 : i32
        %mul3A_170 = arith.muli %add3A_168, %mul3A_169 : i32
        %multiple_of3A_171 = tpu.assume_multiple %mul3A_170, 8 : i32
        %dma_start3A_172 = tpu.memref_slice %arg2[%multiple_of3A_171] : memref<320000xi32, #tpu.memory_space<hbm>> -> memref<128xi32, #tpu.memory_space<hbm>>
        %dma_start3A_173 = tpu.memref_slice %arg2[%multiple_of3A_171] : memref<320000xi32, #tpu.memory_space<hbm>> -> memref<128xi32, #tpu.memory_space<hbm>>
        tpu.enqueue_dma source(%dma_start3A_173 : memref<128xi32, #tpu.memory_space<hbm>>) target(%arg9 : memref<128xi32, #tpu.memory_space<vmem>>) target_semaphore(%arg20 : memref<!tpu.dma_semaphore, #tpu.memory_space<semaphore_mem>>)
        %dma_start3A_174 = tpu.memref_slice %arg3[%multiple_of3A_171] : memref<320000xi32, #tpu.memory_space<hbm>> -> memref<128xi32, #tpu.memory_space<hbm>>
        %dma_start3A_175 = tpu.memref_slice %arg3[%multiple_of3A_171] : memref<320000xi32, #tpu.memory_space<hbm>> -> memref<128xi32, #tpu.memory_space<hbm>>
        tpu.enqueue_dma source(%dma_start3A_175 : memref<128xi32, #tpu.memory_space<hbm>>) target(%arg13 : memref<128xi32, #tpu.memory_space<vmem>>) target_semaphore(%arg20 : memref<!tpu.dma_semaphore, #tpu.memory_space<semaphore_mem>>)
      } else {
      }
      %add3A_136 = arith.constant 2 : i32
      %add3A_137 = arith.addi %add3A_125, %add3A_136 : i32
      %lt3A_138 = arith.constant 78 : i32
      %lt3A_139 = arith.cmpi slt, %add3A_137, %lt3A_138 : i32
      %convert_element_type3A_140 = arith.extui %lt3A_139 : i1 to i32
      %cond3A_141 = arith.constant 0 : i32
      %cond3A_142 = arith.cmpi ne, %convert_element_type3A_140, %cond3A_141 : i32
      scf.if %cond3A_142 {
        %dma_wait3A_164 = arith.constant 0 : i32
        %dma_wait3A_165 = tpu.memref_slice %arg2[%dma_wait3A_164] : memref<320000xi32, #tpu.memory_space<hbm>> -> memref<128xi32, #tpu.memory_space<hbm>>
        %dma_wait3A_166 = arith.constant 0 : i32
        %dma_wait3A_167 = tpu.memref_slice %arg2[%dma_wait3A_166] : memref<320000xi32, #tpu.memory_space<hbm>> -> memref<128xi32, #tpu.memory_space<hbm>>
        tpu.wait_dma2 semaphore(%arg18 : memref<!tpu.dma_semaphore, #tpu.memory_space<semaphore_mem>>) src(%dma_wait3A_167 : memref<128xi32, #tpu.memory_space<hbm>>) dst(%arg7 : memref<128xi32, #tpu.memory_space<vmem>>)
        %dma_wait3A_168 = arith.constant 0 : i32
        %dma_wait3A_169 = tpu.memref_slice %arg3[%dma_wait3A_168] : memref<320000xi32, #tpu.memory_space<hbm>> -> memref<128xi32, #tpu.memory_space<hbm>>
        %dma_wait3A_170 = arith.constant 0 : i32
        %dma_wait3A_171 = tpu.memref_slice %arg3[%dma_wait3A_170] : memref<320000xi32, #tpu.memory_space<hbm>> -> memref<128xi32, #tpu.memory_space<hbm>>
        tpu.wait_dma2 semaphore(%arg18 : memref<!tpu.dma_semaphore, #tpu.memory_space<semaphore_mem>>) src(%dma_wait3A_171 : memref<128xi32, #tpu.memory_space<hbm>>) dst(%arg11 : memref<128xi32, #tpu.memory_space<vmem>>)
        %dma_start3A_172 = arith.constant 0 : i32
        %dma_start3A_173 = arith.constant 0 : i32
        %dma_start3A_174 = tpu.memref_slice %arg4[%dma_start3A_172, %dma_start3A_173] : memref<10000x128xf32, #tpu.memory_space<hbm>> -> memref<10000x128xf32, #tpu.memory_space<hbm>>
        tpu.enqueue_indirect_dma source(%dma_start3A_174 : memref<10000x128xf32, #tpu.memory_space<hbm>>) target(%arg15 : memref<128x128xf32, #tpu.memory_space<vmem>>) offsets(%arg7 : memref<128xi32, #tpu.memory_space<vmem>>) semaphore(%arg22 : memref<!tpu.dma_semaphore, #tpu.memory_space<semaphore_mem>>)
      } else {
      }
      %mul3A_143 = arith.constant 4 : i32
      %mul3A_144 = arith.muli %scan3A_79, %mul3A_143 : i32
      %add3A_145 = arith.constant 3 : i32
      %add3A_146 = arith.addi %mul3A_144, %add3A_145 : i32
      %dma_wait3A_147 = arith.constant 0 : i32
      %dma_wait3A_148 = arith.constant 0 : i32
      %dma_wait3A_149 = tpu.memref_slice %arg4[%dma_wait3A_147, %dma_wait3A_148] : memref<10000x128xf32, #tpu.memory_space<hbm>> -> memref<10000x128xf32, #tpu.memory_space<hbm>>
      tpu.wait_indirect_dma semaphore(%arg23 : memref<!tpu.dma_semaphore, #tpu.memory_space<semaphore_mem>>) src(%dma_wait3A_149 : memref<10000x128xf32, #tpu.memory_space<hbm>>) dst(%arg16 : memref<128x128xf32, #tpu.memory_space<vmem>>)
      "tpu.region"() ({
        %run_scoped3A = tpu.sem_alloc : memref<!tpu.dma_semaphore, #tpu.memory_space<semaphore_mem>>
        %dma_start3A_164 = arith.constant 0 : i32
        %dma_start3A_165 = arith.constant 0 : i32
        %dma_start3A_166 = tpu.memref_slice %arg17[%dma_start3A_164, %dma_start3A_165] : memref<10112x128xf32, #tpu.memory_space<vmem_shared>> -> memref<10112x128xf32, #tpu.memory_space<vmem_shared>>
        tpu.enqueue_indirect_dma source(%arg16 : memref<128x128xf32, #tpu.memory_space<vmem>>) target(%dma_start3A_166 : memref<10112x128xf32, #tpu.memory_space<vmem_shared>>) offsets(%arg14 : memref<128xi32, #tpu.memory_space<vmem>>) semaphore(%run_scoped3A : memref<!tpu.dma_semaphore, #tpu.memory_space<semaphore_mem>>) {add = true}
        %dma_wait3A_167 = arith.constant 0 : i32
        %dma_wait3A_168 = arith.constant 0 : i32
        %dma_wait3A_169 = tpu.memref_slice %arg17[%dma_wait3A_167, %dma_wait3A_168] : memref<10112x128xf32, #tpu.memory_space<vmem_shared>> -> memref<10112x128xf32, #tpu.memory_space<vmem_shared>>
        tpu.wait_indirect_dma semaphore(%run_scoped3A : memref<!tpu.dma_semaphore, #tpu.memory_space<semaphore_mem>>) src(%arg16 : memref<128x128xf32, #tpu.memory_space<vmem>>) dst(%dma_wait3A_169 : memref<10112x128xf32, #tpu.memory_space<vmem_shared>>)
        tpu.yield
      }) : () -> ()
      %add3A_150 = arith.constant 4 : i32
      %add3A_151 = arith.addi %add3A_146, %add3A_150 : i32
      %lt3A_152 = arith.constant 78 : i32
      %lt3A_153 = arith.cmpi slt, %add3A_151, %lt3A_152 : i32
      %convert_element_type3A_154 = arith.extui %lt3A_153 : i1 to i32
      %cond3A_155 = arith.constant 0 : i32
      %cond3A_156 = arith.cmpi ne, %convert_element_type3A_154, %cond3A_155 : i32
      scf.if %cond3A_156 {
        %add3A_164 = arith.constant 4 : i32
        %add3A_165 = arith.addi %add3A_146, %add3A_164 : i32
        %mul3A_166 = arith.constant 32 : i32
        %mul3A_167 = arith.muli %add3A_165, %mul3A_166 : i32
        %add3A_168 = arith.addi %add3A, %mul3A_167 : i32
        %mul3A_169 = arith.constant 128 : i32
        %mul3A_170 = arith.muli %add3A_168, %mul3A_169 : i32
        %multiple_of3A_171 = tpu.assume_multiple %mul3A_170, 8 : i32
        %dma_start3A_172 = tpu.memref_slice %arg2[%multiple_of3A_171] : memref<320000xi32, #tpu.memory_space<hbm>> -> memref<128xi32, #tpu.memory_space<hbm>>
        %dma_start3A_173 = tpu.memref_slice %arg2[%multiple_of3A_171] : memref<320000xi32, #tpu.memory_space<hbm>> -> memref<128xi32, #tpu.memory_space<hbm>>
        tpu.enqueue_dma source(%dma_start3A_173 : memref<128xi32, #tpu.memory_space<hbm>>) target(%arg10 : memref<128xi32, #tpu.memory_space<vmem>>) target_semaphore(%arg21 : memref<!tpu.dma_semaphore, #tpu.memory_space<semaphore_mem>>)
        %dma_start3A_174 = tpu.memref_slice %arg3[%multiple_of3A_171] : memref<320000xi32, #tpu.memory_space<hbm>> -> memref<128xi32, #tpu.memory_space<hbm>>
        %dma_start3A_175 = tpu.memref_slice %arg3[%multiple_of3A_171] : memref<320000xi32, #tpu.memory_space<hbm>> -> memref<128xi32, #tpu.memory_space<hbm>>
        tpu.enqueue_dma source(%dma_start3A_175 : memref<128xi32, #tpu.memory_space<hbm>>) target(%arg14 : memref<128xi32, #tpu.memory_space<vmem>>) target_semaphore(%arg21 : memref<!tpu.dma_semaphore, #tpu.memory_space<semaphore_mem>>)
      } else {
      }
      %add3A_157 = arith.constant 2 : i32
      %add3A_158 = arith.addi %add3A_146, %add3A_157 : i32
      %lt3A_159 = arith.constant 78 : i32
      %lt3A_160 = arith.cmpi slt, %add3A_158, %lt3A_159 : i32
      %convert_element_type3A_161 = arith.extui %lt3A_160 : i1 to i32
      %cond3A_162 = arith.constant 0 : i32
      %cond3A_163 = arith.cmpi ne, %convert_element_type3A_161, %cond3A_162 : i32
      scf.if %cond3A_163 {
        %dma_wait3A_164 = arith.constant 0 : i32
        %dma_wait3A_165 = tpu.memref_slice %arg2[%dma_wait3A_164] : memref<320000xi32, #tpu.memory_space<hbm>> -> memref<128xi32, #tpu.memory_space<hbm>>
        %dma_wait3A_166 = arith.constant 0 : i32
        %dma_wait3A_167 = tpu.memref_slice %arg2[%dma_wait3A_166] : memref<320000xi32, #tpu.memory_space<hbm>> -> memref<128xi32, #tpu.memory_space<hbm>>
        tpu.wait_dma2 semaphore(%arg19 : memref<!tpu.dma_semaphore, #tpu.memory_space<semaphore_mem>>) src(%dma_wait3A_167 : memref<128xi32, #tpu.memory_space<hbm>>) dst(%arg8 : memref<128xi32, #tpu.memory_space<vmem>>)
        %dma_wait3A_168 = arith.constant 0 : i32
        %dma_wait3A_169 = tpu.memref_slice %arg3[%dma_wait3A_168] : memref<320000xi32, #tpu.memory_space<hbm>> -> memref<128xi32, #tpu.memory_space<hbm>>
        %dma_wait3A_170 = arith.constant 0 : i32
        %dma_wait3A_171 = tpu.memref_slice %arg3[%dma_wait3A_170] : memref<320000xi32, #tpu.memory_space<hbm>> -> memref<128xi32, #tpu.memory_space<hbm>>
        tpu.wait_dma2 semaphore(%arg19 : memref<!tpu.dma_semaphore, #tpu.memory_space<semaphore_mem>>) src(%dma_wait3A_171 : memref<128xi32, #tpu.memory_space<hbm>>) dst(%arg12 : memref<128xi32, #tpu.memory_space<vmem>>)
        %dma_start3A_172 = arith.constant 0 : i32
        %dma_start3A_173 = arith.constant 0 : i32
        %dma_start3A_174 = tpu.memref_slice %arg4[%dma_start3A_172, %dma_start3A_173] : memref<10000x128xf32, #tpu.memory_space<hbm>> -> memref<10000x128xf32, #tpu.memory_space<hbm>>
        tpu.enqueue_indirect_dma source(%dma_start3A_174 : memref<10000x128xf32, #tpu.memory_space<hbm>>) target(%arg16 : memref<128x128xf32, #tpu.memory_space<vmem>>) offsets(%arg8 : memref<128xi32, #tpu.memory_space<vmem>>) semaphore(%arg23 : memref<!tpu.dma_semaphore, #tpu.memory_space<semaphore_mem>>)
      } else {
      }
    }
    %scan3A_63 = arith.constant 19 : i32
    %dma_wait3A_64 = arith.constant 0 : i32
    %dma_wait3A_65 = arith.constant 0 : i32
    %dma_wait3A_66 = tpu.memref_slice %arg4[%dma_wait3A_64, %dma_wait3A_65] : memref<10000x128xf32, #tpu.memory_space<hbm>> -> memref<10000x128xf32, #tpu.memory_space<hbm>>
    tpu.wait_indirect_dma semaphore(%arg22 : memref<!tpu.dma_semaphore, #tpu.memory_space<semaphore_mem>>) src(%dma_wait3A_66 : memref<10000x128xf32, #tpu.memory_space<hbm>>) dst(%arg15 : memref<128x128xf32, #tpu.memory_space<vmem>>)
    "tpu.region"() ({
      %run_scoped3A = tpu.sem_alloc : memref<!tpu.dma_semaphore, #tpu.memory_space<semaphore_mem>>
      %dma_start3A_79 = arith.constant 0 : i32
      %dma_start3A_80 = arith.constant 0 : i32
      %dma_start3A_81 = tpu.memref_slice %arg17[%dma_start3A_79, %dma_start3A_80] : memref<10112x128xf32, #tpu.memory_space<vmem_shared>> -> memref<10112x128xf32, #tpu.memory_space<vmem_shared>>
      tpu.enqueue_indirect_dma source(%arg15 : memref<128x128xf32, #tpu.memory_space<vmem>>) target(%dma_start3A_81 : memref<10112x128xf32, #tpu.memory_space<vmem_shared>>) offsets(%arg11 : memref<128xi32, #tpu.memory_space<vmem>>) semaphore(%run_scoped3A : memref<!tpu.dma_semaphore, #tpu.memory_space<semaphore_mem>>) {add = true}
      %dma_wait3A_82 = arith.constant 0 : i32
      %dma_wait3A_83 = arith.constant 0 : i32
      %dma_wait3A_84 = tpu.memref_slice %arg17[%dma_wait3A_82, %dma_wait3A_83] : memref<10112x128xf32, #tpu.memory_space<vmem_shared>> -> memref<10112x128xf32, #tpu.memory_space<vmem_shared>>
      tpu.wait_indirect_dma semaphore(%run_scoped3A : memref<!tpu.dma_semaphore, #tpu.memory_space<semaphore_mem>>) src(%arg15 : memref<128x128xf32, #tpu.memory_space<vmem>>) dst(%dma_wait3A_84 : memref<10112x128xf32, #tpu.memory_space<vmem_shared>>)
      tpu.yield
    }) : () -> ()
    %dma_wait3A_67 = arith.constant 0 : i32
    %dma_wait3A_68 = arith.constant 0 : i32
    %dma_wait3A_69 = tpu.memref_slice %arg4[%dma_wait3A_67, %dma_wait3A_68] : memref<10000x128xf32, #tpu.memory_space<hbm>> -> memref<10000x128xf32, #tpu.memory_space<hbm>>
    tpu.wait_indirect_dma semaphore(%arg23 : memref<!tpu.dma_semaphore, #tpu.memory_space<semaphore_mem>>) src(%dma_wait3A_69 : memref<10000x128xf32, #tpu.memory_space<hbm>>) dst(%arg16 : memref<128x128xf32, #tpu.memory_space<vmem>>)
    "tpu.region"() ({
      %run_scoped3A = tpu.sem_alloc : memref<!tpu.dma_semaphore, #tpu.memory_space<semaphore_mem>>
      %dma_start3A_79 = arith.constant 0 : i32
      %dma_start3A_80 = arith.constant 0 : i32
      %dma_start3A_81 = tpu.memref_slice %arg17[%dma_start3A_79, %dma_start3A_80] : memref<10112x128xf32, #tpu.memory_space<vmem_shared>> -> memref<10112x128xf32, #tpu.memory_space<vmem_shared>>
      tpu.enqueue_indirect_dma source(%arg16 : memref<128x128xf32, #tpu.memory_space<vmem>>) target(%dma_start3A_81 : memref<10112x128xf32, #tpu.memory_space<vmem_shared>>) offsets(%arg12 : memref<128xi32, #tpu.memory_space<vmem>>) semaphore(%run_scoped3A : memref<!tpu.dma_semaphore, #tpu.memory_space<semaphore_mem>>) {add = true}
      %dma_wait3A_82 = arith.constant 0 : i32
      %dma_wait3A_83 = arith.constant 0 : i32
      %dma_wait3A_84 = tpu.memref_slice %arg17[%dma_wait3A_82, %dma_wait3A_83] : memref<10112x128xf32, #tpu.memory_space<vmem_shared>> -> memref<10112x128xf32, #tpu.memory_space<vmem_shared>>
      tpu.wait_indirect_dma semaphore(%run_scoped3A : memref<!tpu.dma_semaphore, #tpu.memory_space<semaphore_mem>>) src(%arg16 : memref<128x128xf32, #tpu.memory_space<vmem>>) dst(%dma_wait3A_84 : memref<10112x128xf32, #tpu.memory_space<vmem_shared>>)
      tpu.yield
    }) : () -> ()
    %lt3A = arith.constant 4 : i32
    %lt3A_70 = arith.cmpi slt, %add3A, %lt3A : i32
    %convert_element_type3A = arith.extui %lt3A_70 : i1 to i32
    %cond3A = arith.constant 0 : i32
    %cond3A_71 = arith.cmpi ne, %convert_element_type3A, %cond3A : i32
    scf.if %cond3A_71 {
      %add3A_79 = arith.constant 2496 : i32
      %add3A_80 = arith.addi %add3A_79, %add3A : i32
      %mul3A_81 = arith.constant 128 : i32
      %mul3A_82 = arith.muli %add3A_80, %mul3A_81 : i32
      %multiple_of3A_83 = tpu.assume_multiple %mul3A_82, 8 : i32
      "tpu.region"() ({
        %run_scoped3A = tpu.sem_alloc : memref<!tpu.dma_semaphore, #tpu.memory_space<semaphore_mem>>
        %dma_start3A_90 = tpu.memref_slice %arg2[%multiple_of3A_83] : memref<320000xi32, #tpu.memory_space<hbm>> -> memref<128xi32, #tpu.memory_space<hbm>>
        %dma_start3A_91 = tpu.memref_slice %arg2[%multiple_of3A_83] : memref<320000xi32, #tpu.memory_space<hbm>> -> memref<128xi32, #tpu.memory_space<hbm>>
        tpu.enqueue_dma source(%dma_start3A_91 : memref<128xi32, #tpu.memory_space<hbm>>) target(%arg7 : memref<128xi32, #tpu.memory_space<vmem>>) target_semaphore(%run_scoped3A : memref<!tpu.dma_semaphore, #tpu.memory_space<semaphore_mem>>)
        %dma_wait3A_92 = tpu.memref_slice %arg2[%multiple_of3A_83] : memref<320000xi32, #tpu.memory_space<hbm>> -> memref<128xi32, #tpu.memory_space<hbm>>
        %dma_wait3A_93 = tpu.memref_slice %arg2[%multiple_of3A_83] : memref<320000xi32, #tpu.memory_space<hbm>> -> memref<128xi32, #tpu.memory_space<hbm>>
        tpu.wait_dma2 semaphore(%run_scoped3A : memref<!tpu.dma_semaphore, #tpu.memory_space<semaphore_mem>>) src(%dma_wait3A_93 : memref<128xi32, #tpu.memory_space<hbm>>) dst(%arg7 : memref<128xi32, #tpu.memory_space<vmem>>)
        tpu.yield
      }) : () -> ()
      "tpu.region"() ({
        %run_scoped3A = tpu.sem_alloc : memref<!tpu.dma_semaphore, #tpu.memory_space<semaphore_mem>>
        %dma_start3A_90 = tpu.memref_slice %arg3[%multiple_of3A_83] : memref<320000xi32, #tpu.memory_space<hbm>> -> memref<128xi32, #tpu.memory_space<hbm>>
        %dma_start3A_91 = tpu.memref_slice %arg3[%multiple_of3A_83] : memref<320000xi32, #tpu.memory_space<hbm>> -> memref<128xi32, #tpu.memory_space<hbm>>
        tpu.enqueue_dma source(%dma_start3A_91 : memref<128xi32, #tpu.memory_space<hbm>>) target(%arg11 : memref<128xi32, #tpu.memory_space<vmem>>) target_semaphore(%run_scoped3A : memref<!tpu.dma_semaphore, #tpu.memory_space<semaphore_mem>>)
        %dma_wait3A_92 = tpu.memref_slice %arg3[%multiple_of3A_83] : memref<320000xi32, #tpu.memory_space<hbm>> -> memref<128xi32, #tpu.memory_space<hbm>>
        %dma_wait3A_93 = tpu.memref_slice %arg3[%multiple_of3A_83] : memref<320000xi32, #tpu.memory_space<hbm>> -> memref<128xi32, #tpu.memory_space<hbm>>
        tpu.wait_dma2 semaphore(%run_scoped3A : memref<!tpu.dma_semaphore, #tpu.memory_space<semaphore_mem>>) src(%dma_wait3A_93 : memref<128xi32, #tpu.memory_space<hbm>>) dst(%arg11 : memref<128xi32, #tpu.memory_space<vmem>>)
        tpu.yield
      }) : () -> ()
      %dma_start3A_84 = arith.constant 0 : i32
      %dma_start3A_85 = arith.constant 0 : i32
      %dma_start3A_86 = tpu.memref_slice %arg4[%dma_start3A_84, %dma_start3A_85] : memref<10000x128xf32, #tpu.memory_space<hbm>> -> memref<10000x128xf32, #tpu.memory_space<hbm>>
      tpu.enqueue_indirect_dma source(%dma_start3A_86 : memref<10000x128xf32, #tpu.memory_space<hbm>>) target(%arg15 : memref<128x128xf32, #tpu.memory_space<vmem>>) offsets(%arg7 : memref<128xi32, #tpu.memory_space<vmem>>) semaphore(%arg22 : memref<!tpu.dma_semaphore, #tpu.memory_space<semaphore_mem>>)
      %dma_wait3A_87 = arith.constant 0 : i32
      %dma_wait3A_88 = arith.constant 0 : i32
      %dma_wait3A_89 = tpu.memref_slice %arg4[%dma_wait3A_87, %dma_wait3A_88] : memref<10000x128xf32, #tpu.memory_space<hbm>> -> memref<10000x128xf32, #tpu.memory_space<hbm>>
      tpu.wait_indirect_dma semaphore(%arg22 : memref<!tpu.dma_semaphore, #tpu.memory_space<semaphore_mem>>) src(%dma_wait3A_89 : memref<10000x128xf32, #tpu.memory_space<hbm>>) dst(%arg15 : memref<128x128xf32, #tpu.memory_space<vmem>>)
      "tpu.region"() ({
        %run_scoped3A = tpu.sem_alloc : memref<!tpu.dma_semaphore, #tpu.memory_space<semaphore_mem>>
        %dma_start3A_90 = arith.constant 0 : i32
        %dma_start3A_91 = arith.constant 0 : i32
        %dma_start3A_92 = tpu.memref_slice %arg17[%dma_start3A_90, %dma_start3A_91] : memref<10112x128xf32, #tpu.memory_space<vmem_shared>> -> memref<10112x128xf32, #tpu.memory_space<vmem_shared>>
        tpu.enqueue_indirect_dma source(%arg15 : memref<128x128xf32, #tpu.memory_space<vmem>>) target(%dma_start3A_92 : memref<10112x128xf32, #tpu.memory_space<vmem_shared>>) offsets(%arg11 : memref<128xi32, #tpu.memory_space<vmem>>) semaphore(%run_scoped3A : memref<!tpu.dma_semaphore, #tpu.memory_space<semaphore_mem>>) {add = true}
        %dma_wait3A_93 = arith.constant 0 : i32
        %dma_wait3A_94 = arith.constant 0 : i32
        %dma_wait3A_95 = tpu.memref_slice %arg17[%dma_wait3A_93, %dma_wait3A_94] : memref<10112x128xf32, #tpu.memory_space<vmem_shared>> -> memref<10112x128xf32, #tpu.memory_space<vmem_shared>>
        tpu.wait_indirect_dma semaphore(%run_scoped3A : memref<!tpu.dma_semaphore, #tpu.memory_space<semaphore_mem>>) src(%arg15 : memref<128x128xf32, #tpu.memory_space<vmem>>) dst(%dma_wait3A_95 : memref<10112x128xf32, #tpu.memory_space<vmem_shared>>)
        tpu.yield
      }) : () -> ()
    } else {
    }
    %barrier3A_72 = arith.constant 0 : index
    tpu.barrier barrier_id(%barrier3A_72)
    %mul3A_73 = arith.constant 10112 : i32
    %mul3A_74 = arith.muli %arg0, %mul3A_73 : i32
    %mul3A_75 = arith.constant 632 : i32
    %mul3A_76 = arith.muli %arg1, %mul3A_75 : i32
    %add3A_77 = arith.addi %mul3A_74, %mul3A_76 : i32
    %multiple_of3A_78 = tpu.assume_multiple %add3A_77, 8 : i32
    "tpu.region"() ({
      %run_scoped3A = tpu.sem_alloc : memref<!tpu.dma_semaphore, #tpu.memory_space<semaphore_mem>>
      %dma_start3A_79 = arith.constant 0 : i32
      %dma_start3A_80 = tpu.memref_slice %arg6[%multiple_of3A_78, %dma_start3A_79] : memref<20224x128xf32, #tpu.memory_space<hbm>> -> memref<632x128xf32, #tpu.memory_space<hbm>>
      %dma_start3A_81 = arith.constant 0 : i32
      %dma_start3A_82 = tpu.memref_slice %arg17[%multiple_of3A, %dma_start3A_81] : memref<10112x128xf32, #tpu.memory_space<vmem_shared>> -> memref<632x128xf32, #tpu.memory_space<vmem_shared>>
      tpu.enqueue_dma source(%dma_start3A_82 : memref<632x128xf32, #tpu.memory_space<vmem_shared>>) target(%dma_start3A_80 : memref<632x128xf32, #tpu.memory_space<hbm>>) target_semaphore(%run_scoped3A : memref<!tpu.dma_semaphore, #tpu.memory_space<semaphore_mem>>)
      %dma_wait3A_83 = arith.constant 0 : i32
      %dma_wait3A_84 = tpu.memref_slice %arg6[%multiple_of3A_78, %dma_wait3A_83] : memref<20224x128xf32, #tpu.memory_space<hbm>> -> memref<632x128xf32, #tpu.memory_space<hbm>>
      %dma_wait3A_85 = arith.constant 0 : i32
      %dma_wait3A_86 = tpu.memref_slice %arg17[%multiple_of3A, %dma_wait3A_85] : memref<10112x128xf32, #tpu.memory_space<vmem_shared>> -> memref<632x128xf32, #tpu.memory_space<vmem_shared>>
      tpu.wait_dma2 semaphore(%run_scoped3A : memref<!tpu.dma_semaphore, #tpu.memory_space<semaphore_mem>>) src(%dma_wait3A_86 : memref<632x128xf32, #tpu.memory_space<vmem_shared>>) dst(%dma_wait3A_84 : memref<632x128xf32, #tpu.memory_space<hbm>>)
      tpu.yield
    }) : () -> ()
    return
  }
}

module attributes {stable_mosaic.version = 14 : i64} {
  func.func @_tca_body(%arg0: i32, %arg1: memref<2000x128xf32, #tpu.memory_space<vmem>>, %arg2: memref<2000x128xf32, #tpu.memory_space<vmem>>, %arg3: memref<2000x128xf32, #tpu.memory_space<vmem>>, %arg4: memref<128x128xf32, #tpu.memory_space<vmem>>, %arg5: memref<2000x1xf32, #tpu.memory_space<vmem>>, %arg6: memref<2000x128xf32, #tpu.memory_space<vmem>>) attributes {dimension_semantics = [#tpu.dimension_semantics<arbitrary>], iteration_bounds = array<i64: 5>, scalar_prefetch = 0 : i64, scratch_operands = 0 : i64, tpu.core_type = #tpu.core_type<tc>, window_params = [{transform_indices = @transform_0, window_bounds = array<i64: 2000, 128>}, {transform_indices = @transform_1, window_bounds = array<i64: 2000, 128>}, {transform_indices = @transform_2, window_bounds = array<i64: 2000, 128>}, {pipeline_mode = #tpu.pipeline_mode<synchronous>, transform_indices = @transform_3, window_bounds = array<i64: 128, 128>}, {transform_indices = @transform_4, window_bounds = array<i64: 2000, 1>}, {transform_indices = @transform_5, window_bounds = array<i64: 2000, 128>}]} {
    %get3A = arith.constant 0 : index
    %get3A_0 = arith.constant 0 : index
    %get3A_1 = vector.load %arg1[%get3A, %get3A_0] : memref<2000x128xf32, #tpu.memory_space<vmem>>, vector<2000x1xf32>
    %get3A_2 = arith.constant 0 : index
    %get3A_3 = arith.constant 0 : index
    %get3A_4 = vector.load %arg2[%get3A_2, %get3A_3] : memref<2000x128xf32, #tpu.memory_space<vmem>>, vector<2000x1xf32>
    %add3A = arith.addf %get3A_1, %get3A_4 : vector<2000x1xf32>
    %add3A_5 = arith.constant 1.000000e+00 : f32
    %add3A_6 = vector.broadcast %add3A_5 : f32 to vector<2000x1xf32>
    %add3A_7 = arith.addf %add3A, %add3A_6 : vector<2000x1xf32>
    %rsqrt3A = math.rsqrt %add3A_7 : vector<2000x1xf32>
    %swap3A = arith.constant 0 : index
    %swap3A_8 = arith.constant 0 : index
    %swap3A_9 = vector.load %arg5[%swap3A, %swap3A_8] : memref<2000x1xf32, #tpu.memory_space<vmem>>, vector<2000x1xf32>
    tpu.vector_store %arg5[%swap3A, %swap3A_8], %rsqrt3A {strides = array<i32>} : memref<2000x1xf32, #tpu.memory_space<vmem>>, vector<2000x1xf32>,
    %get3A_10 = arith.constant 0 : index
    %get3A_11 = arith.constant 0 : index
    %get3A_12 = vector.load %arg3[%get3A_10, %get3A_11] : memref<2000x128xf32, #tpu.memory_space<vmem>>, vector<2000x128xf32>
    %get3A_13 = arith.constant 0 : index
    %get3A_14 = arith.constant 0 : index
    %get3A_15 = vector.load %arg4[%get3A_13, %get3A_14] : memref<128x128xf32, #tpu.memory_space<vmem>>, vector<128x128xf32>
    %dot_general3A = arith.constant dense<0.000000e+00> : vector<2000x128xf32>
    %dot_general3A_16 = tpu.matmul %get3A_12, %get3A_15, %dot_general3A {dimension_numbers = #tpu.dot_dimension_numbers<[1], [0], [0], [1], [0, 0, 1, 1], [], []>, transpose_lhs_hint = false} : vector<2000x128xf32>, vector<128x128xf32>, vector<2000x128xf32> -> vector<2000x128xf32>
    %mul3A = vector.broadcast %rsqrt3A : vector<2000x1xf32> to vector<2000x128xf32>
    %mul3A_17 = arith.mulf %dot_general3A_16, %mul3A : vector<2000x128xf32>
    %swap3A_18 = arith.constant 0 : index
    %swap3A_19 = arith.constant 0 : index
    %swap3A_20 = vector.load %arg6[%swap3A_18, %swap3A_19] : memref<2000x128xf32, #tpu.memory_space<vmem>>, vector<2000x128xf32>
    tpu.vector_store %arg6[%swap3A_18, %swap3A_19], %mul3A_17 {strides = array<i32>} : memref<2000x128xf32, #tpu.memory_space<vmem>>, vector<2000x128xf32>,
    return
  }
  func.func @transform_0(%arg0: i32) -> (i32, i32) {
    %c0_i32 = arith.constant 0 : i32
    %c0_i32_0 = arith.constant 0 : i32
    return %arg0, %c0_i32 : i32, i32
  }
  func.func @transform_1(%arg0: i32) -> (i32, i32) {
    %c0_i32 = arith.constant 0 : i32
    %c0_i32_0 = arith.constant 0 : i32
    return %arg0, %c0_i32 : i32, i32
  }
  func.func @transform_2(%arg0: i32) -> (i32, i32) {
    %c0_i32 = arith.constant 0 : i32
    %c0_i32_0 = arith.constant 0 : i32
    return %arg0, %c0_i32 : i32, i32
  }
  func.func @transform_3(%arg0: i32) -> (i32, i32) {
    %c0_i32 = arith.constant 0 : i32
    %c0_i32_0 = arith.constant 0 : i32
    %c0_i32_1 = arith.constant 0 : i32
    return %c0_i32, %c0_i32_0 : i32, i32
  }
  func.func @transform_4(%arg0: i32) -> (i32, i32) {
    %c0_i32 = arith.constant 0 : i32
    %c0_i32_0 = arith.constant 0 : i32
    return %arg0, %c0_i32 : i32, i32
  }
  func.func @transform_5(%arg0: i32) -> (i32, i32) {
    %c0_i32 = arith.constant 0 : i32
    %c0_i32_0 = arith.constant 0 : i32
    return %arg0, %c0_i32 : i32, i32
  }
}

module attributes {stable_mosaic.version = 14 : i64} {
  func.func @_tcb_body(%arg0: i32, %arg1: memref<2000x128xf32, #tpu.memory_space<vmem>>, %arg2: memref<2000x128xf32, #tpu.memory_space<vmem>>, %arg3: memref<2000x128xf32, #tpu.memory_space<vmem>>, %arg4: memref<2000x1xf32, #tpu.memory_space<vmem>>, %arg5: memref<1x128xf32, #tpu.memory_space<vmem>>, %arg6: memref<128x128xf32, #tpu.memory_space<vmem>>, %arg7: memref<2000x128xf32, #tpu.memory_space<vmem>>) attributes {dimension_semantics = [#tpu.dimension_semantics<arbitrary>], iteration_bounds = array<i64: 5>, scalar_prefetch = 0 : i64, scratch_operands = 0 : i64, tpu.core_type = #tpu.core_type<tc>, window_params = [{transform_indices = @transform_0, window_bounds = array<i64: 2000, 128>}, {transform_indices = @transform_1, window_bounds = array<i64: 2000, 128>}, {transform_indices = @transform_2, window_bounds = array<i64: 2000, 128>}, {transform_indices = @transform_3, window_bounds = array<i64: 2000, 1>}, {pipeline_mode = #tpu.pipeline_mode<synchronous>, transform_indices = @transform_4, window_bounds = array<i64: 1, 128>}, {pipeline_mode = #tpu.pipeline_mode<synchronous>, transform_indices = @transform_5, window_bounds = array<i64: 128, 128>}, {transform_indices = @transform_6, window_bounds = array<i64: 2000, 128>}]} {
    %get3A = arith.constant 0 : index
    %get3A_0 = arith.constant 0 : index
    %get3A_1 = vector.load %arg4[%get3A, %get3A_0] : memref<2000x1xf32, #tpu.memory_space<vmem>>, vector<2000x1xf32>
    %get3A_2 = arith.constant 0 : index
    %get3A_3 = arith.constant 0 : index
    %get3A_4 = vector.load %arg1[%get3A_2, %get3A_3] : memref<2000x128xf32, #tpu.memory_space<vmem>>, vector<2000x128xf32>
    %get3A_5 = arith.constant 0 : index
    %get3A_6 = arith.constant 0 : index
    %get3A_7 = vector.load %arg2[%get3A_5, %get3A_6] : memref<2000x128xf32, #tpu.memory_space<vmem>>, vector<2000x128xf32>
    %add3A = arith.addf %get3A_4, %get3A_7 : vector<2000x128xf32>
    %get3A_8 = arith.constant 0 : index
    %get3A_9 = arith.constant 0 : index
    %get3A_10 = vector.load %arg3[%get3A_8, %get3A_9] : memref<2000x128xf32, #tpu.memory_space<vmem>>, vector<2000x128xf32>
    %add3A_11 = arith.addf %add3A, %get3A_10 : vector<2000x128xf32>
    %mul3A = vector.broadcast %get3A_1 : vector<2000x1xf32> to vector<2000x128xf32>
    %mul3A_12 = arith.mulf %mul3A, %add3A_11 : vector<2000x128xf32>
    %get3A_13 = arith.constant 0 : index
    %get3A_14 = arith.constant 0 : index
    %get3A_15 = vector.load %arg5[%get3A_13, %get3A_14] : memref<1x128xf32, #tpu.memory_space<vmem>>, vector<1x128xf32>
    %add3A_16 = vector.broadcast %get3A_15 : vector<1x128xf32> to vector<2000x128xf32>
    %add3A_17 = arith.addf %mul3A_12, %add3A_16 : vector<2000x128xf32>
    %max3A = arith.constant 0.000000e+00 : f32
    %max3A_18 = vector.broadcast %max3A : f32 to vector<2000x128xf32>
    %max3A_19 = arith.maximumf %add3A_17, %max3A_18 : vector<2000x128xf32>
    %get3A_20 = arith.constant 0 : index
    %get3A_21 = arith.constant 0 : index
    %get3A_22 = vector.load %arg4[%get3A_20, %get3A_21] : memref<2000x1xf32, #tpu.memory_space<vmem>>, vector<2000x1xf32>
    %get3A_23 = arith.constant 0 : index
    %get3A_24 = arith.constant 0 : index
    %get3A_25 = vector.load %arg6[%get3A_23, %get3A_24] : memref<128x128xf32, #tpu.memory_space<vmem>>, vector<128x128xf32>
    %dot_general3A = arith.constant dense<0.000000e+00> : vector<2000x128xf32>
    %dot_general3A_26 = tpu.matmul %max3A_19, %get3A_25, %dot_general3A {dimension_numbers = #tpu.dot_dimension_numbers<[1], [0], [0], [1], [0, 0, 1, 1], [], []>, transpose_lhs_hint = false} : vector<2000x128xf32>, vector<128x128xf32>, vector<2000x128xf32> -> vector<2000x128xf32>
    %mul3A_27 = vector.broadcast %get3A_22 : vector<2000x1xf32> to vector<2000x128xf32>
    %mul3A_28 = arith.mulf %mul3A_27, %dot_general3A_26 : vector<2000x128xf32>
    %swap3A = arith.constant 0 : index
    %swap3A_29 = arith.constant 0 : index
    %swap3A_30 = vector.load %arg7[%swap3A, %swap3A_29] : memref<2000x128xf32, #tpu.memory_space<vmem>>, vector<2000x128xf32>
    tpu.vector_store %arg7[%swap3A, %swap3A_29], %mul3A_28 {strides = array<i32>} : memref<2000x128xf32, #tpu.memory_space<vmem>>, vector<2000x128xf32>,
    return
  }
  func.func @transform_0(%arg0: i32) -> (i32, i32) {
    %c0_i32 = arith.constant 0 : i32
    %c0_i32_0 = arith.constant 0 : i32
    return %arg0, %c0_i32 : i32, i32
  }
  func.func @transform_1(%arg0: i32) -> (i32, i32) {
    %c0_i32 = arith.constant 0 : i32
    %c0_i32_0 = arith.constant 0 : i32
    return %arg0, %c0_i32 : i32, i32
  }
  func.func @transform_2(%arg0: i32) -> (i32, i32) {
    %c0_i32 = arith.constant 0 : i32
    %c0_i32_0 = arith.constant 0 : i32
    return %arg0, %c0_i32 : i32, i32
  }
  func.func @transform_3(%arg0: i32) -> (i32, i32) {
    %c0_i32 = arith.constant 0 : i32
    %c0_i32_0 = arith.constant 0 : i32
    return %arg0, %c0_i32 : i32, i32
  }
  func.func @transform_4(%arg0: i32) -> (i32, i32) {
    %c0_i32 = arith.constant 0 : i32
    %c0_i32_0 = arith.constant 0 : i32
    %c0_i32_1 = arith.constant 0 : i32
    return %c0_i32, %c0_i32_0 : i32, i32
  }
  func.func @transform_5(%arg0: i32) -> (i32, i32) {
    %c0_i32 = arith.constant 0 : i32
    %c0_i32_0 = arith.constant 0 : i32
    %c0_i32_1 = arith.constant 0 : i32
    return %c0_i32, %c0_i32_0 : i32, i32
  }
  func.func @transform_6(%arg0: i32) -> (i32, i32) {
    %c0_i32 = arith.constant 0 : i32
    %c0_i32_0 = arith.constant 0 : i32
    return %arg0, %c0_i32 : i32, i32
  }
}

module attributes {stable_mosaic.version = 14 : i64} {
  func.func @_tcc_body(%arg0: i32, %arg1: memref<2000x128xf32, #tpu.memory_space<vmem>>, %arg2: memref<2000x128xf32, #tpu.memory_space<vmem>>, %arg3: memref<2000x128xf32, #tpu.memory_space<vmem>>, %arg4: memref<2000x1xf32, #tpu.memory_space<vmem>>, %arg5: memref<1x128xf32, #tpu.memory_space<vmem>>, %arg6: memref<2000x1xi32, #tpu.memory_space<vmem>>, %arg7: memref<128x10xf32, #tpu.memory_space<vmem>>, %arg8: memref<1x10xf32, #tpu.memory_space<vmem>>, %arg9: memref<64x10xf32, #tpu.memory_space<vmem>>, %arg10: memref<64x128xf32, #tpu.memory_space<vmem>>, %arg11: memref<64x128xf32, #tpu.memory_space<vmem>>) attributes {dimension_semantics = [#tpu.dimension_semantics<arbitrary>], iteration_bounds = array<i64: 5>, scalar_prefetch = 0 : i64, scratch_operands = 2 : i64, tpu.core_type = #tpu.core_type<tc>, window_params = [{transform_indices = @transform_0, window_bounds = array<i64: 2000, 128>}, {transform_indices = @transform_1, window_bounds = array<i64: 2000, 128>}, {transform_indices = @transform_2, window_bounds = array<i64: 2000, 128>}, {transform_indices = @transform_3, window_bounds = array<i64: 2000, 1>}, {pipeline_mode = #tpu.pipeline_mode<synchronous>, transform_indices = @transform_4, window_bounds = array<i64: 1, 128>}, {transform_indices = @transform_5, window_bounds = array<i64: 2000, 1>}, {pipeline_mode = #tpu.pipeline_mode<synchronous>, transform_indices = @transform_6, window_bounds = array<i64: 128, 10>}, {pipeline_mode = #tpu.pipeline_mode<synchronous>, transform_indices = @transform_7, window_bounds = array<i64: 1, 10>}, {pipeline_mode = #tpu.pipeline_mode<synchronous>, transform_indices = @transform_8, window_bounds = array<i64: 64, 10>}]} {
    %eq3A = arith.constant 0 : i32
    %eq3A_0 = arith.cmpi eq, %arg0, %eq3A : i32
    %convert_element_type3A = arith.extui %eq3A_0 : i1 to i32
    %cond3A = arith.constant 0 : i32
    %cond3A_1 = arith.cmpi ne, %convert_element_type3A, %cond3A : i32
    scf.if %cond3A_1 {
      %broadcast_in_dim3A_49 = arith.constant 0.000000e+00 : f32
      %broadcast_in_dim3A_50 = vector.broadcast %broadcast_in_dim3A_49 : f32 to vector<64x128xf32>
      %swap3A_51 = arith.constant 0 : index
      %swap3A_52 = arith.constant 0 : index
      %swap3A_53 = vector.load %arg10[%swap3A_51, %swap3A_52] : memref<64x128xf32, #tpu.memory_space<vmem>>, vector<64x128xf32>
      tpu.vector_store %arg10[%swap3A_51, %swap3A_52], %broadcast_in_dim3A_50 {strides = array<i32>} : memref<64x128xf32, #tpu.memory_space<vmem>>, vector<64x128xf32>,
      %broadcast_in_dim3A_54 = arith.constant 0.000000e+00 : f32
      %broadcast_in_dim3A_55 = vector.broadcast %broadcast_in_dim3A_54 : f32 to vector<64x128xf32>
      %swap3A_56 = arith.constant 0 : index
      %swap3A_57 = arith.constant 0 : index
      %swap3A_58 = vector.load %arg11[%swap3A_56, %swap3A_57] : memref<64x128xf32, #tpu.memory_space<vmem>>, vector<64x128xf32>
      tpu.vector_store %arg11[%swap3A_56, %swap3A_57], %broadcast_in_dim3A_55 {strides = array<i32>} : memref<64x128xf32, #tpu.memory_space<vmem>>, vector<64x128xf32>,
    } else {
    }
    %get3A = arith.constant 0 : index
    %get3A_2 = arith.constant 0 : index
    %get3A_3 = vector.load %arg4[%get3A, %get3A_2] : memref<2000x1xf32, #tpu.memory_space<vmem>>, vector<2000x1xf32>
    %get3A_4 = arith.constant 0 : index
    %get3A_5 = arith.constant 0 : index
    %get3A_6 = vector.load %arg1[%get3A_4, %get3A_5] : memref<2000x128xf32, #tpu.memory_space<vmem>>, vector<2000x128xf32>
    %get3A_7 = arith.constant 0 : index
    %get3A_8 = arith.constant 0 : index
    %get3A_9 = vector.load %arg2[%get3A_7, %get3A_8] : memref<2000x128xf32, #tpu.memory_space<vmem>>, vector<2000x128xf32>
    %add3A = arith.addf %get3A_6, %get3A_9 : vector<2000x128xf32>
    %get3A_10 = arith.constant 0 : index
    %get3A_11 = arith.constant 0 : index
    %get3A_12 = vector.load %arg3[%get3A_10, %get3A_11] : memref<2000x128xf32, #tpu.memory_space<vmem>>, vector<2000x128xf32>
    %add3A_13 = arith.addf %add3A, %get3A_12 : vector<2000x128xf32>
    %mul3A = vector.broadcast %get3A_3 : vector<2000x1xf32> to vector<2000x128xf32>
    %mul3A_14 = arith.mulf %mul3A, %add3A_13 : vector<2000x128xf32>
    %get3A_15 = arith.constant 0 : index
    %get3A_16 = arith.constant 0 : index
    %get3A_17 = vector.load %arg5[%get3A_15, %get3A_16] : memref<1x128xf32, #tpu.memory_space<vmem>>, vector<1x128xf32>
    %add3A_18 = vector.broadcast %get3A_17 : vector<1x128xf32> to vector<2000x128xf32>
    %add3A_19 = arith.addf %mul3A_14, %add3A_18 : vector<2000x128xf32>
    %iota3A = tpu.iota {dimensions = array<i32: 1>} : vector<2000x64xi32>
    %get3A_20 = arith.constant 0 : index
    %get3A_21 = arith.constant 0 : index
    %get3A_22 = vector.load %arg6[%get3A_20, %get3A_21] : memref<2000x1xi32, #tpu.memory_space<vmem>>, vector<2000x1xi32>
    %eq3A_23 = vector.broadcast %get3A_22 : vector<2000x1xi32> to vector<2000x64xi32>
    %eq3A_24 = arith.cmpi eq, %eq3A_23, %iota3A : vector<2000x64xi32>
    %convert_element_type3A_25 = arith.extui %eq3A_24 : vector<2000x64xi1> to vector<2000x64xi32>
    %convert_element_type3A_26 = arith.sitofp %convert_element_type3A_25 : vector<2000x64xi32> to vector<2000x64xf32>
    %get3A_27 = arith.constant 0 : index
    %get3A_28 = arith.constant 0 : index
    %get3A_29 = vector.load %arg10[%get3A_27, %get3A_28] : memref<64x128xf32, #tpu.memory_space<vmem>>, vector<64x128xf32>
    %dot_general3A = arith.constant dense<0.000000e+00> : vector<64x128xf32>
    %dot_general3A_30 = tpu.matmul %convert_element_type3A_26, %add3A_19, %dot_general3A {dimension_numbers = #tpu.dot_dimension_numbers<[0], [0], [1], [1], [0, 1, 1, 1], [], []>, transpose_lhs_hint = false} : vector<2000x64xf32>, vector<2000x128xf32>, vector<64x128xf32> -> vector<64x128xf32>
    %add3A_31 = arith.addf %get3A_29, %dot_general3A_30 : vector<64x128xf32>
    %swap3A = arith.constant 0 : index
    %swap3A_32 = arith.constant 0 : index
    %swap3A_33 = vector.load %arg10[%swap3A, %swap3A_32] : memref<64x128xf32, #tpu.memory_space<vmem>>, vector<64x128xf32>
    tpu.vector_store %arg10[%swap3A, %swap3A_32], %add3A_31 {strides = array<i32>} : memref<64x128xf32, #tpu.memory_space<vmem>>, vector<64x128xf32>,
    %get3A_34 = arith.constant 0 : index
    %get3A_35 = arith.constant 0 : index
    %get3A_36 = vector.load %arg11[%get3A_34, %get3A_35] : memref<64x128xf32, #tpu.memory_space<vmem>>, vector<64x128xf32>
    %broadcast_in_dim3A = arith.constant 1.000000e+00 : f32
    %broadcast_in_dim3A_37 = vector.broadcast %broadcast_in_dim3A : f32 to vector<2000x128xf32>
    %dot_general3A_38 = arith.constant dense<0.000000e+00> : vector<64x128xf32>
    %dot_general3A_39 = tpu.matmul %convert_element_type3A_26, %broadcast_in_dim3A_37, %dot_general3A_38 {dimension_numbers = #tpu.dot_dimension_numbers<[0], [0], [1], [1], [0, 1, 1, 1], [], []>, transpose_lhs_hint = false} : vector<2000x64xf32>, vector<2000x128xf32>, vector<64x128xf32> -> vector<64x128xf32>
    %add3A_40 = arith.addf %get3A_36, %dot_general3A_39 : vector<64x128xf32>
    %swap3A_41 = arith.constant 0 : index
    %swap3A_42 = arith.constant 0 : index
    %swap3A_43 = vector.load %arg11[%swap3A_41, %swap3A_42] : memref<64x128xf32, #tpu.memory_space<vmem>>, vector<64x128xf32>
    tpu.vector_store %arg11[%swap3A_41, %swap3A_42], %add3A_40 {strides = array<i32>} : memref<64x128xf32, #tpu.memory_space<vmem>>, vector<64x128xf32>,
    %eq3A_44 = arith.constant 4 : i32
    %eq3A_45 = arith.cmpi eq, %arg0, %eq3A_44 : i32
    %convert_element_type3A_46 = arith.extui %eq3A_45 : i1 to i32
    %cond3A_47 = arith.constant 0 : i32
    %cond3A_48 = arith.cmpi ne, %convert_element_type3A_46, %cond3A_47 : i32
    scf.if %cond3A_48 {
      %get3A_49 = arith.constant 0 : index
      %get3A_50 = arith.constant 0 : index
      %get3A_51 = vector.load %arg10[%get3A_49, %get3A_50] : memref<64x128xf32, #tpu.memory_space<vmem>>, vector<64x128xf32>
      %get3A_52 = arith.constant 0 : index
      %get3A_53 = arith.constant 0 : index
      %get3A_54 = vector.load %arg11[%get3A_52, %get3A_53] : memref<64x128xf32, #tpu.memory_space<vmem>>, vector<64x128xf32>
      %max3A = arith.constant 1.000000e+00 : f32
      %max3A_55 = vector.broadcast %max3A : f32 to vector<64x128xf32>
      %max3A_56 = arith.maximumf %get3A_54, %max3A_55 : vector<64x128xf32>
      %div3A = arith.divf %get3A_51, %max3A_56 : vector<64x128xf32>
      %get3A_57 = arith.constant 0 : index
      %get3A_58 = arith.constant 0 : index
      %get3A_59 = vector.load %arg7[%get3A_57, %get3A_58] : memref<128x10xf32, #tpu.memory_space<vmem>>, vector<128x10xf32>
      %dot_general3A_60 = arith.constant dense<0.000000e+00> : vector<64x10xf32>
      %dot_general3A_61 = tpu.matmul %div3A, %get3A_59, %dot_general3A_60 {dimension_numbers = #tpu.dot_dimension_numbers<[1], [0], [0], [1], [0, 0, 1, 1], [], []>, transpose_lhs_hint = false} : vector<64x128xf32>, vector<128x10xf32>, vector<64x10xf32> -> vector<64x10xf32>
      %get3A_62 = arith.constant 0 : index
      %get3A_63 = arith.constant 0 : index
      %get3A_64 = vector.load %arg8[%get3A_62, %get3A_63] : memref<1x10xf32, #tpu.memory_space<vmem>>, vector<1x10xf32>
      %add3A_65 = vector.broadcast %get3A_64 : vector<1x10xf32> to vector<64x10xf32>
      %add3A_66 = arith.addf %dot_general3A_61, %add3A_65 : vector<64x10xf32>
      %reduce_max3A = arith.constant dense<0xFF800000> : vector<64xf32>
      %reduce_max3A_67 = vector.multi_reduction <maximumf>, %add3A_66, %reduce_max3A [1] : vector<64x10xf32> to vector<64xf32>
      %broadcast_in_dim3A_68 = vector.shape_cast %reduce_max3A_67 : vector<64xf32> to vector<64x1xf32>
      %sub3A = vector.broadcast %broadcast_in_dim3A_68 : vector<64x1xf32> to vector<64x10xf32>
      %sub3A_69 = arith.subf %add3A_66, %sub3A : vector<64x10xf32>
      %exp3A = math.exp %sub3A_69 : vector<64x10xf32>
      %reduce_sum3A = arith.constant dense<0.000000e+00> : vector<64xf32>
      %reduce_sum3A_70 = vector.multi_reduction <add>, %exp3A, %reduce_sum3A [1] : vector<64x10xf32> to vector<64xf32>
      %broadcast_in_dim3A_71 = vector.shape_cast %reduce_sum3A_70 : vector<64xf32> to vector<64x1xf32>
      %div3A_72 = vector.broadcast %broadcast_in_dim3A_71 : vector<64x1xf32> to vector<64x10xf32>
      %div3A_73 = arith.divf %exp3A, %div3A_72 : vector<64x10xf32>
      %swap3A_74 = arith.constant 0 : index
      %swap3A_75 = arith.constant 0 : index
      %swap3A_76 = vector.load %arg9[%swap3A_74, %swap3A_75] : memref<64x10xf32, #tpu.memory_space<vmem>>, vector<64x10xf32>
      tpu.vector_store %arg9[%swap3A_74, %swap3A_75], %div3A_73 {strides = array<i32>} : memref<64x10xf32, #tpu.memory_space<vmem>>, vector<64x10xf32>,
    } else {
    }
    return
  }
  func.func @transform_0(%arg0: i32) -> (i32, i32) {
    %c0_i32 = arith.constant 0 : i32
    %c0_i32_0 = arith.constant 0 : i32
    return %arg0, %c0_i32 : i32, i32
  }
  func.func @transform_1(%arg0: i32) -> (i32, i32) {
    %c0_i32 = arith.constant 0 : i32
    %c0_i32_0 = arith.constant 0 : i32
    return %arg0, %c0_i32 : i32, i32
  }
  func.func @transform_2(%arg0: i32) -> (i32, i32) {
    %c0_i32 = arith.constant 0 : i32
    %c0_i32_0 = arith.constant 0 : i32
    return %arg0, %c0_i32 : i32, i32
  }
  func.func @transform_3(%arg0: i32) -> (i32, i32) {
    %c0_i32 = arith.constant 0 : i32
    %c0_i32_0 = arith.constant 0 : i32
    return %arg0, %c0_i32 : i32, i32
  }
  func.func @transform_4(%arg0: i32) -> (i32, i32) {
    %c0_i32 = arith.constant 0 : i32
    %c0_i32_0 = arith.constant 0 : i32
    %c0_i32_1 = arith.constant 0 : i32
    return %c0_i32, %c0_i32_0 : i32, i32
  }
  func.func @transform_5(%arg0: i32) -> (i32, i32) {
    %c0_i32 = arith.constant 0 : i32
    %c0_i32_0 = arith.constant 0 : i32
    return %arg0, %c0_i32 : i32, i32
  }
  func.func @transform_6(%arg0: i32) -> (i32, i32) {
    %c0_i32 = arith.constant 0 : i32
    %c0_i32_0 = arith.constant 0 : i32
    %c0_i32_1 = arith.constant 0 : i32
    return %c0_i32, %c0_i32_0 : i32, i32
  }
  func.func @transform_7(%arg0: i32) -> (i32, i32) {
    %c0_i32 = arith.constant 0 : i32
    %c0_i32_0 = arith.constant 0 : i32
    %c0_i32_1 = arith.constant 0 : i32
    return %c0_i32, %c0_i32_0 : i32, i32
  }
  func.func @transform_8(%arg0: i32) -> (i32, i32) {
    %c0_i32 = arith.constant 0 : i32
    %c0_i32_0 = arith.constant 0 : i32
    %c0_i32_1 = arith.constant 0 : i32
    return %c0_i32, %c0_i32_0 : i32, i32
  }
}

</mosaic_0001>

<sc_bundles>
// kernel: kernel.10.cloned.1.call-start
scs
__scs_entry_jumppad:
0x0: {  	(pc) =	sbr.rel $0x88, $3  }
0x1: {  	(tag) =	ssettag $0x0;
	lr =	simm.s32 $0x1  }
0x2: {  	[smem:$0x3F96] =	sst lr;
	_ =	strace $0xD0000000  }
0x3: {  	_ = 	snop  }
0x4: {  	_ = 	snop  }
0x5: {  	_ = 	snop  }
0x6: {  	_ = 	snop  }
0x7: {  	_ = 	snop  }
__scs_overlays_trampoline_lowered:
0x8: {  	[smem:$0x3FA5] =	sst s0  }
0x9: {  	[smem:$0x3FA6] =	sst s1  }
0xa: {  	[smem:$0x3FA7] =	sst s2  }
0xb: {  	[smem:$0x3FA8] =	sst s3  }
0xc: {  	[smem:$0x3FA9] =	sst s4  }
0xd: {  	[smem:$0x3FAA] =	sst s5  }
0xe: {  	[smem:$0x3FAB] =	sst s6  }
0xf: {  	[smem:$0x3FAC] =	sst s7  }
0x10: {  	[smem:$0x3FAD] =	sst s8  }
0x11: {  	[smem:$0x3FAE] =	sst s9;
	s0 =	simm.s32 @!p0 $0x0  }
0x12: {  	s1 =	sld [smem:$0x3F94];
	s0 =	simm.s32 @p0 $0x1  }
0x13: {  	[smem:$0x3FAF] =	sst s0;
	s0 =	simm.s32 @!p1 $0x0  }
0x14: {  	s2 =	sld [smem:$0x3F93];
	s0 =	simm.s32 @p1 $0x1  }
0x15: {  	[smem:$0x3FB0] =	sst s0;
	s0 =	simm.s32 @!p2 $0x0  }
0x16: {  	s3 =	sld [smem:$0x3FDB];
	s0 =	simm.s32 @p2 $0x1  }
0x17: {  	s4 =	simm.s32 $0x1BF5;
	[smem:$0x3FB2] =	sst s0  }
0x18: {  	s0 =	sld [smem:$0x3F95];
	_ =	swait.ge [sflag:s4], $0x0  }
0x19: {  	s7 =	sld [smem:$0x3F96]  }
0x1a: {  	s8 =	sadd.s32 $0xFFFFE003, lr  }
0x1b: {  	s9 =	sadd.s32 $0xFFFFFEF7, lr;
	s5 =	simm.s32 $0xFFFFFFFF;
	p2 =	slt.u32 s8, $0xFFFFF086  }
0x1c: {  	p1 =	slt.u32 s9, $0xF7A;
	s5 =	simm.s32 @!p2 $0x0  }
0x1d: {  	s5 =	simm.s32 @p1 $0x1;
	p0 =	seq.s32 s7, s2  }
0x1e: {  	s7 =	smul.u32 @!p0 $0xF7A, s2;
	p2 =	seq.s32 @!p0 s5, $0x0  }
0x1f: {  	s9 =	smul.u32 $0xF7A, s1;
	s8 =	simm.s32 @!p0 $0x1BF5;
	p2 =	por !p2, p0  }
0x20: {  	[sflag:s8] =	ssyncset.s32 @!p0 $0xFFFFF086;
	s6 =	sadd.s32 @!p0 s3, s7;
	s7 =	simm.s32 @!p0 $0x108  }
0x21: {  	s3 =	sadd.s32 s3, s9;
	s6 =	sadd.s32 @!p0 $0x88, s6;
	s7 =	simm.s32 @p2 $0x1082  }
0x22: {  	[simem:s7], [sflag:s8] =	dma.local @!p0 [hbm:s6], $0xF7A  }
0x23: {  	s9 =	sor.u32 $0xD0000000, s2;
	s6 =	simm.s32 $0x108;
	_ =	swait.ge @!p0 [sflag:s8], $0x0  }
0x24: {  	s3 =	sadd.s32 $0x88, s3;
	s6 =	simm.s32 @!p1 $0x1082;
	[sflag:s4] =	ssyncset.s32 $0xFFFFF086  }
0x25: {  	[simem:s6], [sflag:s4] =	dma.local [hbm:s3], $0xF7A  }
0x26: {  	[smem:$0x3F96] =	sst s1;
	(tag) =	ssettag s2;
	_ =	strace s9  }
0x27: {  	s1 =	sld [smem:$0x3FA6]  }
0x28: {  	s2 =	sld [smem:$0x3FA7]  }
0x29: {  	s4 =	sld [smem:$0x3FA9]  }
0x2a: {  	p0 =	seq.s32 s5, $0x0;
	s5 =	sld [smem:$0x3FAA]  }
0x2b: {  	s6 =	sld [smem:$0x3FAB]  }
0x2c: {  	s7 =	sld [smem:$0x3FAC]  }
0x2d: {  	s3 =	simm.s32 $0x108;
	s8 =	sld [smem:$0x3FAD]  }
0x2e: {  	s3 =	simm.s32 @!p0 $0x1082;
	s9 =	sld [smem:$0x3FAE]  }
0x2f: {  	lr =	sadd.s32 s0, s3;
	s0 =	sld [smem:$0x3FA5]  }
0x30: {  	s3 =	sld [smem:$0x3FA8]  }
0x31: {  	[smem:$0x3FB1] =	sst s10  }
0x32: {  	s10 =	sld [smem:$0x3FAF];
	_ =	sdelay $0x3  }
0x33: {  	p0 =	seq.s32 s10, $0x1;
	s10 =	sld [smem:$0x3FB1];
	_ =	sdelay $0x3  }
0x34: {  	[smem:$0x3FB1] =	sst s10  }
0x35: {  	s10 =	sld [smem:$0x3FB0];
	_ =	sdelay $0x3  }
0x36: {  	p1 =	seq.s32 s10, $0x1;
	s10 =	sld [smem:$0x3FB1];
	_ =	sdelay $0x3  }
0x37: {  	[smem:$0x3FB1] =	sst s10  }
0x38: {  	s10 =	sld [smem:$0x3FB2]  }
0x39: {  	_ = 	snop;
	(pc) =	sbr.ind lr, $3  }
0x3a: {  	_ = 	snop  }
0x3b: {  	_ = 	snop  }
0x3c: {  	p2 =	seq.s32 s10, $0x1;
	s10 =	sld [smem:$0x3FB1]  }
0x3d: {  	_ =	shalt  }
0x3e: {  	_ =	shalt  }
0x3f: {  	_ =	shalt  }
0x40: {  	_ =	shalt  }
0x41: {  	_ =	shalt  }
0x42: {  	_ =	shalt  }
0x43: {  	_ =	shalt  }
0x44: {  	_ =	shalt  }
0x45: {  	_ =	shalt  }
0x46: {  	_ =	shalt  }
0x47: {  	_ =	shalt  }
0x48: {  	_ =	shalt  }
0x49: {  	_ =	shalt  }
0x4a: {  	_ =	shalt  }
0x4b: {  	_ =	shalt  }
0x4c: {  	_ =	shalt  }
0x4d: {  	_ =	shalt  }
0x4e: {  	_ =	shalt  }
0x4f: {  	_ =	shalt  }
0x50: {  	_ =	shalt  }
0x51: {  	_ =	shalt  }
0x52: {  	_ =	shalt  }
0x53: {  	_ =	shalt  }
0x54: {  	_ =	shalt  }
0x55: {  	_ =	shalt  }
0x56: {  	_ =	shalt  }
0x57: {  	_ =	shalt  }
0x58: {  	_ =	shalt  }
0x59: {  	_ =	shalt  }
0x5a: {  	_ =	shalt  }
0x5b: {  	_ =	shalt  }
0x5c: {  	_ =	shalt  }
0x5d: {  	_ =	shalt  }
0x5e: {  	_ =	shalt  }
0x5f: {  	_ =	shalt  }
0x60: {  	_ =	shalt  }
0x61: {  	_ =	shalt  }
0x62: {  	_ =	shalt  }
0x63: {  	_ =	shalt  }
0x64: {  	_ =	shalt  }
0x65: {  	_ =	shalt  }
0x66: {  	_ =	shalt  }
0x67: {  	_ =	shalt  }
0x68: {  	_ =	shalt  }
0x69: {  	_ =	shalt  }
0x6a: {  	_ =	shalt  }
0x6b: {  	_ =	shalt  }
0x6c: {  	_ =	shalt  }
0x6d: {  	_ =	shalt  }
0x6e: {  	_ =	shalt  }
0x6f: {  	_ =	shalt  }
0x70: {  	_ =	shalt  }
0x71: {  	_ =	shalt  }
0x72: {  	_ =	shalt  }
0x73: {  	_ =	shalt  }
0x74: {  	_ =	shalt  }
0x75: {  	_ =	shalt  }
0x76: {  	_ =	shalt  }
0x77: {  	_ =	shalt  }
0x78: {  	_ =	shalt  }
0x79: {  	_ =	shalt  }
0x7a: {  	_ =	shalt  }
0x7b: {  	_ =	shalt  }
0x7c: {  	_ =	shalt  }
0x7d: {  	_ =	shalt  }
0x7e: {  	_ =	shalt  }
0x7f: {  	_ =	shalt  }
0x80: {  	_ =	shalt  }
0x81: {  	_ =	shalt  }
0x82: {  	_ =	shalt  }
0x83: {  	_ =	shalt  }
0x84: {  	_ =	shalt  }
0x85: {  	_ =	shalt  }
0x86: {  	_ =	shalt  }
0x87: {  	_ =	shalt  }
.Lfunc_end0:
.L_simem_size_0:
called_computation_lowered:
.L_overlay_start_0:
0x88: {  	s2 =	sld [smem:$0x3FD9]  }
0x89: {  	s3 =	sld [smem:$0x3FFE];
	_ =	sdelay $0x1  }
0x8a: {  	s1 =	srdreg.scid  }
0x8b: {  	s0 =	sand.u32 $0x1, s1  }
0x8c: {  	s16 =	sshll.u32 s0, $0xA;
	s2 =	sadd.s32 s3, s2  }
0x8d: {  	s2 =	sadd.s32 s2, s16  }
0x8e: {  	[smem:$0x3FBD] =	sst s2  }
0x8f: {  	_ = 	snop  }
0x90: {  	(tm) =	ssettm $0x1  }
0x91: {  	s17 =	sld [smem:$0x3FFB];
	_ =	sdelay $0x3  }
0x92: {  	_ =	strace s17  }
0x93: {  	s2 =	sld [smem:$0x3FFC];
	_ =	sdelay $0x3  }
0x94: {  	_ =	strace s2  }
0x95: {  	s2 =	sld [smem:$0x3FFD];
	_ =	sdelay $0x3  }
0x96: {  	_ =	strace s2  }
0x97: {  	_ =	strace $0x8FFFFFFF  }
0x98: {  	s18 =	sld [smem:$0x3FDB];
	_ =	sdelay $0x1  }
0x99: {  	s19 =	simm.s32 $_scs_section_size  }
0x9a: {  	s4 =	simm.s32 $_size__tile_overlayer_lowered;
	s5 =	simm.s32 $_tile_overlayer_lowered  }
0x9b: {  	s22 =	simm.s32 $0x1BFF;
	s21 =	sshll.u32 s5, $0x1;
	s2 =	sadd.s32 s19, s18  }
0x9c: {  	s6 =	simm.s32 $0x0;
	s20 =	sshll.u32 s4, $0x1;
	s4 =	sadd.s32 s21, s2  }
0x9d: {  	[timem:s6], [sflag:s22] =	dma.local [hbm:s4], s20  }
0x9e: {  	_ =	swait.ge [sflag:s22], s20  }
0x9f: {  	s3 =	ssub.s32 $0x0, s20;
	[sflag:s22] =	ssyncset.done $0x0  }
0xa0: {  	[sflag:s22] =	ssyncadd.s32 s3;
	_ =	sdelay $0x1  }
0xa1: {  	s23 =	simm.s32 $0x1B8B  }
0xa2: {  	_ =	swait.ge [sflag:s23], $0x1  }
0xa3: {  	[sflag:s23] =	ssyncset.done $0x0  }
0xa4: {  	s25 =	simm.s32 $0x1B8E;
	s24 =	sld [smem:$0x3FFE];
	[sflag:s23] =	ssyncadd.s32 $0xFFFFFFFF  }
0xa5: {  	s26 =	simm.s32 $execute0_lowered;
	[smem:$0x3FD2] =	sst s25  }
0xa6: {  	s4 =	sshll.u32 s26, $0x1;
	_ =	strace $0x80000046;
	[dreg:$0x1] =	wrdreg $0xFFFFFFFF  }
0xa7: {  	s28 =	simm.s32 $_size_execute0_lowered;
	s2 =	sadd.s32 s2, s4;
	[dreg:$0x0] =	wrdreg $0x0  }
0xa8: {  	s4 =	sshll.u32 s28, $0x1;
	[dreg:$0x2] =	wrdreg s2  }
0xa9: {  	[dreg:$0x3] =	wrdreg s4  }
0xaa: {  	[dreg:$0x4] =	wrdreg $0xC0  }
0xab: {  	_ =	task [dreg:s6], $0x5FFFF  }
0xac: {  	[dreg:$0x1] =	wrdreg $0xFFFFFFFF  }
0xad: {  	[dreg:$0x0] =	wrdreg $0x60  }
0xae: {  	[dreg:$0x2] =	wrdreg s24  }
0xaf: {  	[dreg:$0x3] =	wrdreg $0x40800  }
0xb0: {  	[dreg:$0x4] =	wrdreg $0x9  }
0xb1: {  	_ =	task.clear_ibuf [dreg:s6], $0x5FFFF;
	_ =	strace $0x90000046  }
0xb2: {  	s29 =	simm.s32 $0x9;
	_ =	strace $0x80000048  }
0xb3: {  	_ =	swait.ge [sflag:s29], $0x1  }
0xb4: {  	[sflag:s29] =	ssyncadd.s32 $0xFFFFFFFF  }
0xb5: {  	_ =	strace $0x90000048  }
0xb6: {  	_ =	sfence  }
0xb7: {  	s30 =	sld [smem:$0x0];
	_ =	sdelay $0x2  }
0xb8: {  	s31 =	sshll.u32 s1, $0xD;
	s1 =	sshrl.u32 s1, $0x2  }
0xb9: {  	s3 =	sand.u32 $0x4000, s31;
	s1 =	sadd.s32 s1, s30  }
0xba: {  	s0 =	sor.u32 s3, s0;
	s1 =	sshll.u32 s1, $0x11  }
0xbb: {  	s0 =	sor.u32 s1, s0  }
0xbc: {  	s0 =	sadd.s32 $0x8F2B, s0  }
0xbd: {  	[sflag:s0] =	ssyncadd.remote.s32 $0x1  }
0xbe: {  	_ =	sfence.sel $0xFFFF  }
0xbf: {  	[dreg:$0x0] =	wrdreg $0xFFFFFFFF;
	(pc) =	sbr.abs _section_cstart, $3  }
0xc0: {  	[dreg:$0x1] =	wrdreg $0xFFFFFFFF  }
0xc1: {  	_ =	task.clear_ibuf [dreg:s6], $0x2FFFF;
	_ =	strace $0x9FFFFFFF  }
0xc2: {  	(tm) =	ssettm $0x7FFFFFFF  }
0xc3: {  	_ =	shalt  }
tec
execute0_lowered:
.L_overlay_start_1:
0x0: {  	(tag) =	ssettag $0x1  }
0x1: {  	s6 =	rddreg [dreg:$0x0]  }
0x2: {  	s2 =	rddreg [dreg:$0x1]  }
0x3: {  	s0 =	rddreg [dreg:$0x2]  }
0x4: {  	s4 =	srdreg.scid;
	s1 =	stileid.u32  }
0x5: {  	s3 =	simm.s32 $0x0;
	s7 =	sand.u32 $0x1, s4;
	s5 =	smul.u32 $0x2780, s1  }
0x6: {  	[smem:$0x7FF] =	sst s3;
	s9 =	sadd.s32 $0x4C00, s6;
	s4 =	sadd.s32 $0x1B000, s6  }
0x7: {  	s28 =	smul.u32 $0x4F000, s1;
	s11 =	sshll.u32 s1, $0x5;
	s31 =	sshll.u32 s1, $0x6  }
0x8: {  	p0 =	sgt.u32 s1, $0x1;
	s8 =	smul.u32 $0x27800, s7;
	s10 =	ssub.s32 $0x2, s7  }
0x9: {  	_ =	strace $0x80000047;
	s12 =	sshll.u32 s7, $0x4;
	s29 =	sshrl.u32 s10, $0x1  }
0xa: {  	s13 =	sor.u32 s12, s11;
	s8 =	sadd.s32 s5, s8;
	s5 =	sadd.s32 $0x18800, s6  }
0xb: {  	s10 =	ssub.s32 s10, s29;
	s30 =	sadd.s32 s13, s9;
	s9 =	sadd.s32 s11, s9  }
0xc: {  	s11 =	simm.s32 $0x1;
	s8 =	sadd.s32 s8, s6;
	s6 =	sshrl.u32 s28, $0x2  }
0xd: {  	s9 =	sadd.s32 s12, s9;
	s12 =	sor.u32 $0x1C01, s31;
	s14 =	sadd.s32 s6, s2  }
0xe: {  	s6 =	sadd.s32 $0x9C00, s30;
	s7 =	sadd.s32 $0x1B800, s8;
	s8 =	smax.u32 s10, $0x1  }
0xf: {  	s10 =	simm.s32 $0x80;
	s13 =	sshrl.u32 s14, $0x3;
	s14 =	simm.s32 $0x0  }
.LBB2_1:
0x10: {  	[tilespmem:s10], [sflag:$0x1] =	stream.linear.gather [hbm4b:s4+s3], $0x4000, $0x38;
	[tilespmem:$0x17C80] =	vst v63  }
0x11: {  	_ =	swait.ge [sflag:s11], $0x4000  }
0x12: {  	[sflag:s11] =	ssyncset.done $0x0  }
0x13: {  	[sflag:s11] =	ssyncadd.s32 $0xFFFFC000  }
0x14: {  	[spmem:s13], [sflag:s12] =	dma.local [hbm:s5], $0x2780  }
0x15: {  	_ =	swait.ge [sflag:s11], $0x2780  }
0x16: {  	[sflag:s11] =	ssyncset.done $0x0  }
0x17: {  	[sflag:s11] =	ssyncadd.s32 $0xFFFFD880  }
0x18: {  	s15 =	sadd.s32 $0x0, s9;
	[bflag:$0x0] =	sbarrier.arrive $0xFFFF  }
0x19: {  	[tilespmem:s3], [sflag:$0x1] =	stream.linear.gather [hbm4b:s15+s3], $0x80, $0x38;
	[tilespmem:$0x17C80] =	vst v63  }
0x1a: {  	_ =	swait.ge [sflag:s11], $0x80  }
0x1b: {  	[sflag:s11] =	ssyncset.done $0x0  }
0x1c: {  	[sflag:s11] =	ssyncadd.s32 $0xFFFFFF80  }
0x1d: {  	[spmem:s2] =	stream.indirect.scatter.add.f32 [tilespmem:s10], [sflag:$0x1], $0x80, s3, s10, $0xb8;
	[tilespmem:$0x17C80] =	vst v63  }
0x1e: {  	_ =	swait.ge [sflag:s11], $0x4000  }
0x1f: {  	s16 =	simm.s32 $0x400;
	s15 =	simm.s32 $0x200;
	[sflag:s11] =	ssyncset.done $0x0  }
.LBB2_2:
0x20: {  	s17 =	sadd.s32 s15, s9  }
0x21: {  	[sflag:s11] =	ssyncadd.s32 $0xFFFFC000;
	s15 =	smov.u32 s16;
	s18 =	sadd.s32 $0x200, s16  }
0x22: {  	[tilespmem:s3], [sflag:$0x1] =	stream.linear.gather [hbm4b:s17+s3], $0x80, $0x38;
	[tilespmem:$0x17C80] =	vst v63  }
0x23: {  	p1 =	sne.s32 s16, $0x9A00;
	_ =	swait.ge [sflag:s11], $0x80  }
.Ltmp0:
0x24: {  	[sflag:s11] =	ssyncset.done $0x0;
	(pc) =	sbr.rel @p1 .LBB2_2-.Ltmp0, $4  }
0x25: {  	[sflag:s11] =	ssyncadd.s32 $0xFFFFFF80  }
0x26: {  	[spmem:s2] =	stream.indirect.scatter.add.f32 [tilespmem:s10], [sflag:$0x1], $0x80, s3, s10, $0xb8;
	[tilespmem:$0x17C80] =	vst v63  }
0x27: {  	_ =	swait.ge [sflag:s11], $0x4000  }
0x28: {  	s16 =	smov.u32 s18;
	[sflag:s11] =	ssyncset.done $0x0  }
0x29: {  	s15 =	sadd.s32 s15, s9;
	[sflag:s11] =	ssyncadd.s32 $0xFFFFC000  }
0x2a: {  	[tilespmem:s3], [sflag:$0x1] =	stream.linear.gather [hbm4b:s15+s3], $0x80, $0x38;
	[tilespmem:$0x17C80] =	vst v63  }
0x2b: {  	_ =	swait.ge [sflag:s11], $0x80  }
0x2c: {  	[sflag:s11] =	ssyncset.done $0x0  }
0x2d: {  	[sflag:s11] =	ssyncadd.s32 $0xFFFFFF80  }
0x2e: {  	[spmem:s2] =	stream.indirect.scatter.add.f32 [tilespmem:s10], [sflag:$0x1], $0x80, s3, s10, $0xb8;
	[tilespmem:$0x17C80] =	vst v63  }
0x2f: {  	_ =	swait.ge [sflag:s11], $0x4000  }
0x30: {  	[sflag:s11] =	ssyncset.done $0x0  }
0x31: {  	s16 =	simm.s32 @!p0 $0x1;
	s15 =	simm.s32 @!p0 $0x0;
	[sflag:s11] =	ssyncadd.s32 $0xFFFFC000  }
0x32: {  	[tilespmem:s15], [sflag:$0x1] =	stream.linear.gather @!p0 [hbm4b:s6+s15], $0x80, $0x38;
	[tilespmem:$0x17C80] =	vst v63  }
0x33: {  	_ =	swait.ge @!p0 [sflag:s16], $0x80  }
0x34: {  	[sflag:s16] =	ssyncset.done @!p0 $0x0  }
0x35: {  	s17 =	simm.s32 @!p0 $0x80;
	[sflag:s16] =	ssyncadd.s32 @!p0 $0xFFFFFF80  }
0x36: {  	[spmem:s2] =	stream.indirect.scatter.add.f32 @!p0 [tilespmem:s17], [sflag:$0x1], $0x80, s15, s17, $0xb8;
	[tilespmem:$0x17C80] =	vst v63  }
0x37: {  	_ =	swait.ge @!p0 [sflag:s16], $0x4000  }
0x38: {  	s14 =	sadd.s32 $0x1, s14;
	[sflag:s16] =	ssyncset.done @!p0 $0x0  }
0x39: {  	p1 =	sne.s32 s14, s8;
	[sflag:s16] =	ssyncadd.s32 @!p0 $0xFFFFC000  }
.Ltmp1:
0x3a: {  	[bflag:$0x0] =	sbarrier.arrive $0xFFFF;
	(pc) =	sbr.rel @p1 .LBB2_1-.Ltmp1, $4  }
0x3b: {  	[hbm:s7], [sflag:s12] =	dma.local [spmem:s13], $0x2780  }
0x3c: {  	_ =	swait.ge [sflag:s11], $0x2780  }
0x3d: {  	[sflag:s11] =	ssyncset.done $0x0  }
0x3e: {  	[sflag:s11] =	ssyncadd.s32 $0xFFFFD880  }
0x3f: {  	_ =	sfence.sel $0x180000  }
0x40: {  	[bflag:$0x0] =	sbarrier.arrive $0xFFFF  }
0x41: {  	p0 =	sne.s32 s1, $0x0;
	_ =	strace $0x90000047  }
0x42: {  	s0 =	sadd.s32 @!p0 $0x100000, s0;
	[bflag:$0x2] =	sbarrier.arrive $0xFFFF  }
0x43: {  	[sflag:s0] =	ssyncadd.tile.s32 @!p0 $0x1;
	_ =	shalt  }
.Lfunc_end2:
_tile_overlayer_lowered:
.L_overlay_start_2:
0x44: {  	(tag) =	ssettag $0x2  }
0x45: {  	s0 =	rddreg [dreg:$0x0];
	s2 =	stileid.u32  }
0x46: {  	s1 =	rddreg [dreg:$0x1];
	p0 =	sne.s32 s2, $0x0  }
0x47: {  	s3 =	rddreg [dreg:$0x2];
	[bflag:$0x3] =	sbarrier.arrive $0xFFFF;
	s2 =	simm.s32 @!p0 $0x1C01  }
0x48: {  	[timem:s3], [sflag:s2] =	dma.local @!p0 [hbm:s0], s1  }
0x49: {  	s0 =	simm.s32 @!p0 $0x1  }
0x4a: {  	_ =	swait.ge @!p0 [sflag:s0], s1  }
0x4b: {  	s1 =	ssub.s32 @!p0 $0x0, s1;
	[sflag:s0] =	ssyncset.done @!p0 $0x0  }
0x4c: {  	[sflag:s0] =	ssyncadd.s32 @!p0 s1  }
0x4d: {  	[bflag:$0x3] =	sbarrier.arrive $0xFFFF  }
0x4e: {  	_ =	shalt  }

// kernel: kernel.13.cloned.1.call-start
scs
__scs_entry_jumppad:
0x0: {  	(pc) =	sbr.rel $0x88, $3  }
0x1: {  	(tag) =	ssettag $0x0;
	lr =	simm.s32 $0x1  }
0x2: {  	[smem:$0x3F96] =	sst lr;
	_ =	strace $0xD0000000  }
0x3: {  	_ = 	snop  }
0x4: {  	_ = 	snop  }
0x5: {  	_ = 	snop  }
0x6: {  	_ = 	snop  }
0x7: {  	_ = 	snop  }
__scs_overlays_trampoline_lowered:
0x8: {  	[smem:$0x3FA5] =	sst s0  }
0x9: {  	[smem:$0x3FA6] =	sst s1  }
0xa: {  	[smem:$0x3FA7] =	sst s2  }
0xb: {  	[smem:$0x3FA8] =	sst s3  }
0xc: {  	[smem:$0x3FA9] =	sst s4  }
0xd: {  	[smem:$0x3FAA] =	sst s5  }
0xe: {  	[smem:$0x3FAB] =	sst s6  }
0xf: {  	[smem:$0x3FAC] =	sst s7  }
0x10: {  	[smem:$0x3FAD] =	sst s8  }
0x11: {  	[smem:$0x3FAE] =	sst s9;
	s0 =	simm.s32 @!p0 $0x0  }
0x12: {  	s1 =	sld [smem:$0x3F94];
	s0 =	simm.s32 @p0 $0x1  }
0x13: {  	[smem:$0x3FAF] =	sst s0;
	s0 =	simm.s32 @!p1 $0x0  }
0x14: {  	s2 =	sld [smem:$0x3F93];
	s0 =	simm.s32 @p1 $0x1  }
0x15: {  	[smem:$0x3FB0] =	sst s0;
	s0 =	simm.s32 @!p2 $0x0  }
0x16: {  	s3 =	sld [smem:$0x3FDB];
	s0 =	simm.s32 @p2 $0x1  }
0x17: {  	s4 =	simm.s32 $0x1BF5;
	[smem:$0x3FB2] =	sst s0  }
0x18: {  	s0 =	sld [smem:$0x3F95];
	_ =	swait.ge [sflag:s4], $0x0  }
0x19: {  	s7 =	sld [smem:$0x3F96]  }
0x1a: {  	s8 =	sadd.s32 $0xFFFFE003, lr  }
0x1b: {  	s9 =	sadd.s32 $0xFFFFFEF7, lr;
	s5 =	simm.s32 $0xFFFFFFFF;
	p2 =	slt.u32 s8, $0xFFFFF086  }
0x1c: {  	p1 =	slt.u32 s9, $0xF7A;
	s5 =	simm.s32 @!p2 $0x0  }
0x1d: {  	s5 =	simm.s32 @p1 $0x1;
	p0 =	seq.s32 s7, s2  }
0x1e: {  	s7 =	smul.u32 @!p0 $0xF7A, s2;
	p2 =	seq.s32 @!p0 s5, $0x0  }
0x1f: {  	s9 =	smul.u32 $0xF7A, s1;
	s8 =	simm.s32 @!p0 $0x1BF5;
	p2 =	por !p2, p0  }
0x20: {  	[sflag:s8] =	ssyncset.s32 @!p0 $0xFFFFF086;
	s6 =	sadd.s32 @!p0 s3, s7;
	s7 =	simm.s32 @!p0 $0x108  }
0x21: {  	s3 =	sadd.s32 s3, s9;
	s6 =	sadd.s32 @!p0 $0x88, s6;
	s7 =	simm.s32 @p2 $0x1082  }
0x22: {  	[simem:s7], [sflag:s8] =	dma.local @!p0 [hbm:s6], $0xF7A  }
0x23: {  	s9 =	sor.u32 $0xD0000000, s2;
	s6 =	simm.s32 $0x108;
	_ =	swait.ge @!p0 [sflag:s8], $0x0  }
0x24: {  	s3 =	sadd.s32 $0x88, s3;
	s6 =	simm.s32 @!p1 $0x1082;
	[sflag:s4] =	ssyncset.s32 $0xFFFFF086  }
0x25: {  	[simem:s6], [sflag:s4] =	dma.local [hbm:s3], $0xF7A  }
0x26: {  	[smem:$0x3F96] =	sst s1;
	(tag) =	ssettag s2;
	_ =	strace s9  }
0x27: {  	s1 =	sld [smem:$0x3FA6]  }
0x28: {  	s2 =	sld [smem:$0x3FA7]  }
0x29: {  	s4 =	sld [smem:$0x3FA9]  }
0x2a: {  	p0 =	seq.s32 s5, $0x0;
	s5 =	sld [smem:$0x3FAA]  }
0x2b: {  	s6 =	sld [smem:$0x3FAB]  }
0x2c: {  	s7 =	sld [smem:$0x3FAC]  }
0x2d: {  	s3 =	simm.s32 $0x108;
	s8 =	sld [smem:$0x3FAD]  }
0x2e: {  	s3 =	simm.s32 @!p0 $0x1082;
	s9 =	sld [smem:$0x3FAE]  }
0x2f: {  	lr =	sadd.s32 s0, s3;
	s0 =	sld [smem:$0x3FA5]  }
0x30: {  	s3 =	sld [smem:$0x3FA8]  }
0x31: {  	[smem:$0x3FB1] =	sst s10  }
0x32: {  	s10 =	sld [smem:$0x3FAF];
	_ =	sdelay $0x3  }
0x33: {  	p0 =	seq.s32 s10, $0x1;
	s10 =	sld [smem:$0x3FB1];
	_ =	sdelay $0x3  }
0x34: {  	[smem:$0x3FB1] =	sst s10  }
0x35: {  	s10 =	sld [smem:$0x3FB0];
	_ =	sdelay $0x3  }
0x36: {  	p1 =	seq.s32 s10, $0x1;
	s10 =	sld [smem:$0x3FB1];
	_ =	sdelay $0x3  }
0x37: {  	[smem:$0x3FB1] =	sst s10  }
0x38: {  	s10 =	sld [smem:$0x3FB2]  }
0x39: {  	_ = 	snop;
	(pc) =	sbr.ind lr, $3  }
0x3a: {  	_ = 	snop  }
0x3b: {  	_ = 	snop  }
0x3c: {  	p2 =	seq.s32 s10, $0x1;
	s10 =	sld [smem:$0x3FB1]  }
0x3d: {  	_ =	shalt  }
0x3e: {  	_ =	shalt  }
0x3f: {  	_ =	shalt  }
0x40: {  	_ =	shalt  }
0x41: {  	_ =	shalt  }
0x42: {  	_ =	shalt  }
0x43: {  	_ =	shalt  }
0x44: {  	_ =	shalt  }
0x45: {  	_ =	shalt  }
0x46: {  	_ =	shalt  }
0x47: {  	_ =	shalt  }
0x48: {  	_ =	shalt  }
0x49: {  	_ =	shalt  }
0x4a: {  	_ =	shalt  }
0x4b: {  	_ =	shalt  }
0x4c: {  	_ =	shalt  }
0x4d: {  	_ =	shalt  }
0x4e: {  	_ =	shalt  }
0x4f: {  	_ =	shalt  }
0x50: {  	_ =	shalt  }
0x51: {  	_ =	shalt  }
0x52: {  	_ =	shalt  }
0x53: {  	_ =	shalt  }
0x54: {  	_ =	shalt  }
0x55: {  	_ =	shalt  }
0x56: {  	_ =	shalt  }
0x57: {  	_ =	shalt  }
0x58: {  	_ =	shalt  }
0x59: {  	_ =	shalt  }
0x5a: {  	_ =	shalt  }
0x5b: {  	_ =	shalt  }
0x5c: {  	_ =	shalt  }
0x5d: {  	_ =	shalt  }
0x5e: {  	_ =	shalt  }
0x5f: {  	_ =	shalt  }
0x60: {  	_ =	shalt  }
0x61: {  	_ =	shalt  }
0x62: {  	_ =	shalt  }
0x63: {  	_ =	shalt  }
0x64: {  	_ =	shalt  }
0x65: {  	_ =	shalt  }
0x66: {  	_ =	shalt  }
0x67: {  	_ =	shalt  }
0x68: {  	_ =	shalt  }
0x69: {  	_ =	shalt  }
0x6a: {  	_ =	shalt  }
0x6b: {  	_ =	shalt  }
0x6c: {  	_ =	shalt  }
0x6d: {  	_ =	shalt  }
0x6e: {  	_ =	shalt  }
0x6f: {  	_ =	shalt  }
0x70: {  	_ =	shalt  }
0x71: {  	_ =	shalt  }
0x72: {  	_ =	shalt  }
0x73: {  	_ =	shalt  }
0x74: {  	_ =	shalt  }
0x75: {  	_ =	shalt  }
0x76: {  	_ =	shalt  }
0x77: {  	_ =	shalt  }
0x78: {  	_ =	shalt  }
0x79: {  	_ =	shalt  }
0x7a: {  	_ =	shalt  }
0x7b: {  	_ =	shalt  }
0x7c: {  	_ =	shalt  }
0x7d: {  	_ =	shalt  }
0x7e: {  	_ =	shalt  }
0x7f: {  	_ =	shalt  }
0x80: {  	_ =	shalt  }
0x81: {  	_ =	shalt  }
0x82: {  	_ =	shalt  }
0x83: {  	_ =	shalt  }
0x84: {  	_ =	shalt  }
0x85: {  	_ =	shalt  }
0x86: {  	_ =	shalt  }
0x87: {  	_ =	shalt  }
.Lfunc_end0:
.L_simem_size_0:
called_computation.1_lowered:
.L_overlay_start_0:
0x88: {  	s2 =	sld [smem:$0x3FD9]  }
0x89: {  	s3 =	sld [smem:$0x3FFE];
	_ =	sdelay $0x1  }
0x8a: {  	s1 =	srdreg.scid  }
0x8b: {  	s0 =	sand.u32 $0x1, s1  }
0x8c: {  	s16 =	sshll.u32 s0, $0xA;
	s2 =	sadd.s32 s3, s2  }
0x8d: {  	s2 =	sadd.s32 s2, s16  }
0x8e: {  	[smem:$0x3FBD] =	sst s2  }
0x8f: {  	_ = 	snop  }
0x90: {  	(tm) =	ssettm $0x1  }
0x91: {  	s17 =	sld [smem:$0x3FFB];
	_ =	sdelay $0x3  }
0x92: {  	_ =	strace s17  }
0x93: {  	s2 =	sld [smem:$0x3FFC];
	_ =	sdelay $0x3  }
0x94: {  	_ =	strace s2  }
0x95: {  	s2 =	sld [smem:$0x3FFD];
	_ =	sdelay $0x3  }
0x96: {  	_ =	strace s2  }
0x97: {  	_ =	strace $0x8FFFFFFF  }
0x98: {  	s18 =	sld [smem:$0x3FDB];
	_ =	sdelay $0x1  }
0x99: {  	s19 =	simm.s32 $_scs_section_size  }
0x9a: {  	s4 =	simm.s32 $_size__tile_overlayer_lowered;
	s5 =	simm.s32 $_tile_overlayer_lowered  }
0x9b: {  	s22 =	simm.s32 $0x1BFF;
	s21 =	sshll.u32 s5, $0x1;
	s2 =	sadd.s32 s19, s18  }
0x9c: {  	s6 =	simm.s32 $0x0;
	s20 =	sshll.u32 s4, $0x1;
	s4 =	sadd.s32 s21, s2  }
0x9d: {  	[timem:s6], [sflag:s22] =	dma.local [hbm:s4], s20  }
0x9e: {  	_ =	swait.ge [sflag:s22], s20  }
0x9f: {  	s3 =	ssub.s32 $0x0, s20;
	[sflag:s22] =	ssyncset.done $0x0  }
0xa0: {  	[sflag:s22] =	ssyncadd.s32 s3;
	_ =	sdelay $0x1  }
0xa1: {  	s23 =	simm.s32 $0x1B8B  }
0xa2: {  	_ =	swait.ge [sflag:s23], $0x1  }
0xa3: {  	[sflag:s23] =	ssyncset.done $0x0  }
0xa4: {  	s25 =	simm.s32 $0x1B8E;
	s24 =	sld [smem:$0x3FFE];
	[sflag:s23] =	ssyncadd.s32 $0xFFFFFFFF  }
0xa5: {  	s26 =	simm.s32 $execute0_lowered;
	[smem:$0x3FD2] =	sst s25  }
0xa6: {  	s4 =	sshll.u32 s26, $0x1;
	_ =	strace $0x80000049;
	[dreg:$0x1] =	wrdreg $0xFFFFFFFF  }
0xa7: {  	s28 =	simm.s32 $_size_execute0_lowered;
	s2 =	sadd.s32 s2, s4;
	[dreg:$0x0] =	wrdreg $0x0  }
0xa8: {  	s4 =	sshll.u32 s28, $0x1;
	[dreg:$0x2] =	wrdreg s2  }
0xa9: {  	[dreg:$0x3] =	wrdreg s4  }
0xaa: {  	[dreg:$0x4] =	wrdreg $0xC0  }
0xab: {  	_ =	task [dreg:s6], $0x5FFFF  }
0xac: {  	[dreg:$0x1] =	wrdreg $0xFFFFFFFF  }
0xad: {  	[dreg:$0x0] =	wrdreg $0x60  }
0xae: {  	[dreg:$0x2] =	wrdreg s24  }
0xaf: {  	[dreg:$0x3] =	wrdreg $0x84000  }
0xb0: {  	[dreg:$0x4] =	wrdreg $0x9  }
0xb1: {  	_ =	task.clear_ibuf [dreg:s6], $0x5FFFF;
	_ =	strace $0x90000049  }
0xb2: {  	s29 =	simm.s32 $0x9;
	_ =	strace $0x8000004B  }
0xb3: {  	_ =	swait.ge [sflag:s29], $0x1  }
0xb4: {  	[sflag:s29] =	ssyncadd.s32 $0xFFFFFFFF  }
0xb5: {  	_ =	strace $0x9000004B  }
0xb6: {  	_ =	sfence  }
0xb7: {  	s30 =	sld [smem:$0x0];
	_ =	sdelay $0x2  }
0xb8: {  	s31 =	sshll.u32 s1, $0xD;
	s1 =	sshrl.u32 s1, $0x2  }
0xb9: {  	s3 =	sand.u32 $0x4000, s31;
	s1 =	sadd.s32 s1, s30  }
0xba: {  	s0 =	sor.u32 s3, s0;
	s1 =	sshll.u32 s1, $0x11  }
0xbb: {  	s0 =	sor.u32 s1, s0  }
0xbc: {  	s0 =	sadd.s32 $0x8F2B, s0  }
0xbd: {  	[sflag:s0] =	ssyncadd.remote.s32 $0x1  }
0xbe: {  	_ =	sfence.sel $0xFFFF  }
0xbf: {  	[dreg:$0x0] =	wrdreg $0xFFFFFFFF;
	(pc) =	sbr.abs _section_cstart, $3  }
0xc0: {  	[dreg:$0x1] =	wrdreg $0xFFFFFFFF  }
0xc1: {  	_ =	task.clear_ibuf [dreg:s6], $0x2FFFF;
	_ =	strace $0x9FFFFFFF  }
0xc2: {  	(tm) =	ssettm $0x7FFFFFFF  }
0xc3: {  	_ =	shalt  }
tec
execute0_lowered:
.L_overlay_start_1:
0x0: {  	(tag) =	ssettag $0x1  }
0x1: {  	s0 =	rddreg [dreg:$0x0]  }
0x2: {  	s2 =	rddreg [dreg:$0x1];
	s3 =	simm.s32 $0x0;
	s1 =	srdreg.scid  }
0x3: {  	s13 =	stileid.u32;
	s28 =	simm.s32 $0x300;
	s29 =	simm.s32 $0x180  }
0x4: {  	s30 =	simm.s32 $0x380;
	s31 =	simm.s32 $0x1;
	[smem:$0x7FF] =	sst s3  }
0x5: {  	s1 =	sand.u32 $0x1, s1;
	s5 =	smul.u32 $0x2780, s13;
	s6 =	sadd.s32 $0xEA00, s0  }
0x6: {  	s8 =	sadd.s32 $0x4C00, s0;
	s4 =	sadd.s32 $0x1B000, s0;
	s10 =	smul.u32 $0x4F000, s13  }
0x7: {  	s11 =	sadd.s32 $0x18800, s0;
	s14 =	sshll.u32 s13, $0x5;
	s15 =	sshll.u32 s13, $0x6  }
0x8: {  	p0 =	sgt.u32 s13, $0x1;
	_ =	strace $0x8000004A;
	s7 =	smul.u32 $0x27800, s1  }
0x9: {  	s9 =	ssub.s32 $0x2, s1;
	[dreg:$0x3] =	wrdreg s11;
	s1 =	sshll.u32 s1, $0x4  }
0xa: {  	s25 =	sadd.s32 s14, s6;
	s26 =	sshrl.u32 s9, $0x1;
	s12 =	sshrl.u32 s10, $0x2  }
0xb: {  	s16 =	sor.u32 s1, s14;
	s5 =	sadd.s32 s5, s7;
	s7 =	sadd.s32 s12, s2  }
0xc: {  	s17 =	sadd.s32 s6, s16;
	s18 =	sor.u32 $0x200, s16;
	s12 =	sadd.s32 s8, s16  }
0xd: {  	s20 =	sor.u32 $0x400, s16;
	s22 =	sor.u32 $0x600, s16;
	[dreg:$0x4] =	wrdreg s7  }
0xe: {  	s10 =	sor.u32 $0x9C00, s16;
	s0 =	sadd.s32 s5, s0;
	[dreg:$0x5] =	wrdreg s17  }
0xf: {  	s5 =	ssub.s32 s9, s26;
	[dreg:$0x6] =	wrdreg s12;
	s19 =	sadd.s32 s6, s18  }
0x10: {  	s7 =	sor.u32 $0x1C07, s15;
	s11 =	sadd.s32 s8, s18;
	[dreg:$0x7] =	wrdreg s19  }
0x11: {  	s21 =	sadd.s32 s6, s20;
	s12 =	sadd.s32 s8, s20;
	[dreg:$0x8] =	wrdreg s11  }
0x12: {  	s23 =	sadd.s32 s6, s22;
	s24 =	sadd.s32 s6, s10;
	[dreg:$0x9] =	wrdreg s21  }
0x13: {  	s10 =	sadd.s32 s8, s10;
	s26 =	sadd.s32 s14, s8;
	[dreg:$0xa] =	wrdreg s12  }
0x14: {  	s20 =	sadd.s32 s1, s25;
	s25 =	simm.s32 $0x280;
	[dreg:$0xb] =	wrdreg s23  }
0x15: {  	s6 =	simm.s32 $0x5;
	s9 =	simm.s32 $0x6;
	[dreg:$0xd] =	wrdreg s24  }
0x16: {  	s11 =	sadd.s32 s8, s22;
	[dreg:$0xe] =	wrdreg s10;
	s0 =	sadd.s32 $0x69400, s0  }
0x17: {  	s5 =	smax.u32 s5, $0x1;
	s21 =	sadd.s32 s1, s26;
	s22 =	simm.s32 $0x7  }
0x18: {  	s23 =	simm.s32 $0x200;
	s24 =	simm.s32 $0x80;
	[dreg:$0xc] =	wrdreg s11  }
0x19: {  	s26 =	simm.s32 $0x100;
	s1 =	simm.s32 $0x2;
	[dreg:$0xf] =	wrdreg s0  }
0x1a: {  	s8 =	simm.s32 $0x3;
	s10 =	simm.s32 $0x4;
	[dreg:$0x10] =	wrdreg s5  }
0x1b: {  	s0 =	simm.s32 $0x400;
	s5 =	simm.s32 $0x4400;
	s11 =	simm.s32 $0x0  }
.LBB2_1:
0x1c: {  	s12 =	rddreg [dreg:$0x4]  }
0x1d: {  	s13 =	rddreg [dreg:$0x3];
	s12 =	sshrl.u32 s12, $0x3  }
0x1e: {  	[spmem:s12], [sflag:s7] =	dma.local [hbm:s13], $0x2780  }
0x1f: {  	_ =	swait.ge [sflag:s22], $0x2780  }
0x20: {  	[sflag:s22] =	ssyncset.done $0x0  }
0x21: {  	[sflag:s22] =	ssyncadd.s32 $0xFFFFD880  }
0x22: {  	[bflag:$0x0] =	sbarrier.arrive $0xFFFF  }
0x23: {  	s15 =	rddreg [dreg:$0x5]  }
0x24: {  	[tilespmem:s3], [sflag:$0x1] =	stream.linear.gather [hbm4b:s15+s3], $0x80, $0x38;
	[tilespmem:$0x1C000] =	vst v63  }
0x25: {  	s16 =	rddreg [dreg:$0x6]  }
0x26: {  	[tilespmem:s23], [sflag:$0x1] =	stream.linear.gather [hbm4b:s16+s3], $0x80, $0x38;
	[tilespmem:$0x1C000] =	vst v63  }
0x27: {  	s17 =	rddreg [dreg:$0x7]  }
0x28: {  	[tilespmem:s24], [sflag:$0x2] =	stream.linear.gather [hbm4b:s17+s3], $0x80, $0x38;
	[tilespmem:$0x1C000] =	vst v63  }
0x29: {  	s18 =	rddreg [dreg:$0x8]  }
0x2a: {  	[tilespmem:s25], [sflag:$0x2] =	stream.linear.gather [hbm4b:s18+s3], $0x80, $0x38;
	[tilespmem:$0x1C000] =	vst v63  }
0x2b: {  	s19 =	rddreg [dreg:$0x9]  }
0x2c: {  	[tilespmem:s26], [sflag:$0x3] =	stream.linear.gather [hbm4b:s19+s3], $0x80, $0x38;
	[tilespmem:$0x1C000] =	vst v63  }
0x2d: {  	s14 =	rddreg [dreg:$0xa]  }
0x2e: {  	[tilespmem:s28], [sflag:$0x3] =	stream.linear.gather [hbm4b:s14+s3], $0x80, $0x38;
	[tilespmem:$0x1C000] =	vst v63  }
0x2f: {  	s15 =	rddreg [dreg:$0xb]  }
0x30: {  	[tilespmem:s29], [sflag:$0x4] =	stream.linear.gather [hbm4b:s15+s3], $0x80, $0x38;
	[tilespmem:$0x1C000] =	vst v63  }
0x31: {  	s16 =	rddreg [dreg:$0xc]  }
0x32: {  	[tilespmem:s30], [sflag:$0x4] =	stream.linear.gather [hbm4b:s16+s3], $0x80, $0x38;
	[tilespmem:$0x1C000] =	vst v63  }
0x33: {  	_ =	swait.ge [sflag:s31], $0x80  }
0x34: {  	[sflag:s31] =	ssyncset.done $0x0  }
0x35: {  	[sflag:s31] =	ssyncadd.s32 $0xFFFFFF80  }
0x36: {  	_ =	swait.ge [sflag:s31], $0x80  }
0x37: {  	[sflag:s31] =	ssyncset.done $0x0  }
0x38: {  	[sflag:s31] =	ssyncadd.s32 $0xFFFFFF80  }
0x39: {  	[tilespmem:s0], [sflag:$0x5] =	stream.indirect.gather [hbm4b:s4+s24], $0x80, s3, s24, $0xb8;
	[tilespmem:$0x1C000] =	vst v63  }
0x3a: {  	_ =	swait.ge [sflag:s1], $0x80  }
0x3b: {  	[sflag:s1] =	ssyncset.done $0x0  }
0x3c: {  	[sflag:s1] =	ssyncadd.s32 $0xFFFFFF80  }
0x3d: {  	_ =	swait.ge [sflag:s1], $0x80  }
0x3e: {  	[sflag:s1] =	ssyncset.done $0x0  }
0x3f: {  	[sflag:s1] =	ssyncadd.s32 $0xFFFFFF80  }
0x40: {  	[tilespmem:s5], [sflag:$0x6] =	stream.indirect.gather [hbm4b:s4+s24], $0x80, s24, s24, $0xb8;
	[tilespmem:$0x1C000] =	vst v63  }
0x41: {  	_ =	swait.ge [sflag:s6], $0x4000  }
0x42: {  	[sflag:s6] =	ssyncset.done $0x0  }
0x43: {  	[sflag:s6] =	ssyncadd.s32 $0xFFFFC000  }
0x44: {  	[spmem:s2] =	stream.indirect.scatter.add.f32 [tilespmem:s0], [sflag:$0x7], $0x80, s23, s24, $0xb8;
	[tilespmem:$0x1C000] =	vst v63  }
0x45: {  	_ =	swait.ge [sflag:s22], $0x4000  }
0x46: {  	s17 =	sadd.s32 $0x0, s20;
	[sflag:s22] =	ssyncset.done $0x0  }
0x47: {  	s14 =	sadd.s32 $0x800, s17;
	s15 =	sadd.s32 $0x0, s21;
	[sflag:s22] =	ssyncadd.s32 $0xFFFFC000  }
0x48: {  	[tilespmem:s3], [sflag:$0x1] =	stream.linear.gather [hbm4b:s14+s3], $0x80, $0x38;
	[tilespmem:$0x1C000] =	vst v63  }
0x49: {  	s18 =	sadd.s32 $0x800, s15  }
0x4a: {  	[tilespmem:s23], [sflag:$0x1] =	stream.linear.gather [hbm4b:s18+s3], $0x80, $0x38;
	[tilespmem:$0x1C000] =	vst v63  }
0x4b: {  	_ =	swait.ge [sflag:s8], $0x80  }
0x4c: {  	[sflag:s8] =	ssyncset.done $0x0  }
0x4d: {  	[sflag:s8] =	ssyncadd.s32 $0xFFFFFF80  }
0x4e: {  	_ =	swait.ge [sflag:s8], $0x80  }
0x4f: {  	[sflag:s8] =	ssyncset.done $0x0  }
0x50: {  	[sflag:s8] =	ssyncadd.s32 $0xFFFFFF80  }
0x51: {  	[tilespmem:s0], [sflag:$0x5] =	stream.indirect.gather [hbm4b:s4+s24], $0x80, s26, s24, $0xb8;
	[tilespmem:$0x1C000] =	vst v63  }
0x52: {  	_ =	swait.ge [sflag:s9], $0x4000  }
0x53: {  	[sflag:s9] =	ssyncset.done $0x0  }
0x54: {  	[sflag:s9] =	ssyncadd.s32 $0xFFFFC000  }
0x55: {  	[spmem:s2] =	stream.indirect.scatter.add.f32 [tilespmem:s5], [sflag:$0x7], $0x80, s25, s24, $0xb8;
	[tilespmem:$0x1C000] =	vst v63  }
0x56: {  	_ =	swait.ge [sflag:s22], $0x4000  }
0x57: {  	[sflag:s22] =	ssyncset.done $0x0  }
0x58: {  	s13 =	sadd.s32 $0xA00, s17;
	[sflag:s22] =	ssyncadd.s32 $0xFFFFC000  }
0x59: {  	[tilespmem:s24], [sflag:$0x2] =	stream.linear.gather [hbm4b:s13+s3], $0x80, $0x38;
	[tilespmem:$0x1C000] =	vst v63  }
0x5a: {  	s19 =	sadd.s32 $0xA00, s15  }
0x5b: {  	[tilespmem:s25], [sflag:$0x2] =	stream.linear.gather [hbm4b:s19+s3], $0x80, $0x38;
	[tilespmem:$0x1C000] =	vst v63  }
0x5c: {  	_ =	swait.ge [sflag:s10], $0x80  }
0x5d: {  	[sflag:s10] =	ssyncset.done $0x0  }
0x5e: {  	[sflag:s10] =	ssyncadd.s32 $0xFFFFFF80  }
0x5f: {  	_ =	swait.ge [sflag:s10], $0x80  }
0x60: {  	[sflag:s10] =	ssyncset.done $0x0  }
0x61: {  	[sflag:s10] =	ssyncadd.s32 $0xFFFFFF80  }
0x62: {  	[tilespmem:s5], [sflag:$0x6] =	stream.indirect.gather [hbm4b:s4+s24], $0x80, s29, s24, $0xb8;
	[tilespmem:$0x1C000] =	vst v63  }
0x63: {  	_ =	swait.ge [sflag:s6], $0x4000  }
0x64: {  	[sflag:s6] =	ssyncset.done $0x0  }
0x65: {  	p1 =	por $0x0, $0x0;
	[sflag:s6] =	ssyncadd.s32 $0xFFFFC000  }
0x66: {  	[spmem:s2] =	stream.indirect.scatter.add.f32 [tilespmem:s0], [sflag:$0x7], $0x80, s28, s24, $0xb8;
	[tilespmem:$0x1C000] =	vst v63  }
0x67: {  	s17 =	sadd.s32 @!p1 $0x0, s21;
	_ =	swait.ge [sflag:s22], $0x4000  }
0x68: {  	s16 =	simm.s32 @!p1 $0x100;
	s13 =	sadd.s32 @!p1 $0x0, s20;
	[sflag:s22] =	ssyncset.done $0x0  }
0x69: {  	s14 =	simm.s32 @!p1 $0x0;
	s15 =	sadd.s32 @!p1 $0xC00, s13;
	[sflag:s22] =	ssyncadd.s32 $0xFFFFC000  }
0x6a: {  	[tilespmem:s16], [sflag:$0x3] =	stream.linear.gather @!p1 [hbm4b:s15+s14], $0x80, $0x38;
	[tilespmem:$0x1C000] =	vst v63  }
0x6b: {  	s15 =	simm.s32 @!p1 $0x300;
	s16 =	sadd.s32 @!p1 $0xC00, s17  }
0x6c: {  	[tilespmem:s15], [sflag:$0x3] =	stream.linear.gather @!p1 [hbm4b:s16+s14], $0x80, $0x38;
	[tilespmem:$0x1C000] =	vst v63  }
0x6d: {  	_ =	swait.ge [sflag:s31], $0x80  }
0x6e: {  	[sflag:s31] =	ssyncset.done $0x0  }
0x6f: {  	[sflag:s31] =	ssyncadd.s32 $0xFFFFFF80  }
0x70: {  	_ =	swait.ge [sflag:s31], $0x80  }
0x71: {  	[sflag:s31] =	ssyncset.done $0x0  }
0x72: {  	[sflag:s31] =	ssyncadd.s32 $0xFFFFFF80  }
0x73: {  	[tilespmem:s0], [sflag:$0x5] =	stream.indirect.gather [hbm4b:s4+s24], $0x80, s3, s24, $0xb8;
	[tilespmem:$0x1C000] =	vst v63  }
0x74: {  	_ =	swait.ge [sflag:s9], $0x4000  }
0x75: {  	[sflag:s9] =	ssyncset.done $0x0  }
0x76: {  	[sflag:s9] =	ssyncadd.s32 $0xFFFFC000  }
0x77: {  	[spmem:s2] =	stream.indirect.scatter.add.f32 [tilespmem:s5], [sflag:$0x7], $0x80, s30, s24, $0xb8;
	[tilespmem:$0x1C000] =	vst v63  }
0x78: {  	_ =	swait.ge [sflag:s22], $0x4000  }
0x79: {  	[sflag:s22] =	ssyncset.done $0x0  }
0x7a: {  	s13 =	sadd.s32 @!p1 $0xE00, s13;
	s15 =	simm.s32 @!p1 $0x180;
	[sflag:s22] =	ssyncadd.s32 $0xFFFFC000  }
0x7b: {  	[tilespmem:s15], [sflag:$0x4] =	stream.linear.gather @!p1 [hbm4b:s13+s14], $0x80, $0x38;
	[tilespmem:$0x1C000] =	vst v63  }
0x7c: {  	s13 =	sadd.s32 @!p1 $0xE00, s17;
	s15 =	simm.s32 @!p1 $0x380  }
0x7d: {  	[tilespmem:s15], [sflag:$0x4] =	stream.linear.gather @!p1 [hbm4b:s13+s14], $0x80, $0x38;
	[tilespmem:$0x1C000] =	vst v63  }
0x7e: {  	_ =	swait.ge [sflag:s1], $0x80  }
0x7f: {  	[sflag:s1] =	ssyncset.done $0x0  }
0x80: {  	[sflag:s1] =	ssyncadd.s32 $0xFFFFFF80  }
0x81: {  	_ =	swait.ge [sflag:s1], $0x80  }
0x82: {  	s13 =	simm.s32 $0x800;
	[sflag:s1] =	ssyncset.done $0x0  }
.LBB2_2:
0x83: {  	[sflag:s1] =	ssyncadd.s32 $0xFFFFFF80;
	s14 =	smov.u32 s13;
	s13 =	sadd.s32 $0x800, s13  }
0x84: {  	[tilespmem:s5], [sflag:$0x6] =	stream.indirect.gather [hbm4b:s4+s24], $0x80, s24, s24, $0xb8;
	[tilespmem:$0x1C000] =	vst v63  }
0x85: {  	p1 =	sne.s32 s13, $0x9800;
	_ =	swait.ge [sflag:s6], $0x4000  }
0x86: {  	[sflag:s6] =	ssyncset.done $0x0  }
0x87: {  	[sflag:s6] =	ssyncadd.s32 $0xFFFFC000  }
0x88: {  	[spmem:s2] =	stream.indirect.scatter.add.f32 [tilespmem:s0], [sflag:$0x7], $0x80, s23, s24, $0xb8;
	[tilespmem:$0x1C000] =	vst v63  }
0x89: {  	s15 =	sadd.s32 s14, s20;
	_ =	swait.ge [sflag:s22], $0x4000  }
0x8a: {  	s17 =	sadd.s32 s14, s21;
	s16 =	sadd.s32 $0x800, s15;
	[sflag:s22] =	ssyncset.done $0x0  }
0x8b: {  	[sflag:s22] =	ssyncadd.s32 $0xFFFFC000  }
0x8c: {  	[tilespmem:s3], [sflag:$0x1] =	stream.linear.gather [hbm4b:s16+s3], $0x80, $0x38;
	[tilespmem:$0x1C000] =	vst v63  }
0x8d: {  	s16 =	sadd.s32 $0x800, s17  }
0x8e: {  	[tilespmem:s23], [sflag:$0x1] =	stream.linear.gather [hbm4b:s16+s3], $0x80, $0x38;
	[tilespmem:$0x1C000] =	vst v63  }
0x8f: {  	_ =	swait.ge [sflag:s8], $0x80  }
0x90: {  	[sflag:s8] =	ssyncset.done $0x0  }
0x91: {  	[sflag:s8] =	ssyncadd.s32 $0xFFFFFF80  }
0x92: {  	_ =	swait.ge [sflag:s8], $0x80  }
0x93: {  	[sflag:s8] =	ssyncset.done $0x0  }
0x94: {  	[sflag:s8] =	ssyncadd.s32 $0xFFFFFF80  }
0x95: {  	[tilespmem:s0], [sflag:$0x5] =	stream.indirect.gather [hbm4b:s4+s24], $0x80, s26, s24, $0xb8;
	[tilespmem:$0x1C000] =	vst v63  }
0x96: {  	_ =	swait.ge [sflag:s9], $0x4000  }
0x97: {  	[sflag:s9] =	ssyncset.done $0x0  }
0x98: {  	[sflag:s9] =	ssyncadd.s32 $0xFFFFC000  }
0x99: {  	[spmem:s2] =	stream.indirect.scatter.add.f32 [tilespmem:s5], [sflag:$0x7], $0x80, s25, s24, $0xb8;
	[tilespmem:$0x1C000] =	vst v63  }
0x9a: {  	_ =	swait.ge [sflag:s22], $0x4000  }
0x9b: {  	s15 =	sadd.s32 $0xA00, s15;
	[sflag:s22] =	ssyncset.done $0x0  }
0x9c: {  	[sflag:s22] =	ssyncadd.s32 $0xFFFFC000  }
0x9d: {  	[tilespmem:s24], [sflag:$0x2] =	stream.linear.gather [hbm4b:s15+s3], $0x80, $0x38;
	[tilespmem:$0x1C000] =	vst v63  }
0x9e: {  	s15 =	sadd.s32 $0xA00, s17  }
0x9f: {  	[tilespmem:s25], [sflag:$0x2] =	stream.linear.gather [hbm4b:s15+s3], $0x80, $0x38;
	[tilespmem:$0x1C000] =	vst v63  }
0xa0: {  	_ =	swait.ge [sflag:s10], $0x80  }
0xa1: {  	[sflag:s10] =	ssyncset.done $0x0  }
0xa2: {  	[sflag:s10] =	ssyncadd.s32 $0xFFFFFF80  }
0xa3: {  	_ =	swait.ge [sflag:s10], $0x80  }
0xa4: {  	[sflag:s10] =	ssyncset.done $0x0  }
0xa5: {  	[sflag:s10] =	ssyncadd.s32 $0xFFFFFF80  }
0xa6: {  	[tilespmem:s5], [sflag:$0x6] =	stream.indirect.gather [hbm4b:s4+s24], $0x80, s29, s24, $0xb8;
	[tilespmem:$0x1C000] =	vst v63  }
0xa7: {  	_ =	swait.ge [sflag:s6], $0x4000  }
0xa8: {  	[sflag:s6] =	ssyncset.done $0x0  }
0xa9: {  	p2 =	seq.s32 s14, $0x9000;
	[sflag:s6] =	ssyncadd.s32 $0xFFFFC000  }
0xaa: {  	[spmem:s2] =	stream.indirect.scatter.add.f32 [tilespmem:s0], [sflag:$0x7], $0x80, s28, s24, $0xb8;
	[tilespmem:$0x1C000] =	vst v63  }
0xab: {  	s16 =	simm.s32 @!p2 $0x0;
	s15 =	sadd.s32 @!p2 s14, s20;
	_ =	swait.ge [sflag:s22], $0x4000  }
0xac: {  	s18 =	simm.s32 @!p2 $0x100;
	s17 =	sadd.s32 @!p2 $0xC00, s15;
	[sflag:s22] =	ssyncset.done $0x0  }
0xad: {  	s19 =	simm.s32 @!p2 $0x300;
	s14 =	sadd.s32 @!p2 s14, s21;
	[sflag:s22] =	ssyncadd.s32 $0xFFFFC000  }
0xae: {  	[tilespmem:s18], [sflag:$0x3] =	stream.linear.gather @!p2 [hbm4b:s17+s16], $0x80, $0x38;
	[tilespmem:$0x1C000] =	vst v63  }
0xaf: {  	s17 =	sadd.s32 @!p2 $0xC00, s14;
	s14 =	sadd.s32 @!p2 $0xE00, s14  }
0xb0: {  	[tilespmem:s19], [sflag:$0x3] =	stream.linear.gather @!p2 [hbm4b:s17+s16], $0x80, $0x38;
	[tilespmem:$0x1C000] =	vst v63  }
0xb1: {  	_ =	swait.ge [sflag:s31], $0x80  }
0xb2: {  	[sflag:s31] =	ssyncset.done $0x0  }
0xb3: {  	[sflag:s31] =	ssyncadd.s32 $0xFFFFFF80  }
0xb4: {  	_ =	swait.ge [sflag:s31], $0x80  }
0xb5: {  	[sflag:s31] =	ssyncset.done $0x0  }
0xb6: {  	[sflag:s31] =	ssyncadd.s32 $0xFFFFFF80  }
0xb7: {  	[tilespmem:s0], [sflag:$0x5] =	stream.indirect.gather [hbm4b:s4+s24], $0x80, s3, s24, $0xb8;
	[tilespmem:$0x1C000] =	vst v63  }
0xb8: {  	_ =	swait.ge [sflag:s9], $0x4000  }
0xb9: {  	[sflag:s9] =	ssyncset.done $0x0  }
0xba: {  	[sflag:s9] =	ssyncadd.s32 $0xFFFFC000  }
0xbb: {  	[spmem:s2] =	stream.indirect.scatter.add.f32 [tilespmem:s5], [sflag:$0x7], $0x80, s30, s24, $0xb8;
	[tilespmem:$0x1C000] =	vst v63  }
0xbc: {  	_ =	swait.ge [sflag:s22], $0x4000  }
0xbd: {  	s15 =	sadd.s32 @!p2 $0xE00, s15;
	s17 =	simm.s32 @!p2 $0x180;
	[sflag:s22] =	ssyncset.done $0x0  }
0xbe: {  	s18 =	simm.s32 @!p2 $0x380;
	[sflag:s22] =	ssyncadd.s32 $0xFFFFC000  }
0xbf: {  	[tilespmem:s17], [sflag:$0x4] =	stream.linear.gather @!p2 [hbm4b:s15+s16], $0x80, $0x38;
	[tilespmem:$0x1C000] =	vst v63  }
0xc0: {  	_ = 	snop  }
0xc1: {  	[tilespmem:s18], [sflag:$0x4] =	stream.linear.gather @!p2 [hbm4b:s14+s16], $0x80, $0x38;
	[tilespmem:$0x1C000] =	vst v63  }
.Ltmp0:
0xc2: {  	_ =	swait.ge [sflag:s1], $0x80;
	(pc) =	sbr.rel @p1 .LBB2_2-.Ltmp0, $4  }
0xc3: {  	[sflag:s1] =	ssyncset.done $0x0  }
0xc4: {  	[sflag:s1] =	ssyncadd.s32 $0xFFFFFF80  }
0xc5: {  	_ =	swait.ge [sflag:s1], $0x80  }
0xc6: {  	[sflag:s1] =	ssyncset.done $0x0  }
0xc7: {  	[sflag:s1] =	ssyncadd.s32 $0xFFFFFF80  }
0xc8: {  	[tilespmem:s5], [sflag:$0x6] =	stream.indirect.gather [hbm4b:s4+s24], $0x80, s24, s24, $0xb8;
	[tilespmem:$0x1C000] =	vst v63  }
0xc9: {  	_ =	swait.ge [sflag:s6], $0x4000  }
0xca: {  	[sflag:s6] =	ssyncset.done $0x0  }
0xcb: {  	[sflag:s6] =	ssyncadd.s32 $0xFFFFC000  }
0xcc: {  	[spmem:s2] =	stream.indirect.scatter.add.f32 [tilespmem:s0], [sflag:$0x7], $0x80, s23, s24, $0xb8;
	[tilespmem:$0x1C000] =	vst v63  }
0xcd: {  	_ =	swait.ge [sflag:s22], $0x4000  }
0xce: {  	[sflag:s22] =	ssyncset.done $0x0  }
0xcf: {  	[sflag:s22] =	ssyncadd.s32 $0xFFFFC000  }
0xd0: {  	_ =	swait.ge [sflag:s9], $0x4000  }
0xd1: {  	[sflag:s9] =	ssyncset.done $0x0  }
0xd2: {  	[sflag:s9] =	ssyncadd.s32 $0xFFFFC000  }
0xd3: {  	[spmem:s2] =	stream.indirect.scatter.add.f32 [tilespmem:s5], [sflag:$0x7], $0x80, s25, s24, $0xb8;
	[tilespmem:$0x1C000] =	vst v63  }
0xd4: {  	_ =	swait.ge [sflag:s22], $0x4000  }
0xd5: {  	[sflag:s22] =	ssyncset.done $0x0  }
0xd6: {  	s13 =	simm.s32 @!p0 $0x0;
	s14 =	rddreg [dreg:$0xd];
	[sflag:s22] =	ssyncadd.s32 $0xFFFFC000  }
0xd7: {  	[tilespmem:s13], [sflag:$0x7] =	stream.linear.gather @!p0 [hbm4b:s14+s13], $0x80, $0x38;
	[tilespmem:$0x1C000] =	vst v63  }
0xd8: {  	s14 =	simm.s32 @!p0 $0x7  }
0xd9: {  	_ =	swait.ge @!p0 [sflag:s14], $0x80  }
0xda: {  	[sflag:s14] =	ssyncset.done @!p0 $0x0  }
0xdb: {  	s15 =	simm.s32 @!p0 $0x200;
	s16 =	rddreg [dreg:$0xe];
	[sflag:s14] =	ssyncadd.s32 @!p0 $0xFFFFFF80  }
0xdc: {  	[tilespmem:s15], [sflag:$0x7] =	stream.linear.gather @!p0 [hbm4b:s16+s13], $0x80, $0x38;
	[tilespmem:$0x1C000] =	vst v63  }
0xdd: {  	_ =	swait.ge @!p0 [sflag:s14], $0x80  }
0xde: {  	[sflag:s14] =	ssyncset.done @!p0 $0x0  }
0xdf: {  	s17 =	simm.s32 @!p0 $0x400;
	s16 =	simm.s32 @!p0 $0x80;
	[sflag:s14] =	ssyncadd.s32 @!p0 $0xFFFFFF80  }
0xe0: {  	[tilespmem:s17], [sflag:$0x5] =	stream.indirect.gather @!p0 [hbm4b:s4+s16], $0x80, s13, s16, $0xb8;
	[tilespmem:$0x1C000] =	vst v63  }
0xe1: {  	s13 =	simm.s32 @!p0 $0x5  }
0xe2: {  	_ =	swait.ge @!p0 [sflag:s13], $0x4000  }
0xe3: {  	[sflag:s13] =	ssyncset.done @!p0 $0x0  }
0xe4: {  	[sflag:s13] =	ssyncadd.s32 @!p0 $0xFFFFC000  }
0xe5: {  	[spmem:s2] =	stream.indirect.scatter.add.f32 @!p0 [tilespmem:s17], [sflag:$0x7], $0x80, s15, s16, $0xb8;
	[tilespmem:$0x1C000] =	vst v63  }
0xe6: {  	_ =	swait.ge @!p0 [sflag:s14], $0x4000  }
0xe7: {  	[sflag:s14] =	ssyncset.done @!p0 $0x0  }
0xe8: {  	[sflag:s14] =	ssyncadd.s32 @!p0 $0xFFFFC000  }
0xe9: {  	[bflag:$0x0] =	sbarrier.arrive $0xFFFF  }
0xea: {  	s18 =	rddreg [dreg:$0xf]  }
0xeb: {  	[hbm:s18], [sflag:s7] =	dma.local [spmem:s12], $0x2780  }
0xec: {  	_ =	swait.ge [sflag:s22], $0x2780  }
0xed: {  	s11 =	sadd.s32 $0x1, s11;
	s19 =	rddreg [dreg:$0x10]  }
0xee: {  	p1 =	sne.s32 s11, s19  }
.Ltmp1:
0xef: {  	_ = 	snop;
	(pc) =	sbr.rel @p1 .LBB2_1-.Ltmp1, $3  }
0xf0: {  	_ =	sdelay $0x1  }
0xf1: {  	[sflag:s22] =	ssyncset.done $0x0  }
0xf2: {  	[sflag:s22] =	ssyncadd.s32 $0xFFFFD880  }
0xf3: {  	_ =	sfence.sel $0x180000  }
0xf4: {  	[bflag:$0x0] =	sbarrier.arrive $0xFFFF  }
0xf5: {  	_ =	strace $0x9000004A  }
0xf6: {  	s0 =	stileid.u32;
	[bflag:$0x2] =	sbarrier.arrive $0xFFFF  }
0xf7: {  	p0 =	sne.s32 s0, $0x0;
	s0 =	rddreg [dreg:$0x2]  }
0xf8: {  	s0 =	sadd.s32 @!p0 $0x100000, s0  }
0xf9: {  	[sflag:s0] =	ssyncadd.tile.s32 @!p0 $0x1;
	_ =	shalt  }
.Lfunc_end2:
_tile_overlayer_lowered:
.L_overlay_start_2:
0xfa: {  	(tag) =	ssettag $0x2  }
0xfb: {  	s0 =	rddreg [dreg:$0x0];
	s2 =	stileid.u32  }
0xfc: {  	s1 =	rddreg [dreg:$0x1];
	p0 =	sne.s32 s2, $0x0  }
0xfd: {  	s3 =	rddreg [dreg:$0x2];
	[bflag:$0x3] =	sbarrier.arrive $0xFFFF;
	s2 =	simm.s32 @!p0 $0x1C07  }
0xfe: {  	[timem:s3], [sflag:s2] =	dma.local @!p0 [hbm:s0], s1  }
0xff: {  	s0 =	simm.s32 @!p0 $0x7  }
0x100: {  	_ =	swait.ge @!p0 [sflag:s0], s1  }
0x101: {  	s1 =	ssub.s32 @!p0 $0x0, s1;
	[sflag:s0] =	ssyncset.done @!p0 $0x0  }
0x102: {  	[sflag:s0] =	ssyncadd.s32 @!p0 s1  }
0x103: {  	[bflag:$0x3] =	sbarrier.arrive $0xFFFF  }
0x104: {  	_ =	shalt  }

// kernel: kernel.16.cloned.1.call-start
scs
__scs_entry_jumppad:
0x0: {  	(pc) =	sbr.rel $0x88, $3  }
0x1: {  	(tag) =	ssettag $0x0;
	lr =	simm.s32 $0x1  }
0x2: {  	[smem:$0x3F96] =	sst lr;
	_ =	strace $0xD0000000  }
0x3: {  	_ = 	snop  }
0x4: {  	_ = 	snop  }
0x5: {  	_ = 	snop  }
0x6: {  	_ = 	snop  }
0x7: {  	_ = 	snop  }
__scs_overlays_trampoline_lowered:
0x8: {  	[smem:$0x3FA5] =	sst s0  }
0x9: {  	[smem:$0x3FA6] =	sst s1  }
0xa: {  	[smem:$0x3FA7] =	sst s2  }
0xb: {  	[smem:$0x3FA8] =	sst s3  }
0xc: {  	[smem:$0x3FA9] =	sst s4  }
0xd: {  	[smem:$0x3FAA] =	sst s5  }
0xe: {  	[smem:$0x3FAB] =	sst s6  }
0xf: {  	[smem:$0x3FAC] =	sst s7  }
0x10: {  	[smem:$0x3FAD] =	sst s8  }
0x11: {  	[smem:$0x3FAE] =	sst s9;
	s0 =	simm.s32 @!p0 $0x0  }
0x12: {  	s1 =	sld [smem:$0x3F94];
	s0 =	simm.s32 @p0 $0x1  }
0x13: {  	[smem:$0x3FAF] =	sst s0;
	s0 =	simm.s32 @!p1 $0x0  }
0x14: {  	s2 =	sld [smem:$0x3F93];
	s0 =	simm.s32 @p1 $0x1  }
0x15: {  	[smem:$0x3FB0] =	sst s0;
	s0 =	simm.s32 @!p2 $0x0  }
0x16: {  	s3 =	sld [smem:$0x3FDB];
	s0 =	simm.s32 @p2 $0x1  }
0x17: {  	s4 =	simm.s32 $0x1BF5;
	[smem:$0x3FB2] =	sst s0  }
0x18: {  	s0 =	sld [smem:$0x3F95];
	_ =	swait.ge [sflag:s4], $0x0  }
0x19: {  	s7 =	sld [smem:$0x3F96]  }
0x1a: {  	s8 =	sadd.s32 $0xFFFFE003, lr  }
0x1b: {  	s9 =	sadd.s32 $0xFFFFFEF7, lr;
	s5 =	simm.s32 $0xFFFFFFFF;
	p2 =	slt.u32 s8, $0xFFFFF086  }
0x1c: {  	p1 =	slt.u32 s9, $0xF7A;
	s5 =	simm.s32 @!p2 $0x0  }
0x1d: {  	s5 =	simm.s32 @p1 $0x1;
	p0 =	seq.s32 s7, s2  }
0x1e: {  	s7 =	smul.u32 @!p0 $0xF7A, s2;
	p2 =	seq.s32 @!p0 s5, $0x0  }
0x1f: {  	s9 =	smul.u32 $0xF7A, s1;
	s8 =	simm.s32 @!p0 $0x1BF5;
	p2 =	por !p2, p0  }
0x20: {  	[sflag:s8] =	ssyncset.s32 @!p0 $0xFFFFF086;
	s6 =	sadd.s32 @!p0 s3, s7;
	s7 =	simm.s32 @!p0 $0x108  }
0x21: {  	s3 =	sadd.s32 s3, s9;
	s6 =	sadd.s32 @!p0 $0x88, s6;
	s7 =	simm.s32 @p2 $0x1082  }
0x22: {  	[simem:s7], [sflag:s8] =	dma.local @!p0 [hbm:s6], $0xF7A  }
0x23: {  	s9 =	sor.u32 $0xD0000000, s2;
	s6 =	simm.s32 $0x108;
	_ =	swait.ge @!p0 [sflag:s8], $0x0  }
0x24: {  	s3 =	sadd.s32 $0x88, s3;
	s6 =	simm.s32 @!p1 $0x1082;
	[sflag:s4] =	ssyncset.s32 $0xFFFFF086  }
0x25: {  	[simem:s6], [sflag:s4] =	dma.local [hbm:s3], $0xF7A  }
0x26: {  	[smem:$0x3F96] =	sst s1;
	(tag) =	ssettag s2;
	_ =	strace s9  }
0x27: {  	s1 =	sld [smem:$0x3FA6]  }
0x28: {  	s2 =	sld [smem:$0x3FA7]  }
0x29: {  	s4 =	sld [smem:$0x3FA9]  }
0x2a: {  	p0 =	seq.s32 s5, $0x0;
	s5 =	sld [smem:$0x3FAA]  }
0x2b: {  	s6 =	sld [smem:$0x3FAB]  }
0x2c: {  	s7 =	sld [smem:$0x3FAC]  }
0x2d: {  	s3 =	simm.s32 $0x108;
	s8 =	sld [smem:$0x3FAD]  }
0x2e: {  	s3 =	simm.s32 @!p0 $0x1082;
	s9 =	sld [smem:$0x3FAE]  }
0x2f: {  	lr =	sadd.s32 s0, s3;
	s0 =	sld [smem:$0x3FA5]  }
0x30: {  	s3 =	sld [smem:$0x3FA8]  }
0x31: {  	[smem:$0x3FB1] =	sst s10  }
0x32: {  	s10 =	sld [smem:$0x3FAF];
	_ =	sdelay $0x3  }
0x33: {  	p0 =	seq.s32 s10, $0x1;
	s10 =	sld [smem:$0x3FB1];
	_ =	sdelay $0x3  }
0x34: {  	[smem:$0x3FB1] =	sst s10  }
0x35: {  	s10 =	sld [smem:$0x3FB0];
	_ =	sdelay $0x3  }
0x36: {  	p1 =	seq.s32 s10, $0x1;
	s10 =	sld [smem:$0x3FB1];
	_ =	sdelay $0x3  }
0x37: {  	[smem:$0x3FB1] =	sst s10  }
0x38: {  	s10 =	sld [smem:$0x3FB2]  }
0x39: {  	_ = 	snop;
	(pc) =	sbr.ind lr, $3  }
0x3a: {  	_ = 	snop  }
0x3b: {  	_ = 	snop  }
0x3c: {  	p2 =	seq.s32 s10, $0x1;
	s10 =	sld [smem:$0x3FB1]  }
0x3d: {  	_ =	shalt  }
0x3e: {  	_ =	shalt  }
0x3f: {  	_ =	shalt  }
0x40: {  	_ =	shalt  }
0x41: {  	_ =	shalt  }
0x42: {  	_ =	shalt  }
0x43: {  	_ =	shalt  }
0x44: {  	_ =	shalt  }
0x45: {  	_ =	shalt  }
0x46: {  	_ =	shalt  }
0x47: {  	_ =	shalt  }
0x48: {  	_ =	shalt  }
0x49: {  	_ =	shalt  }
0x4a: {  	_ =	shalt  }
0x4b: {  	_ =	shalt  }
0x4c: {  	_ =	shalt  }
0x4d: {  	_ =	shalt  }
0x4e: {  	_ =	shalt  }
0x4f: {  	_ =	shalt  }
0x50: {  	_ =	shalt  }
0x51: {  	_ =	shalt  }
0x52: {  	_ =	shalt  }
0x53: {  	_ =	shalt  }
0x54: {  	_ =	shalt  }
0x55: {  	_ =	shalt  }
0x56: {  	_ =	shalt  }
0x57: {  	_ =	shalt  }
0x58: {  	_ =	shalt  }
0x59: {  	_ =	shalt  }
0x5a: {  	_ =	shalt  }
0x5b: {  	_ =	shalt  }
0x5c: {  	_ =	shalt  }
0x5d: {  	_ =	shalt  }
0x5e: {  	_ =	shalt  }
0x5f: {  	_ =	shalt  }
0x60: {  	_ =	shalt  }
0x61: {  	_ =	shalt  }
0x62: {  	_ =	shalt  }
0x63: {  	_ =	shalt  }
0x64: {  	_ =	shalt  }
0x65: {  	_ =	shalt  }
0x66: {  	_ =	shalt  }
0x67: {  	_ =	shalt  }
0x68: {  	_ =	shalt  }
0x69: {  	_ =	shalt  }
0x6a: {  	_ =	shalt  }
0x6b: {  	_ =	shalt  }
0x6c: {  	_ =	shalt  }
0x6d: {  	_ =	shalt  }
0x6e: {  	_ =	shalt  }
0x6f: {  	_ =	shalt  }
0x70: {  	_ =	shalt  }
0x71: {  	_ =	shalt  }
0x72: {  	_ =	shalt  }
0x73: {  	_ =	shalt  }
0x74: {  	_ =	shalt  }
0x75: {  	_ =	shalt  }
0x76: {  	_ =	shalt  }
0x77: {  	_ =	shalt  }
0x78: {  	_ =	shalt  }
0x79: {  	_ =	shalt  }
0x7a: {  	_ =	shalt  }
0x7b: {  	_ =	shalt  }
0x7c: {  	_ =	shalt  }
0x7d: {  	_ =	shalt  }
0x7e: {  	_ =	shalt  }
0x7f: {  	_ =	shalt  }
0x80: {  	_ =	shalt  }
0x81: {  	_ =	shalt  }
0x82: {  	_ =	shalt  }
0x83: {  	_ =	shalt  }
0x84: {  	_ =	shalt  }
0x85: {  	_ =	shalt  }
0x86: {  	_ =	shalt  }
0x87: {  	_ =	shalt  }
.Lfunc_end0:
.L_simem_size_0:
called_computation.2_lowered:
.L_overlay_start_0:
0x88: {  	s2 =	sld [smem:$0x3FD9]  }
0x89: {  	s3 =	sld [smem:$0x3FFE];
	_ =	sdelay $0x1  }
0x8a: {  	s1 =	srdreg.scid  }
0x8b: {  	s0 =	sand.u32 $0x1, s1  }
0x8c: {  	s16 =	sshll.u32 s0, $0xA;
	s2 =	sadd.s32 s3, s2  }
0x8d: {  	s2 =	sadd.s32 s2, s16  }
0x8e: {  	[smem:$0x3FBD] =	sst s2  }
0x8f: {  	_ = 	snop  }
0x90: {  	(tm) =	ssettm $0x1  }
0x91: {  	s17 =	sld [smem:$0x3FFB];
	_ =	sdelay $0x3  }
0x92: {  	_ =	strace s17  }
0x93: {  	s2 =	sld [smem:$0x3FFC];
	_ =	sdelay $0x3  }
0x94: {  	_ =	strace s2  }
0x95: {  	s2 =	sld [smem:$0x3FFD];
	_ =	sdelay $0x3  }
0x96: {  	_ =	strace s2  }
0x97: {  	_ =	strace $0x8FFFFFFF  }
0x98: {  	s18 =	sld [smem:$0x3FDB];
	_ =	sdelay $0x1  }
0x99: {  	s19 =	simm.s32 $_scs_section_size  }
0x9a: {  	s4 =	simm.s32 $_size__tile_overlayer_lowered;
	s5 =	simm.s32 $_tile_overlayer_lowered  }
0x9b: {  	s22 =	simm.s32 $0x1BFF;
	s21 =	sshll.u32 s5, $0x1;
	s2 =	sadd.s32 s19, s18  }
0x9c: {  	s6 =	simm.s32 $0x0;
	s20 =	sshll.u32 s4, $0x1;
	s4 =	sadd.s32 s21, s2  }
0x9d: {  	[timem:s6], [sflag:s22] =	dma.local [hbm:s4], s20  }
0x9e: {  	_ =	swait.ge [sflag:s22], s20  }
0x9f: {  	s3 =	ssub.s32 $0x0, s20;
	[sflag:s22] =	ssyncset.done $0x0  }
0xa0: {  	[sflag:s22] =	ssyncadd.s32 s3;
	_ =	sdelay $0x1  }
0xa1: {  	s23 =	simm.s32 $0x1B8B  }
0xa2: {  	_ =	swait.ge [sflag:s23], $0x1  }
0xa3: {  	[sflag:s23] =	ssyncset.done $0x0  }
0xa4: {  	s25 =	simm.s32 $0x1B8E;
	s24 =	sld [smem:$0x3FFE];
	[sflag:s23] =	ssyncadd.s32 $0xFFFFFFFF  }
0xa5: {  	s26 =	simm.s32 $execute0_lowered;
	[smem:$0x3FD2] =	sst s25  }
0xa6: {  	s4 =	sshll.u32 s26, $0x1;
	_ =	strace $0x8000004C;
	[dreg:$0x1] =	wrdreg $0xFFFFFFFF  }
0xa7: {  	s28 =	simm.s32 $_size_execute0_lowered;
	s2 =	sadd.s32 s2, s4;
	[dreg:$0x0] =	wrdreg $0x0  }
0xa8: {  	s4 =	sshll.u32 s28, $0x1;
	[dreg:$0x2] =	wrdreg s2  }
0xa9: {  	[dreg:$0x3] =	wrdreg s4  }
0xaa: {  	[dreg:$0x4] =	wrdreg $0xC0  }
0xab: {  	_ =	task [dreg:s6], $0x5FFFF  }
0xac: {  	[dreg:$0x1] =	wrdreg $0xFFFFFFFF  }
0xad: {  	[dreg:$0x0] =	wrdreg $0x60  }
0xae: {  	[dreg:$0x2] =	wrdreg s24  }
0xaf: {  	[dreg:$0x3] =	wrdreg $0x84000  }
0xb0: {  	[dreg:$0x4] =	wrdreg $0x9  }
0xb1: {  	_ =	task.clear_ibuf [dreg:s6], $0x5FFFF;
	_ =	strace $0x9000004C  }
0xb2: {  	s29 =	simm.s32 $0x9;
	_ =	strace $0x8000004E  }
0xb3: {  	_ =	swait.ge [sflag:s29], $0x1  }
0xb4: {  	[sflag:s29] =	ssyncadd.s32 $0xFFFFFFFF  }
0xb5: {  	_ =	strace $0x9000004E  }
0xb6: {  	_ =	sfence  }
0xb7: {  	s30 =	sld [smem:$0x0];
	_ =	sdelay $0x2  }
0xb8: {  	s31 =	sshll.u32 s1, $0xD;
	s1 =	sshrl.u32 s1, $0x2  }
0xb9: {  	s3 =	sand.u32 $0x4000, s31;
	s1 =	sadd.s32 s1, s30  }
0xba: {  	s0 =	sor.u32 s3, s0;
	s1 =	sshll.u32 s1, $0x11  }
0xbb: {  	s0 =	sor.u32 s1, s0  }
0xbc: {  	s0 =	sadd.s32 $0x8F2B, s0  }
0xbd: {  	[sflag:s0] =	ssyncadd.remote.s32 $0x1  }
0xbe: {  	_ =	sfence.sel $0xFFFF  }
0xbf: {  	[dreg:$0x0] =	wrdreg $0xFFFFFFFF;
	(pc) =	sbr.abs _section_cstart, $3  }
0xc0: {  	[dreg:$0x1] =	wrdreg $0xFFFFFFFF  }
0xc1: {  	_ =	task.clear_ibuf [dreg:s6], $0x2FFFF;
	_ =	strace $0x9FFFFFFF  }
0xc2: {  	(tm) =	ssettm $0x7FFFFFFF  }
0xc3: {  	_ =	shalt  }
tec
execute0_lowered:
.L_overlay_start_1:
0x0: {  	(tag) =	ssettag $0x1  }
0x1: {  	s0 =	rddreg [dreg:$0x0]  }
0x2: {  	s2 =	rddreg [dreg:$0x1];
	s3 =	simm.s32 $0x0;
	s1 =	srdreg.scid  }
0x3: {  	s13 =	stileid.u32;
	s28 =	simm.s32 $0x300;
	s29 =	simm.s32 $0x180  }
0x4: {  	s30 =	simm.s32 $0x380;
	s31 =	simm.s32 $0x1;
	[smem:$0x7FF] =	sst s3  }
0x5: {  	s1 =	sand.u32 $0x1, s1;
	s5 =	smul.u32 $0x2780, s13;
	s6 =	sadd.s32 $0xEA00, s0  }
0x6: {  	s8 =	sadd.s32 $0x4C00, s0;
	s4 =	sadd.s32 $0x1B000, s0;
	s10 =	smul.u32 $0x4F000, s13  }
0x7: {  	s11 =	sadd.s32 $0x18800, s0;
	s14 =	sshll.u32 s13, $0x5;
	s15 =	sshll.u32 s13, $0x6  }
0x8: {  	p0 =	sgt.u32 s13, $0x1;
	_ =	strace $0x8000004D;
	s7 =	smul.u32 $0x27800, s1  }
0x9: {  	s9 =	ssub.s32 $0x2, s1;
	[dreg:$0x3] =	wrdreg s11;
	s1 =	sshll.u32 s1, $0x4  }
0xa: {  	s25 =	sadd.s32 s14, s6;
	s26 =	sshrl.u32 s9, $0x1;
	s12 =	sshrl.u32 s10, $0x2  }
0xb: {  	s16 =	sor.u32 s1, s14;
	s5 =	sadd.s32 s5, s7;
	s7 =	sadd.s32 s12, s2  }
0xc: {  	s17 =	sadd.s32 s6, s16;
	s18 =	sor.u32 $0x200, s16;
	s12 =	sadd.s32 s8, s16  }
0xd: {  	s20 =	sor.u32 $0x400, s16;
	s22 =	sor.u32 $0x600, s16;
	[dreg:$0x4] =	wrdreg s7  }
0xe: {  	s10 =	sor.u32 $0x9C00, s16;
	s0 =	sadd.s32 s5, s0;
	[dreg:$0x5] =	wrdreg s17  }
0xf: {  	s5 =	ssub.s32 s9, s26;
	[dreg:$0x6] =	wrdreg s12;
	s19 =	sadd.s32 s6, s18  }
0x10: {  	s7 =	sor.u32 $0x1C07, s15;
	s11 =	sadd.s32 s8, s18;
	[dreg:$0x7] =	wrdreg s19  }
0x11: {  	s21 =	sadd.s32 s6, s20;
	s12 =	sadd.s32 s8, s20;
	[dreg:$0x8] =	wrdreg s11  }
0x12: {  	s23 =	sadd.s32 s6, s22;
	s24 =	sadd.s32 s6, s10;
	[dreg:$0x9] =	wrdreg s21  }
0x13: {  	s10 =	sadd.s32 s8, s10;
	s26 =	sadd.s32 s14, s8;
	[dreg:$0xa] =	wrdreg s12  }
0x14: {  	s20 =	sadd.s32 s1, s25;
	s25 =	simm.s32 $0x280;
	[dreg:$0xb] =	wrdreg s23  }
0x15: {  	s6 =	simm.s32 $0x5;
	s9 =	simm.s32 $0x6;
	[dreg:$0xd] =	wrdreg s24  }
0x16: {  	s11 =	sadd.s32 s8, s22;
	[dreg:$0xe] =	wrdreg s10;
	s0 =	sadd.s32 $0x69400, s0  }
0x17: {  	s5 =	smax.u32 s5, $0x1;
	s21 =	sadd.s32 s1, s26;
	s22 =	simm.s32 $0x7  }
0x18: {  	s23 =	simm.s32 $0x200;
	s24 =	simm.s32 $0x80;
	[dreg:$0xc] =	wrdreg s11  }
0x19: {  	s26 =	simm.s32 $0x100;
	s1 =	simm.s32 $0x2;
	[dreg:$0xf] =	wrdreg s0  }
0x1a: {  	s8 =	simm.s32 $0x3;
	s10 =	simm.s32 $0x4;
	[dreg:$0x10] =	wrdreg s5  }
0x1b: {  	s0 =	simm.s32 $0x400;
	s5 =	simm.s32 $0x4400;
	s11 =	simm.s32 $0x0  }
.LBB2_1:
0x1c: {  	s12 =	rddreg [dreg:$0x4]  }
0x1d: {  	s13 =	rddreg [dreg:$0x3];
	s12 =	sshrl.u32 s12, $0x3  }
0x1e: {  	[spmem:s12], [sflag:s7] =	dma.local [hbm:s13], $0x2780  }
0x1f: {  	_ =	swait.ge [sflag:s22], $0x2780  }
0x20: {  	[sflag:s22] =	ssyncset.done $0x0  }
0x21: {  	[sflag:s22] =	ssyncadd.s32 $0xFFFFD880  }
0x22: {  	[bflag:$0x0] =	sbarrier.arrive $0xFFFF  }
0x23: {  	s15 =	rddreg [dreg:$0x5]  }
0x24: {  	[tilespmem:s3], [sflag:$0x1] =	stream.linear.gather [hbm4b:s15+s3], $0x80, $0x38;
	[tilespmem:$0x1C000] =	vst v63  }
0x25: {  	s16 =	rddreg [dreg:$0x6]  }
0x26: {  	[tilespmem:s23], [sflag:$0x1] =	stream.linear.gather [hbm4b:s16+s3], $0x80, $0x38;
	[tilespmem:$0x1C000] =	vst v63  }
0x27: {  	s17 =	rddreg [dreg:$0x7]  }
0x28: {  	[tilespmem:s24], [sflag:$0x2] =	stream.linear.gather [hbm4b:s17+s3], $0x80, $0x38;
	[tilespmem:$0x1C000] =	vst v63  }
0x29: {  	s18 =	rddreg [dreg:$0x8]  }
0x2a: {  	[tilespmem:s25], [sflag:$0x2] =	stream.linear.gather [hbm4b:s18+s3], $0x80, $0x38;
	[tilespmem:$0x1C000] =	vst v63  }
0x2b: {  	s19 =	rddreg [dreg:$0x9]  }
0x2c: {  	[tilespmem:s26], [sflag:$0x3] =	stream.linear.gather [hbm4b:s19+s3], $0x80, $0x38;
	[tilespmem:$0x1C000] =	vst v63  }
0x2d: {  	s14 =	rddreg [dreg:$0xa]  }
0x2e: {  	[tilespmem:s28], [sflag:$0x3] =	stream.linear.gather [hbm4b:s14+s3], $0x80, $0x38;
	[tilespmem:$0x1C000] =	vst v63  }
0x2f: {  	s15 =	rddreg [dreg:$0xb]  }
0x30: {  	[tilespmem:s29], [sflag:$0x4] =	stream.linear.gather [hbm4b:s15+s3], $0x80, $0x38;
	[tilespmem:$0x1C000] =	vst v63  }
0x31: {  	s16 =	rddreg [dreg:$0xc]  }
0x32: {  	[tilespmem:s30], [sflag:$0x4] =	stream.linear.gather [hbm4b:s16+s3], $0x80, $0x38;
	[tilespmem:$0x1C000] =	vst v63  }
0x33: {  	_ =	swait.ge [sflag:s31], $0x80  }
0x34: {  	[sflag:s31] =	ssyncset.done $0x0  }
0x35: {  	[sflag:s31] =	ssyncadd.s32 $0xFFFFFF80  }
0x36: {  	_ =	swait.ge [sflag:s31], $0x80  }
0x37: {  	[sflag:s31] =	ssyncset.done $0x0  }
0x38: {  	[sflag:s31] =	ssyncadd.s32 $0xFFFFFF80  }
0x39: {  	[tilespmem:s0], [sflag:$0x5] =	stream.indirect.gather [hbm4b:s4+s24], $0x80, s3, s24, $0xb8;
	[tilespmem:$0x1C000] =	vst v63  }
0x3a: {  	_ =	swait.ge [sflag:s1], $0x80  }
0x3b: {  	[sflag:s1] =	ssyncset.done $0x0  }
0x3c: {  	[sflag:s1] =	ssyncadd.s32 $0xFFFFFF80  }
0x3d: {  	_ =	swait.ge [sflag:s1], $0x80  }
0x3e: {  	[sflag:s1] =	ssyncset.done $0x0  }
0x3f: {  	[sflag:s1] =	ssyncadd.s32 $0xFFFFFF80  }
0x40: {  	[tilespmem:s5], [sflag:$0x6] =	stream.indirect.gather [hbm4b:s4+s24], $0x80, s24, s24, $0xb8;
	[tilespmem:$0x1C000] =	vst v63  }
0x41: {  	_ =	swait.ge [sflag:s6], $0x4000  }
0x42: {  	[sflag:s6] =	ssyncset.done $0x0  }
0x43: {  	[sflag:s6] =	ssyncadd.s32 $0xFFFFC000  }
0x44: {  	[spmem:s2] =	stream.indirect.scatter.add.f32 [tilespmem:s0], [sflag:$0x7], $0x80, s23, s24, $0xb8;
	[tilespmem:$0x1C000] =	vst v63  }
0x45: {  	_ =	swait.ge [sflag:s22], $0x4000  }
0x46: {  	s17 =	sadd.s32 $0x0, s20;
	[sflag:s22] =	ssyncset.done $0x0  }
0x47: {  	s14 =	sadd.s32 $0x800, s17;
	s15 =	sadd.s32 $0x0, s21;
	[sflag:s22] =	ssyncadd.s32 $0xFFFFC000  }
0x48: {  	[tilespmem:s3], [sflag:$0x1] =	stream.linear.gather [hbm4b:s14+s3], $0x80, $0x38;
	[tilespmem:$0x1C000] =	vst v63  }
0x49: {  	s18 =	sadd.s32 $0x800, s15  }
0x4a: {  	[tilespmem:s23], [sflag:$0x1] =	stream.linear.gather [hbm4b:s18+s3], $0x80, $0x38;
	[tilespmem:$0x1C000] =	vst v63  }
0x4b: {  	_ =	swait.ge [sflag:s8], $0x80  }
0x4c: {  	[sflag:s8] =	ssyncset.done $0x0  }
0x4d: {  	[sflag:s8] =	ssyncadd.s32 $0xFFFFFF80  }
0x4e: {  	_ =	swait.ge [sflag:s8], $0x80  }
0x4f: {  	[sflag:s8] =	ssyncset.done $0x0  }
0x50: {  	[sflag:s8] =	ssyncadd.s32 $0xFFFFFF80  }
0x51: {  	[tilespmem:s0], [sflag:$0x5] =	stream.indirect.gather [hbm4b:s4+s24], $0x80, s26, s24, $0xb8;
	[tilespmem:$0x1C000] =	vst v63  }
0x52: {  	_ =	swait.ge [sflag:s9], $0x4000  }
0x53: {  	[sflag:s9] =	ssyncset.done $0x0  }
0x54: {  	[sflag:s9] =	ssyncadd.s32 $0xFFFFC000  }
0x55: {  	[spmem:s2] =	stream.indirect.scatter.add.f32 [tilespmem:s5], [sflag:$0x7], $0x80, s25, s24, $0xb8;
	[tilespmem:$0x1C000] =	vst v63  }
0x56: {  	_ =	swait.ge [sflag:s22], $0x4000  }
0x57: {  	[sflag:s22] =	ssyncset.done $0x0  }
0x58: {  	s13 =	sadd.s32 $0xA00, s17;
	[sflag:s22] =	ssyncadd.s32 $0xFFFFC000  }
0x59: {  	[tilespmem:s24], [sflag:$0x2] =	stream.linear.gather [hbm4b:s13+s3], $0x80, $0x38;
	[tilespmem:$0x1C000] =	vst v63  }
0x5a: {  	s19 =	sadd.s32 $0xA00, s15  }
0x5b: {  	[tilespmem:s25], [sflag:$0x2] =	stream.linear.gather [hbm4b:s19+s3], $0x80, $0x38;
	[tilespmem:$0x1C000] =	vst v63  }
0x5c: {  	_ =	swait.ge [sflag:s10], $0x80  }
0x5d: {  	[sflag:s10] =	ssyncset.done $0x0  }
0x5e: {  	[sflag:s10] =	ssyncadd.s32 $0xFFFFFF80  }
0x5f: {  	_ =	swait.ge [sflag:s10], $0x80  }
0x60: {  	[sflag:s10] =	ssyncset.done $0x0  }
0x61: {  	[sflag:s10] =	ssyncadd.s32 $0xFFFFFF80  }
0x62: {  	[tilespmem:s5], [sflag:$0x6] =	stream.indirect.gather [hbm4b:s4+s24], $0x80, s29, s24, $0xb8;
	[tilespmem:$0x1C000] =	vst v63  }
0x63: {  	_ =	swait.ge [sflag:s6], $0x4000  }
0x64: {  	[sflag:s6] =	ssyncset.done $0x0  }
0x65: {  	p1 =	por $0x0, $0x0;
	[sflag:s6] =	ssyncadd.s32 $0xFFFFC000  }
0x66: {  	[spmem:s2] =	stream.indirect.scatter.add.f32 [tilespmem:s0], [sflag:$0x7], $0x80, s28, s24, $0xb8;
	[tilespmem:$0x1C000] =	vst v63  }
0x67: {  	s17 =	sadd.s32 @!p1 $0x0, s21;
	_ =	swait.ge [sflag:s22], $0x4000  }
0x68: {  	s16 =	simm.s32 @!p1 $0x100;
	s13 =	sadd.s32 @!p1 $0x0, s20;
	[sflag:s22] =	ssyncset.done $0x0  }
0x69: {  	s14 =	simm.s32 @!p1 $0x0;
	s15 =	sadd.s32 @!p1 $0xC00, s13;
	[sflag:s22] =	ssyncadd.s32 $0xFFFFC000  }
0x6a: {  	[tilespmem:s16], [sflag:$0x3] =	stream.linear.gather @!p1 [hbm4b:s15+s14], $0x80, $0x38;
	[tilespmem:$0x1C000] =	vst v63  }
0x6b: {  	s15 =	simm.s32 @!p1 $0x300;
	s16 =	sadd.s32 @!p1 $0xC00, s17  }
0x6c: {  	[tilespmem:s15], [sflag:$0x3] =	stream.linear.gather @!p1 [hbm4b:s16+s14], $0x80, $0x38;
	[tilespmem:$0x1C000] =	vst v63  }
0x6d: {  	_ =	swait.ge [sflag:s31], $0x80  }
0x6e: {  	[sflag:s31] =	ssyncset.done $0x0  }
0x6f: {  	[sflag:s31] =	ssyncadd.s32 $0xFFFFFF80  }
0x70: {  	_ =	swait.ge [sflag:s31], $0x80  }
0x71: {  	[sflag:s31] =	ssyncset.done $0x0  }
0x72: {  	[sflag:s31] =	ssyncadd.s32 $0xFFFFFF80  }
0x73: {  	[tilespmem:s0], [sflag:$0x5] =	stream.indirect.gather [hbm4b:s4+s24], $0x80, s3, s24, $0xb8;
	[tilespmem:$0x1C000] =	vst v63  }
0x74: {  	_ =	swait.ge [sflag:s9], $0x4000  }
0x75: {  	[sflag:s9] =	ssyncset.done $0x0  }
0x76: {  	[sflag:s9] =	ssyncadd.s32 $0xFFFFC000  }
0x77: {  	[spmem:s2] =	stream.indirect.scatter.add.f32 [tilespmem:s5], [sflag:$0x7], $0x80, s30, s24, $0xb8;
	[tilespmem:$0x1C000] =	vst v63  }
0x78: {  	_ =	swait.ge [sflag:s22], $0x4000  }
0x79: {  	[sflag:s22] =	ssyncset.done $0x0  }
0x7a: {  	s13 =	sadd.s32 @!p1 $0xE00, s13;
	s15 =	simm.s32 @!p1 $0x180;
	[sflag:s22] =	ssyncadd.s32 $0xFFFFC000  }
0x7b: {  	[tilespmem:s15], [sflag:$0x4] =	stream.linear.gather @!p1 [hbm4b:s13+s14], $0x80, $0x38;
	[tilespmem:$0x1C000] =	vst v63  }
0x7c: {  	s13 =	sadd.s32 @!p1 $0xE00, s17;
	s15 =	simm.s32 @!p1 $0x380  }
0x7d: {  	[tilespmem:s15], [sflag:$0x4] =	stream.linear.gather @!p1 [hbm4b:s13+s14], $0x80, $0x38;
	[tilespmem:$0x1C000] =	vst v63  }
0x7e: {  	_ =	swait.ge [sflag:s1], $0x80  }
0x7f: {  	[sflag:s1] =	ssyncset.done $0x0  }
0x80: {  	[sflag:s1] =	ssyncadd.s32 $0xFFFFFF80  }
0x81: {  	_ =	swait.ge [sflag:s1], $0x80  }
0x82: {  	s13 =	simm.s32 $0x800;
	[sflag:s1] =	ssyncset.done $0x0  }
.LBB2_2:
0x83: {  	[sflag:s1] =	ssyncadd.s32 $0xFFFFFF80;
	s14 =	smov.u32 s13;
	s13 =	sadd.s32 $0x800, s13  }
0x84: {  	[tilespmem:s5], [sflag:$0x6] =	stream.indirect.gather [hbm4b:s4+s24], $0x80, s24, s24, $0xb8;
	[tilespmem:$0x1C000] =	vst v63  }
0x85: {  	p1 =	sne.s32 s13, $0x9800;
	_ =	swait.ge [sflag:s6], $0x4000  }
0x86: {  	[sflag:s6] =	ssyncset.done $0x0  }
0x87: {  	[sflag:s6] =	ssyncadd.s32 $0xFFFFC000  }
0x88: {  	[spmem:s2] =	stream.indirect.scatter.add.f32 [tilespmem:s0], [sflag:$0x7], $0x80, s23, s24, $0xb8;
	[tilespmem:$0x1C000] =	vst v63  }
0x89: {  	s15 =	sadd.s32 s14, s20;
	_ =	swait.ge [sflag:s22], $0x4000  }
0x8a: {  	s17 =	sadd.s32 s14, s21;
	s16 =	sadd.s32 $0x800, s15;
	[sflag:s22] =	ssyncset.done $0x0  }
0x8b: {  	[sflag:s22] =	ssyncadd.s32 $0xFFFFC000  }
0x8c: {  	[tilespmem:s3], [sflag:$0x1] =	stream.linear.gather [hbm4b:s16+s3], $0x80, $0x38;
	[tilespmem:$0x1C000] =	vst v63  }
0x8d: {  	s16 =	sadd.s32 $0x800, s17  }
0x8e: {  	[tilespmem:s23], [sflag:$0x1] =	stream.linear.gather [hbm4b:s16+s3], $0x80, $0x38;
	[tilespmem:$0x1C000] =	vst v63  }
0x8f: {  	_ =	swait.ge [sflag:s8], $0x80  }
0x90: {  	[sflag:s8] =	ssyncset.done $0x0  }
0x91: {  	[sflag:s8] =	ssyncadd.s32 $0xFFFFFF80  }
0x92: {  	_ =	swait.ge [sflag:s8], $0x80  }
0x93: {  	[sflag:s8] =	ssyncset.done $0x0  }
0x94: {  	[sflag:s8] =	ssyncadd.s32 $0xFFFFFF80  }
0x95: {  	[tilespmem:s0], [sflag:$0x5] =	stream.indirect.gather [hbm4b:s4+s24], $0x80, s26, s24, $0xb8;
	[tilespmem:$0x1C000] =	vst v63  }
0x96: {  	_ =	swait.ge [sflag:s9], $0x4000  }
0x97: {  	[sflag:s9] =	ssyncset.done $0x0  }
0x98: {  	[sflag:s9] =	ssyncadd.s32 $0xFFFFC000  }
0x99: {  	[spmem:s2] =	stream.indirect.scatter.add.f32 [tilespmem:s5], [sflag:$0x7], $0x80, s25, s24, $0xb8;
	[tilespmem:$0x1C000] =	vst v63  }
0x9a: {  	_ =	swait.ge [sflag:s22], $0x4000  }
0x9b: {  	s15 =	sadd.s32 $0xA00, s15;
	[sflag:s22] =	ssyncset.done $0x0  }
0x9c: {  	[sflag:s22] =	ssyncadd.s32 $0xFFFFC000  }
0x9d: {  	[tilespmem:s24], [sflag:$0x2] =	stream.linear.gather [hbm4b:s15+s3], $0x80, $0x38;
	[tilespmem:$0x1C000] =	vst v63  }
0x9e: {  	s15 =	sadd.s32 $0xA00, s17  }
0x9f: {  	[tilespmem:s25], [sflag:$0x2] =	stream.linear.gather [hbm4b:s15+s3], $0x80, $0x38;
	[tilespmem:$0x1C000] =	vst v63  }
0xa0: {  	_ =	swait.ge [sflag:s10], $0x80  }
0xa1: {  	[sflag:s10] =	ssyncset.done $0x0  }
0xa2: {  	[sflag:s10] =	ssyncadd.s32 $0xFFFFFF80  }
0xa3: {  	_ =	swait.ge [sflag:s10], $0x80  }
0xa4: {  	[sflag:s10] =	ssyncset.done $0x0  }
0xa5: {  	[sflag:s10] =	ssyncadd.s32 $0xFFFFFF80  }
0xa6: {  	[tilespmem:s5], [sflag:$0x6] =	stream.indirect.gather [hbm4b:s4+s24], $0x80, s29, s24, $0xb8;
	[tilespmem:$0x1C000] =	vst v63  }
0xa7: {  	_ =	swait.ge [sflag:s6], $0x4000  }
0xa8: {  	[sflag:s6] =	ssyncset.done $0x0  }
0xa9: {  	p2 =	seq.s32 s14, $0x9000;
	[sflag:s6] =	ssyncadd.s32 $0xFFFFC000  }
0xaa: {  	[spmem:s2] =	stream.indirect.scatter.add.f32 [tilespmem:s0], [sflag:$0x7], $0x80, s28, s24, $0xb8;
	[tilespmem:$0x1C000] =	vst v63  }
0xab: {  	s16 =	simm.s32 @!p2 $0x0;
	s15 =	sadd.s32 @!p2 s14, s20;
	_ =	swait.ge [sflag:s22], $0x4000  }
0xac: {  	s18 =	simm.s32 @!p2 $0x100;
	s17 =	sadd.s32 @!p2 $0xC00, s15;
	[sflag:s22] =	ssyncset.done $0x0  }
0xad: {  	s19 =	simm.s32 @!p2 $0x300;
	s14 =	sadd.s32 @!p2 s14, s21;
	[sflag:s22] =	ssyncadd.s32 $0xFFFFC000  }
0xae: {  	[tilespmem:s18], [sflag:$0x3] =	stream.linear.gather @!p2 [hbm4b:s17+s16], $0x80, $0x38;
	[tilespmem:$0x1C000] =	vst v63  }
0xaf: {  	s17 =	sadd.s32 @!p2 $0xC00, s14;
	s14 =	sadd.s32 @!p2 $0xE00, s14  }
0xb0: {  	[tilespmem:s19], [sflag:$0x3] =	stream.linear.gather @!p2 [hbm4b:s17+s16], $0x80, $0x38;
	[tilespmem:$0x1C000] =	vst v63  }
0xb1: {  	_ =	swait.ge [sflag:s31], $0x80  }
0xb2: {  	[sflag:s31] =	ssyncset.done $0x0  }
0xb3: {  	[sflag:s31] =	ssyncadd.s32 $0xFFFFFF80  }
0xb4: {  	_ =	swait.ge [sflag:s31], $0x80  }
0xb5: {  	[sflag:s31] =	ssyncset.done $0x0  }
0xb6: {  	[sflag:s31] =	ssyncadd.s32 $0xFFFFFF80  }
0xb7: {  	[tilespmem:s0], [sflag:$0x5] =	stream.indirect.gather [hbm4b:s4+s24], $0x80, s3, s24, $0xb8;
	[tilespmem:$0x1C000] =	vst v63  }
0xb8: {  	_ =	swait.ge [sflag:s9], $0x4000  }
0xb9: {  	[sflag:s9] =	ssyncset.done $0x0  }
0xba: {  	[sflag:s9] =	ssyncadd.s32 $0xFFFFC000  }
0xbb: {  	[spmem:s2] =	stream.indirect.scatter.add.f32 [tilespmem:s5], [sflag:$0x7], $0x80, s30, s24, $0xb8;
	[tilespmem:$0x1C000] =	vst v63  }
0xbc: {  	_ =	swait.ge [sflag:s22], $0x4000  }
0xbd: {  	s15 =	sadd.s32 @!p2 $0xE00, s15;
	s17 =	simm.s32 @!p2 $0x180;
	[sflag:s22] =	ssyncset.done $0x0  }
0xbe: {  	s18 =	simm.s32 @!p2 $0x380;
	[sflag:s22] =	ssyncadd.s32 $0xFFFFC000  }
0xbf: {  	[tilespmem:s17], [sflag:$0x4] =	stream.linear.gather @!p2 [hbm4b:s15+s16], $0x80, $0x38;
	[tilespmem:$0x1C000] =	vst v63  }
0xc0: {  	_ = 	snop  }
0xc1: {  	[tilespmem:s18], [sflag:$0x4] =	stream.linear.gather @!p2 [hbm4b:s14+s16], $0x80, $0x38;
	[tilespmem:$0x1C000] =	vst v63  }
.Ltmp0:
0xc2: {  	_ =	swait.ge [sflag:s1], $0x80;
	(pc) =	sbr.rel @p1 .LBB2_2-.Ltmp0, $4  }
0xc3: {  	[sflag:s1] =	ssyncset.done $0x0  }
0xc4: {  	[sflag:s1] =	ssyncadd.s32 $0xFFFFFF80  }
0xc5: {  	_ =	swait.ge [sflag:s1], $0x80  }
0xc6: {  	[sflag:s1] =	ssyncset.done $0x0  }
0xc7: {  	[sflag:s1] =	ssyncadd.s32 $0xFFFFFF80  }
0xc8: {  	[tilespmem:s5], [sflag:$0x6] =	stream.indirect.gather [hbm4b:s4+s24], $0x80, s24, s24, $0xb8;
	[tilespmem:$0x1C000] =	vst v63  }
0xc9: {  	_ =	swait.ge [sflag:s6], $0x4000  }
0xca: {  	[sflag:s6] =	ssyncset.done $0x0  }
0xcb: {  	[sflag:s6] =	ssyncadd.s32 $0xFFFFC000  }
0xcc: {  	[spmem:s2] =	stream.indirect.scatter.add.f32 [tilespmem:s0], [sflag:$0x7], $0x80, s23, s24, $0xb8;
	[tilespmem:$0x1C000] =	vst v63  }
0xcd: {  	_ =	swait.ge [sflag:s22], $0x4000  }
0xce: {  	[sflag:s22] =	ssyncset.done $0x0  }
0xcf: {  	[sflag:s22] =	ssyncadd.s32 $0xFFFFC000  }
0xd0: {  	_ =	swait.ge [sflag:s9], $0x4000  }
0xd1: {  	[sflag:s9] =	ssyncset.done $0x0  }
0xd2: {  	[sflag:s9] =	ssyncadd.s32 $0xFFFFC000  }
0xd3: {  	[spmem:s2] =	stream.indirect.scatter.add.f32 [tilespmem:s5], [sflag:$0x7], $0x80, s25, s24, $0xb8;
	[tilespmem:$0x1C000] =	vst v63  }
0xd4: {  	_ =	swait.ge [sflag:s22], $0x4000  }
0xd5: {  	[sflag:s22] =	ssyncset.done $0x0  }
0xd6: {  	s13 =	simm.s32 @!p0 $0x0;
	s14 =	rddreg [dreg:$0xd];
	[sflag:s22] =	ssyncadd.s32 $0xFFFFC000  }
0xd7: {  	[tilespmem:s13], [sflag:$0x7] =	stream.linear.gather @!p0 [hbm4b:s14+s13], $0x80, $0x38;
	[tilespmem:$0x1C000] =	vst v63  }
0xd8: {  	s14 =	simm.s32 @!p0 $0x7  }
0xd9: {  	_ =	swait.ge @!p0 [sflag:s14], $0x80  }
0xda: {  	[sflag:s14] =	ssyncset.done @!p0 $0x0  }
0xdb: {  	s15 =	simm.s32 @!p0 $0x200;
	s16 =	rddreg [dreg:$0xe];
	[sflag:s14] =	ssyncadd.s32 @!p0 $0xFFFFFF80  }
0xdc: {  	[tilespmem:s15], [sflag:$0x7] =	stream.linear.gather @!p0 [hbm4b:s16+s13], $0x80, $0x38;
	[tilespmem:$0x1C000] =	vst v63  }
0xdd: {  	_ =	swait.ge @!p0 [sflag:s14], $0x80  }
0xde: {  	[sflag:s14] =	ssyncset.done @!p0 $0x0  }
0xdf: {  	s17 =	simm.s32 @!p0 $0x400;
	s16 =	simm.s32 @!p0 $0x80;
	[sflag:s14] =	ssyncadd.s32 @!p0 $0xFFFFFF80  }
0xe0: {  	[tilespmem:s17], [sflag:$0x5] =	stream.indirect.gather @!p0 [hbm4b:s4+s16], $0x80, s13, s16, $0xb8;
	[tilespmem:$0x1C000] =	vst v63  }
0xe1: {  	s13 =	simm.s32 @!p0 $0x5  }
0xe2: {  	_ =	swait.ge @!p0 [sflag:s13], $0x4000  }
0xe3: {  	[sflag:s13] =	ssyncset.done @!p0 $0x0  }
0xe4: {  	[sflag:s13] =	ssyncadd.s32 @!p0 $0xFFFFC000  }
0xe5: {  	[spmem:s2] =	stream.indirect.scatter.add.f32 @!p0 [tilespmem:s17], [sflag:$0x7], $0x80, s15, s16, $0xb8;
	[tilespmem:$0x1C000] =	vst v63  }
0xe6: {  	_ =	swait.ge @!p0 [sflag:s14], $0x4000  }
0xe7: {  	[sflag:s14] =	ssyncset.done @!p0 $0x0  }
0xe8: {  	[sflag:s14] =	ssyncadd.s32 @!p0 $0xFFFFC000  }
0xe9: {  	[bflag:$0x0] =	sbarrier.arrive $0xFFFF  }
0xea: {  	s18 =	rddreg [dreg:$0xf]  }
0xeb: {  	[hbm:s18], [sflag:s7] =	dma.local [spmem:s12], $0x2780  }
0xec: {  	_ =	swait.ge [sflag:s22], $0x2780  }
0xed: {  	s11 =	sadd.s32 $0x1, s11;
	s19 =	rddreg [dreg:$0x10]  }
0xee: {  	p1 =	sne.s32 s11, s19  }
.Ltmp1:
0xef: {  	_ = 	snop;
	(pc) =	sbr.rel @p1 .LBB2_1-.Ltmp1, $3  }
0xf0: {  	_ =	sdelay $0x1  }
0xf1: {  	[sflag:s22] =	ssyncset.done $0x0  }
0xf2: {  	[sflag:s22] =	ssyncadd.s32 $0xFFFFD880  }
0xf3: {  	_ =	sfence.sel $0x180000  }
0xf4: {  	[bflag:$0x0] =	sbarrier.arrive $0xFFFF  }
0xf5: {  	_ =	strace $0x9000004D  }
0xf6: {  	s0 =	stileid.u32;
	[bflag:$0x2] =	sbarrier.arrive $0xFFFF  }
0xf7: {  	p0 =	sne.s32 s0, $0x0;
	s0 =	rddreg [dreg:$0x2]  }
0xf8: {  	s0 =	sadd.s32 @!p0 $0x100000, s0  }
0xf9: {  	[sflag:s0] =	ssyncadd.tile.s32 @!p0 $0x1;
	_ =	shalt  }
.Lfunc_end2:
_tile_overlayer_lowered:
.L_overlay_start_2:
0xfa: {  	(tag) =	ssettag $0x2  }
0xfb: {  	s0 =	rddreg [dreg:$0x0];
	s2 =	stileid.u32  }
0xfc: {  	s1 =	rddreg [dreg:$0x1];
	p0 =	sne.s32 s2, $0x0  }
0xfd: {  	s3 =	rddreg [dreg:$0x2];
	[bflag:$0x3] =	sbarrier.arrive $0xFFFF;
	s2 =	simm.s32 @!p0 $0x1C07  }
0xfe: {  	[timem:s3], [sflag:s2] =	dma.local @!p0 [hbm:s0], s1  }
0xff: {  	s0 =	simm.s32 @!p0 $0x7  }
0x100: {  	_ =	swait.ge @!p0 [sflag:s0], s1  }
0x101: {  	s1 =	ssub.s32 @!p0 $0x0, s1;
	[sflag:s0] =	ssyncset.done @!p0 $0x0  }
0x102: {  	[sflag:s0] =	ssyncadd.s32 @!p0 s1  }
0x103: {  	[bflag:$0x3] =	sbarrier.arrive $0xFFFF  }
0x104: {  	_ =	shalt  }

// kernel: kernel.19.cloned.1.call-start
scs
__scs_entry_jumppad:
0x0: {  	(pc) =	sbr.rel $0x88, $3  }
0x1: {  	(tag) =	ssettag $0x0;
	lr =	simm.s32 $0x1  }
0x2: {  	[smem:$0x3F96] =	sst lr;
	_ =	strace $0xD0000000  }
0x3: {  	_ = 	snop  }
0x4: {  	_ = 	snop  }
0x5: {  	_ = 	snop  }
0x6: {  	_ = 	snop  }
0x7: {  	_ = 	snop  }
__scs_overlays_trampoline_lowered:
0x8: {  	[smem:$0x3FA5] =	sst s0  }
0x9: {  	[smem:$0x3FA6] =	sst s1  }
0xa: {  	[smem:$0x3FA7] =	sst s2  }
0xb: {  	[smem:$0x3FA8] =	sst s3  }
0xc: {  	[smem:$0x3FA9] =	sst s4  }
0xd: {  	[smem:$0x3FAA] =	sst s5  }
0xe: {  	[smem:$0x3FAB] =	sst s6  }
0xf: {  	[smem:$0x3FAC] =	sst s7  }
0x10: {  	[smem:$0x3FAD] =	sst s8  }
0x11: {  	[smem:$0x3FAE] =	sst s9;
	s0 =	simm.s32 @!p0 $0x0  }
0x12: {  	s1 =	sld [smem:$0x3F94];
	s0 =	simm.s32 @p0 $0x1  }
0x13: {  	[smem:$0x3FAF] =	sst s0;
	s0 =	simm.s32 @!p1 $0x0  }
0x14: {  	s2 =	sld [smem:$0x3F93];
	s0 =	simm.s32 @p1 $0x1  }
0x15: {  	[smem:$0x3FB0] =	sst s0;
	s0 =	simm.s32 @!p2 $0x0  }
0x16: {  	s3 =	sld [smem:$0x3FDB];
	s0 =	simm.s32 @p2 $0x1  }
0x17: {  	s4 =	simm.s32 $0x1BF5;
	[smem:$0x3FB2] =	sst s0  }
0x18: {  	s0 =	sld [smem:$0x3F95];
	_ =	swait.ge [sflag:s4], $0x0  }
0x19: {  	s7 =	sld [smem:$0x3F96]  }
0x1a: {  	s8 =	sadd.s32 $0xFFFFE003, lr  }
0x1b: {  	s9 =	sadd.s32 $0xFFFFFEF7, lr;
	s5 =	simm.s32 $0xFFFFFFFF;
	p2 =	slt.u32 s8, $0xFFFFF086  }
0x1c: {  	p1 =	slt.u32 s9, $0xF7A;
	s5 =	simm.s32 @!p2 $0x0  }
0x1d: {  	s5 =	simm.s32 @p1 $0x1;
	p0 =	seq.s32 s7, s2  }
0x1e: {  	s7 =	smul.u32 @!p0 $0xF7A, s2;
	p2 =	seq.s32 @!p0 s5, $0x0  }
0x1f: {  	s9 =	smul.u32 $0xF7A, s1;
	s8 =	simm.s32 @!p0 $0x1BF5;
	p2 =	por !p2, p0  }
0x20: {  	[sflag:s8] =	ssyncset.s32 @!p0 $0xFFFFF086;
	s6 =	sadd.s32 @!p0 s3, s7;
	s7 =	simm.s32 @!p0 $0x108  }
0x21: {  	s3 =	sadd.s32 s3, s9;
	s6 =	sadd.s32 @!p0 $0x88, s6;
	s7 =	simm.s32 @p2 $0x1082  }
0x22: {  	[simem:s7], [sflag:s8] =	dma.local @!p0 [hbm:s6], $0xF7A  }
0x23: {  	s9 =	sor.u32 $0xD0000000, s2;
	s6 =	simm.s32 $0x108;
	_ =	swait.ge @!p0 [sflag:s8], $0x0  }
0x24: {  	s3 =	sadd.s32 $0x88, s3;
	s6 =	simm.s32 @!p1 $0x1082;
	[sflag:s4] =	ssyncset.s32 $0xFFFFF086  }
0x25: {  	[simem:s6], [sflag:s4] =	dma.local [hbm:s3], $0xF7A  }
0x26: {  	[smem:$0x3F96] =	sst s1;
	(tag) =	ssettag s2;
	_ =	strace s9  }
0x27: {  	s1 =	sld [smem:$0x3FA6]  }
0x28: {  	s2 =	sld [smem:$0x3FA7]  }
0x29: {  	s4 =	sld [smem:$0x3FA9]  }
0x2a: {  	p0 =	seq.s32 s5, $0x0;
	s5 =	sld [smem:$0x3FAA]  }
0x2b: {  	s6 =	sld [smem:$0x3FAB]  }
0x2c: {  	s7 =	sld [smem:$0x3FAC]  }
0x2d: {  	s3 =	simm.s32 $0x108;
	s8 =	sld [smem:$0x3FAD]  }
0x2e: {  	s3 =	simm.s32 @!p0 $0x1082;
	s9 =	sld [smem:$0x3FAE]  }
0x2f: {  	lr =	sadd.s32 s0, s3;
	s0 =	sld [smem:$0x3FA5]  }
0x30: {  	s3 =	sld [smem:$0x3FA8]  }
0x31: {  	[smem:$0x3FB1] =	sst s10  }
0x32: {  	s10 =	sld [smem:$0x3FAF];
	_ =	sdelay $0x3  }
0x33: {  	p0 =	seq.s32 s10, $0x1;
	s10 =	sld [smem:$0x3FB1];
	_ =	sdelay $0x3  }
0x34: {  	[smem:$0x3FB1] =	sst s10  }
0x35: {  	s10 =	sld [smem:$0x3FB0];
	_ =	sdelay $0x3  }
0x36: {  	p1 =	seq.s32 s10, $0x1;
	s10 =	sld [smem:$0x3FB1];
	_ =	sdelay $0x3  }
0x37: {  	[smem:$0x3FB1] =	sst s10  }
0x38: {  	s10 =	sld [smem:$0x3FB2]  }
0x39: {  	_ = 	snop;
	(pc) =	sbr.ind lr, $3  }
0x3a: {  	_ = 	snop  }
0x3b: {  	_ = 	snop  }
0x3c: {  	p2 =	seq.s32 s10, $0x1;
	s10 =	sld [smem:$0x3FB1]  }
0x3d: {  	_ =	shalt  }
0x3e: {  	_ =	shalt  }
0x3f: {  	_ =	shalt  }
0x40: {  	_ =	shalt  }
0x41: {  	_ =	shalt  }
0x42: {  	_ =	shalt  }
0x43: {  	_ =	shalt  }
0x44: {  	_ =	shalt  }
0x45: {  	_ =	shalt  }
0x46: {  	_ =	shalt  }
0x47: {  	_ =	shalt  }
0x48: {  	_ =	shalt  }
0x49: {  	_ =	shalt  }
0x4a: {  	_ =	shalt  }
0x4b: {  	_ =	shalt  }
0x4c: {  	_ =	shalt  }
0x4d: {  	_ =	shalt  }
0x4e: {  	_ =	shalt  }
0x4f: {  	_ =	shalt  }
0x50: {  	_ =	shalt  }
0x51: {  	_ =	shalt  }
0x52: {  	_ =	shalt  }
0x53: {  	_ =	shalt  }
0x54: {  	_ =	shalt  }
0x55: {  	_ =	shalt  }
0x56: {  	_ =	shalt  }
0x57: {  	_ =	shalt  }
0x58: {  	_ =	shalt  }
0x59: {  	_ =	shalt  }
0x5a: {  	_ =	shalt  }
0x5b: {  	_ =	shalt  }
0x5c: {  	_ =	shalt  }
0x5d: {  	_ =	shalt  }
0x5e: {  	_ =	shalt  }
0x5f: {  	_ =	shalt  }
0x60: {  	_ =	shalt  }
0x61: {  	_ =	shalt  }
0x62: {  	_ =	shalt  }
0x63: {  	_ =	shalt  }
0x64: {  	_ =	shalt  }
0x65: {  	_ =	shalt  }
0x66: {  	_ =	shalt  }
0x67: {  	_ =	shalt  }
0x68: {  	_ =	shalt  }
0x69: {  	_ =	shalt  }
0x6a: {  	_ =	shalt  }
0x6b: {  	_ =	shalt  }
0x6c: {  	_ =	shalt  }
0x6d: {  	_ =	shalt  }
0x6e: {  	_ =	shalt  }
0x6f: {  	_ =	shalt  }
0x70: {  	_ =	shalt  }
0x71: {  	_ =	shalt  }
0x72: {  	_ =	shalt  }
0x73: {  	_ =	shalt  }
0x74: {  	_ =	shalt  }
0x75: {  	_ =	shalt  }
0x76: {  	_ =	shalt  }
0x77: {  	_ =	shalt  }
0x78: {  	_ =	shalt  }
0x79: {  	_ =	shalt  }
0x7a: {  	_ =	shalt  }
0x7b: {  	_ =	shalt  }
0x7c: {  	_ =	shalt  }
0x7d: {  	_ =	shalt  }
0x7e: {  	_ =	shalt  }
0x7f: {  	_ =	shalt  }
0x80: {  	_ =	shalt  }
0x81: {  	_ =	shalt  }
0x82: {  	_ =	shalt  }
0x83: {  	_ =	shalt  }
0x84: {  	_ =	shalt  }
0x85: {  	_ =	shalt  }
0x86: {  	_ =	shalt  }
0x87: {  	_ =	shalt  }
.Lfunc_end0:
.L_simem_size_0:
called_computation.3_lowered:
.L_overlay_start_0:
0x88: {  	s2 =	sld [smem:$0x3FD9]  }
0x89: {  	s3 =	sld [smem:$0x3FFE];
	_ =	sdelay $0x1  }
0x8a: {  	s1 =	srdreg.scid  }
0x8b: {  	s0 =	sand.u32 $0x1, s1  }
0x8c: {  	s16 =	sshll.u32 s0, $0xA;
	s2 =	sadd.s32 s3, s2  }
0x8d: {  	s2 =	sadd.s32 s2, s16  }
0x8e: {  	[smem:$0x3FBD] =	sst s2  }
0x8f: {  	_ = 	snop  }
0x90: {  	(tm) =	ssettm $0x1  }
0x91: {  	s17 =	sld [smem:$0x3FFB];
	_ =	sdelay $0x3  }
0x92: {  	_ =	strace s17  }
0x93: {  	s2 =	sld [smem:$0x3FFC];
	_ =	sdelay $0x3  }
0x94: {  	_ =	strace s2  }
0x95: {  	s2 =	sld [smem:$0x3FFD];
	_ =	sdelay $0x3  }
0x96: {  	_ =	strace s2  }
0x97: {  	_ =	strace $0x8FFFFFFF  }
0x98: {  	s18 =	sld [smem:$0x3FDB];
	_ =	sdelay $0x1  }
0x99: {  	s19 =	simm.s32 $_scs_section_size  }
0x9a: {  	s4 =	simm.s32 $_size__tile_overlayer_lowered;
	s5 =	simm.s32 $_tile_overlayer_lowered  }
0x9b: {  	s22 =	simm.s32 $0x1BFF;
	s21 =	sshll.u32 s5, $0x1;
	s2 =	sadd.s32 s19, s18  }
0x9c: {  	s6 =	simm.s32 $0x0;
	s20 =	sshll.u32 s4, $0x1;
	s4 =	sadd.s32 s21, s2  }
0x9d: {  	[timem:s6], [sflag:s22] =	dma.local [hbm:s4], s20  }
0x9e: {  	_ =	swait.ge [sflag:s22], s20  }
0x9f: {  	s3 =	ssub.s32 $0x0, s20;
	[sflag:s22] =	ssyncset.done $0x0  }
0xa0: {  	[sflag:s22] =	ssyncadd.s32 s3;
	_ =	sdelay $0x1  }
0xa1: {  	s23 =	simm.s32 $0x1B8B  }
0xa2: {  	_ =	swait.ge [sflag:s23], $0x1  }
0xa3: {  	[sflag:s23] =	ssyncset.done $0x0  }
0xa4: {  	s25 =	simm.s32 $0x1B8E;
	s24 =	sld [smem:$0x3FFE];
	[sflag:s23] =	ssyncadd.s32 $0xFFFFFFFF  }
0xa5: {  	s26 =	simm.s32 $execute0_lowered;
	[smem:$0x3FD2] =	sst s25  }
0xa6: {  	s4 =	sshll.u32 s26, $0x1;
	_ =	strace $0x8000004F;
	[dreg:$0x1] =	wrdreg $0xFFFFFFFF  }
0xa7: {  	s28 =	simm.s32 $_size_execute0_lowered;
	s2 =	sadd.s32 s2, s4;
	[dreg:$0x0] =	wrdreg $0x0  }
0xa8: {  	s4 =	sshll.u32 s28, $0x1;
	[dreg:$0x2] =	wrdreg s2  }
0xa9: {  	[dreg:$0x3] =	wrdreg s4  }
0xaa: {  	[dreg:$0x4] =	wrdreg $0xC0  }
0xab: {  	_ =	task [dreg:s6], $0x5FFFF  }
0xac: {  	[dreg:$0x1] =	wrdreg $0xFFFFFFFF  }
0xad: {  	[dreg:$0x0] =	wrdreg $0x60  }
0xae: {  	[dreg:$0x2] =	wrdreg s24  }
0xaf: {  	[dreg:$0x3] =	wrdreg $0x84000  }
0xb0: {  	[dreg:$0x4] =	wrdreg $0x9  }
0xb1: {  	_ =	task.clear_ibuf [dreg:s6], $0x5FFFF;
	_ =	strace $0x9000004F  }
0xb2: {  	s29 =	simm.s32 $0x9;
	_ =	strace $0x80000051  }
0xb3: {  	_ =	swait.ge [sflag:s29], $0x1  }
0xb4: {  	[sflag:s29] =	ssyncadd.s32 $0xFFFFFFFF  }
0xb5: {  	_ =	strace $0x90000051  }
0xb6: {  	_ =	sfence  }
0xb7: {  	s30 =	sld [smem:$0x0];
	_ =	sdelay $0x2  }
0xb8: {  	s31 =	sshll.u32 s1, $0xD;
	s1 =	sshrl.u32 s1, $0x2  }
0xb9: {  	s3 =	sand.u32 $0x4000, s31;
	s1 =	sadd.s32 s1, s30  }
0xba: {  	s0 =	sor.u32 s3, s0;
	s1 =	sshll.u32 s1, $0x11  }
0xbb: {  	s0 =	sor.u32 s1, s0  }
0xbc: {  	s0 =	sadd.s32 $0x8F2B, s0  }
0xbd: {  	[sflag:s0] =	ssyncadd.remote.s32 $0x1  }
0xbe: {  	_ =	sfence.sel $0xFFFF  }
0xbf: {  	[dreg:$0x0] =	wrdreg $0xFFFFFFFF;
	(pc) =	sbr.abs _section_cstart, $3  }
0xc0: {  	[dreg:$0x1] =	wrdreg $0xFFFFFFFF  }
0xc1: {  	_ =	task.clear_ibuf [dreg:s6], $0x2FFFF;
	_ =	strace $0x9FFFFFFF  }
0xc2: {  	(tm) =	ssettm $0x7FFFFFFF  }
0xc3: {  	_ =	shalt  }
tec
execute0_lowered:
.L_overlay_start_1:
0x0: {  	(tag) =	ssettag $0x1  }
0x1: {  	s0 =	rddreg [dreg:$0x0]  }
0x2: {  	s2 =	rddreg [dreg:$0x1];
	s3 =	simm.s32 $0x0;
	s1 =	srdreg.scid  }
0x3: {  	s13 =	stileid.u32;
	s28 =	simm.s32 $0x300;
	s29 =	simm.s32 $0x180  }
0x4: {  	s30 =	simm.s32 $0x380;
	s31 =	simm.s32 $0x1;
	[smem:$0x7FF] =	sst s3  }
0x5: {  	s1 =	sand.u32 $0x1, s1;
	s5 =	smul.u32 $0x2780, s13;
	s6 =	sadd.s32 $0xEA00, s0  }
0x6: {  	s8 =	sadd.s32 $0x4C00, s0;
	s4 =	sadd.s32 $0x1B000, s0;
	s10 =	smul.u32 $0x4F000, s13  }
0x7: {  	s11 =	sadd.s32 $0x18800, s0;
	s14 =	sshll.u32 s13, $0x5;
	s15 =	sshll.u32 s13, $0x6  }
0x8: {  	p0 =	sgt.u32 s13, $0x1;
	_ =	strace $0x80000050;
	s7 =	smul.u32 $0x27800, s1  }
0x9: {  	s9 =	ssub.s32 $0x2, s1;
	[dreg:$0x3] =	wrdreg s11;
	s1 =	sshll.u32 s1, $0x4  }
0xa: {  	s25 =	sadd.s32 s14, s6;
	s26 =	sshrl.u32 s9, $0x1;
	s12 =	sshrl.u32 s10, $0x2  }
0xb: {  	s16 =	sor.u32 s1, s14;
	s5 =	sadd.s32 s5, s7;
	s7 =	sadd.s32 s12, s2  }
0xc: {  	s17 =	sadd.s32 s6, s16;
	s18 =	sor.u32 $0x200, s16;
	s12 =	sadd.s32 s8, s16  }
0xd: {  	s20 =	sor.u32 $0x400, s16;
	s22 =	sor.u32 $0x600, s16;
	[dreg:$0x4] =	wrdreg s7  }
0xe: {  	s10 =	sor.u32 $0x9C00, s16;
	s0 =	sadd.s32 s5, s0;
	[dreg:$0x5] =	wrdreg s17  }
0xf: {  	s5 =	ssub.s32 s9, s26;
	[dreg:$0x6] =	wrdreg s12;
	s19 =	sadd.s32 s6, s18  }
0x10: {  	s7 =	sor.u32 $0x1C07, s15;
	s11 =	sadd.s32 s8, s18;
	[dreg:$0x7] =	wrdreg s19  }
0x11: {  	s21 =	sadd.s32 s6, s20;
	s12 =	sadd.s32 s8, s20;
	[dreg:$0x8] =	wrdreg s11  }
0x12: {  	s23 =	sadd.s32 s6, s22;
	s24 =	sadd.s32 s6, s10;
	[dreg:$0x9] =	wrdreg s21  }
0x13: {  	s10 =	sadd.s32 s8, s10;
	s26 =	sadd.s32 s14, s8;
	[dreg:$0xa] =	wrdreg s12  }
0x14: {  	s20 =	sadd.s32 s1, s25;
	s25 =	simm.s32 $0x280;
	[dreg:$0xb] =	wrdreg s23  }
0x15: {  	s6 =	simm.s32 $0x5;
	s9 =	simm.s32 $0x6;
	[dreg:$0xd] =	wrdreg s24  }
0x16: {  	s11 =	sadd.s32 s8, s22;
	[dreg:$0xe] =	wrdreg s10;
	s0 =	sadd.s32 $0x69400, s0  }
0x17: {  	s5 =	smax.u32 s5, $0x1;
	s21 =	sadd.s32 s1, s26;
	s22 =	simm.s32 $0x7  }
0x18: {  	s23 =	simm.s32 $0x200;
	s24 =	simm.s32 $0x80;
	[dreg:$0xc] =	wrdreg s11  }
0x19: {  	s26 =	simm.s32 $0x100;
	s1 =	simm.s32 $0x2;
	[dreg:$0xf] =	wrdreg s0  }
0x1a: {  	s8 =	simm.s32 $0x3;
	s10 =	simm.s32 $0x4;
	[dreg:$0x10] =	wrdreg s5  }
0x1b: {  	s0 =	simm.s32 $0x400;
	s5 =	simm.s32 $0x4400;
	s11 =	simm.s32 $0x0  }
.LBB2_1:
0x1c: {  	s12 =	rddreg [dreg:$0x4]  }
0x1d: {  	s13 =	rddreg [dreg:$0x3];
	s12 =	sshrl.u32 s12, $0x3  }
0x1e: {  	[spmem:s12], [sflag:s7] =	dma.local [hbm:s13], $0x2780  }
0x1f: {  	_ =	swait.ge [sflag:s22], $0x2780  }
0x20: {  	[sflag:s22] =	ssyncset.done $0x0  }
0x21: {  	[sflag:s22] =	ssyncadd.s32 $0xFFFFD880  }
0x22: {  	[bflag:$0x0] =	sbarrier.arrive $0xFFFF  }
0x23: {  	s15 =	rddreg [dreg:$0x5]  }
0x24: {  	[tilespmem:s3], [sflag:$0x1] =	stream.linear.gather [hbm4b:s15+s3], $0x80, $0x38;
	[tilespmem:$0x1C000] =	vst v63  }
0x25: {  	s16 =	rddreg [dreg:$0x6]  }
0x26: {  	[tilespmem:s23], [sflag:$0x1] =	stream.linear.gather [hbm4b:s16+s3], $0x80, $0x38;
	[tilespmem:$0x1C000] =	vst v63  }
0x27: {  	s17 =	rddreg [dreg:$0x7]  }
0x28: {  	[tilespmem:s24], [sflag:$0x2] =	stream.linear.gather [hbm4b:s17+s3], $0x80, $0x38;
	[tilespmem:$0x1C000] =	vst v63  }
0x29: {  	s18 =	rddreg [dreg:$0x8]  }
0x2a: {  	[tilespmem:s25], [sflag:$0x2] =	stream.linear.gather [hbm4b:s18+s3], $0x80, $0x38;
	[tilespmem:$0x1C000] =	vst v63  }
0x2b: {  	s19 =	rddreg [dreg:$0x9]  }
0x2c: {  	[tilespmem:s26], [sflag:$0x3] =	stream.linear.gather [hbm4b:s19+s3], $0x80, $0x38;
	[tilespmem:$0x1C000] =	vst v63  }
0x2d: {  	s14 =	rddreg [dreg:$0xa]  }
0x2e: {  	[tilespmem:s28], [sflag:$0x3] =	stream.linear.gather [hbm4b:s14+s3], $0x80, $0x38;
	[tilespmem:$0x1C000] =	vst v63  }
0x2f: {  	s15 =	rddreg [dreg:$0xb]  }
0x30: {  	[tilespmem:s29], [sflag:$0x4] =	stream.linear.gather [hbm4b:s15+s3], $0x80, $0x38;
	[tilespmem:$0x1C000] =	vst v63  }
0x31: {  	s16 =	rddreg [dreg:$0xc]  }
0x32: {  	[tilespmem:s30], [sflag:$0x4] =	stream.linear.gather [hbm4b:s16+s3], $0x80, $0x38;
	[tilespmem:$0x1C000] =	vst v63  }
0x33: {  	_ =	swait.ge [sflag:s31], $0x80  }
0x34: {  	[sflag:s31] =	ssyncset.done $0x0  }
0x35: {  	[sflag:s31] =	ssyncadd.s32 $0xFFFFFF80  }
0x36: {  	_ =	swait.ge [sflag:s31], $0x80  }
0x37: {  	[sflag:s31] =	ssyncset.done $0x0  }
0x38: {  	[sflag:s31] =	ssyncadd.s32 $0xFFFFFF80  }
0x39: {  	[tilespmem:s0], [sflag:$0x5] =	stream.indirect.gather [hbm4b:s4+s24], $0x80, s3, s24, $0xb8;
	[tilespmem:$0x1C000] =	vst v63  }
0x3a: {  	_ =	swait.ge [sflag:s1], $0x80  }
0x3b: {  	[sflag:s1] =	ssyncset.done $0x0  }
0x3c: {  	[sflag:s1] =	ssyncadd.s32 $0xFFFFFF80  }
0x3d: {  	_ =	swait.ge [sflag:s1], $0x80  }
0x3e: {  	[sflag:s1] =	ssyncset.done $0x0  }
0x3f: {  	[sflag:s1] =	ssyncadd.s32 $0xFFFFFF80  }
0x40: {  	[tilespmem:s5], [sflag:$0x6] =	stream.indirect.gather [hbm4b:s4+s24], $0x80, s24, s24, $0xb8;
	[tilespmem:$0x1C000] =	vst v63  }
0x41: {  	_ =	swait.ge [sflag:s6], $0x4000  }
0x42: {  	[sflag:s6] =	ssyncset.done $0x0  }
0x43: {  	[sflag:s6] =	ssyncadd.s32 $0xFFFFC000  }
0x44: {  	[spmem:s2] =	stream.indirect.scatter.add.f32 [tilespmem:s0], [sflag:$0x7], $0x80, s23, s24, $0xb8;
	[tilespmem:$0x1C000] =	vst v63  }
0x45: {  	_ =	swait.ge [sflag:s22], $0x4000  }
0x46: {  	s17 =	sadd.s32 $0x0, s20;
	[sflag:s22] =	ssyncset.done $0x0  }
0x47: {  	s14 =	sadd.s32 $0x800, s17;
	s15 =	sadd.s32 $0x0, s21;
	[sflag:s22] =	ssyncadd.s32 $0xFFFFC000  }
0x48: {  	[tilespmem:s3], [sflag:$0x1] =	stream.linear.gather [hbm4b:s14+s3], $0x80, $0x38;
	[tilespmem:$0x1C000] =	vst v63  }
0x49: {  	s18 =	sadd.s32 $0x800, s15  }
0x4a: {  	[tilespmem:s23], [sflag:$0x1] =	stream.linear.gather [hbm4b:s18+s3], $0x80, $0x38;
	[tilespmem:$0x1C000] =	vst v63  }
0x4b: {  	_ =	swait.ge [sflag:s8], $0x80  }
0x4c: {  	[sflag:s8] =	ssyncset.done $0x0  }
0x4d: {  	[sflag:s8] =	ssyncadd.s32 $0xFFFFFF80  }
0x4e: {  	_ =	swait.ge [sflag:s8], $0x80  }
0x4f: {  	[sflag:s8] =	ssyncset.done $0x0  }
0x50: {  	[sflag:s8] =	ssyncadd.s32 $0xFFFFFF80  }
0x51: {  	[tilespmem:s0], [sflag:$0x5] =	stream.indirect.gather [hbm4b:s4+s24], $0x80, s26, s24, $0xb8;
	[tilespmem:$0x1C000] =	vst v63  }
0x52: {  	_ =	swait.ge [sflag:s9], $0x4000  }
0x53: {  	[sflag:s9] =	ssyncset.done $0x0  }
0x54: {  	[sflag:s9] =	ssyncadd.s32 $0xFFFFC000  }
0x55: {  	[spmem:s2] =	stream.indirect.scatter.add.f32 [tilespmem:s5], [sflag:$0x7], $0x80, s25, s24, $0xb8;
	[tilespmem:$0x1C000] =	vst v63  }
0x56: {  	_ =	swait.ge [sflag:s22], $0x4000  }
0x57: {  	[sflag:s22] =	ssyncset.done $0x0  }
0x58: {  	s13 =	sadd.s32 $0xA00, s17;
	[sflag:s22] =	ssyncadd.s32 $0xFFFFC000  }
0x59: {  	[tilespmem:s24], [sflag:$0x2] =	stream.linear.gather [hbm4b:s13+s3], $0x80, $0x38;
	[tilespmem:$0x1C000] =	vst v63  }
0x5a: {  	s19 =	sadd.s32 $0xA00, s15  }
0x5b: {  	[tilespmem:s25], [sflag:$0x2] =	stream.linear.gather [hbm4b:s19+s3], $0x80, $0x38;
	[tilespmem:$0x1C000] =	vst v63  }
0x5c: {  	_ =	swait.ge [sflag:s10], $0x80  }
0x5d: {  	[sflag:s10] =	ssyncset.done $0x0  }
0x5e: {  	[sflag:s10] =	ssyncadd.s32 $0xFFFFFF80  }
0x5f: {  	_ =	swait.ge [sflag:s10], $0x80  }
0x60: {  	[sflag:s10] =	ssyncset.done $0x0  }
0x61: {  	[sflag:s10] =	ssyncadd.s32 $0xFFFFFF80  }
0x62: {  	[tilespmem:s5], [sflag:$0x6] =	stream.indirect.gather [hbm4b:s4+s24], $0x80, s29, s24, $0xb8;
	[tilespmem:$0x1C000] =	vst v63  }
0x63: {  	_ =	swait.ge [sflag:s6], $0x4000  }
0x64: {  	[sflag:s6] =	ssyncset.done $0x0  }
0x65: {  	p1 =	por $0x0, $0x0;
	[sflag:s6] =	ssyncadd.s32 $0xFFFFC000  }
0x66: {  	[spmem:s2] =	stream.indirect.scatter.add.f32 [tilespmem:s0], [sflag:$0x7], $0x80, s28, s24, $0xb8;
	[tilespmem:$0x1C000] =	vst v63  }
0x67: {  	s17 =	sadd.s32 @!p1 $0x0, s21;
	_ =	swait.ge [sflag:s22], $0x4000  }
0x68: {  	s16 =	simm.s32 @!p1 $0x100;
	s13 =	sadd.s32 @!p1 $0x0, s20;
	[sflag:s22] =	ssyncset.done $0x0  }
0x69: {  	s14 =	simm.s32 @!p1 $0x0;
	s15 =	sadd.s32 @!p1 $0xC00, s13;
	[sflag:s22] =	ssyncadd.s32 $0xFFFFC000  }
0x6a: {  	[tilespmem:s16], [sflag:$0x3] =	stream.linear.gather @!p1 [hbm4b:s15+s14], $0x80, $0x38;
	[tilespmem:$0x1C000] =	vst v63  }
0x6b: {  	s15 =	simm.s32 @!p1 $0x300;
	s16 =	sadd.s32 @!p1 $0xC00, s17  }
0x6c: {  	[tilespmem:s15], [sflag:$0x3] =	stream.linear.gather @!p1 [hbm4b:s16+s14], $0x80, $0x38;
	[tilespmem:$0x1C000] =	vst v63  }
0x6d: {  	_ =	swait.ge [sflag:s31], $0x80  }
0x6e: {  	[sflag:s31] =	ssyncset.done $0x0  }
0x6f: {  	[sflag:s31] =	ssyncadd.s32 $0xFFFFFF80  }
0x70: {  	_ =	swait.ge [sflag:s31], $0x80  }
0x71: {  	[sflag:s31] =	ssyncset.done $0x0  }
0x72: {  	[sflag:s31] =	ssyncadd.s32 $0xFFFFFF80  }
0x73: {  	[tilespmem:s0], [sflag:$0x5] =	stream.indirect.gather [hbm4b:s4+s24], $0x80, s3, s24, $0xb8;
	[tilespmem:$0x1C000] =	vst v63  }
0x74: {  	_ =	swait.ge [sflag:s9], $0x4000  }
0x75: {  	[sflag:s9] =	ssyncset.done $0x0  }
0x76: {  	[sflag:s9] =	ssyncadd.s32 $0xFFFFC000  }
0x77: {  	[spmem:s2] =	stream.indirect.scatter.add.f32 [tilespmem:s5], [sflag:$0x7], $0x80, s30, s24, $0xb8;
	[tilespmem:$0x1C000] =	vst v63  }
0x78: {  	_ =	swait.ge [sflag:s22], $0x4000  }
0x79: {  	[sflag:s22] =	ssyncset.done $0x0  }
0x7a: {  	s13 =	sadd.s32 @!p1 $0xE00, s13;
	s15 =	simm.s32 @!p1 $0x180;
	[sflag:s22] =	ssyncadd.s32 $0xFFFFC000  }
0x7b: {  	[tilespmem:s15], [sflag:$0x4] =	stream.linear.gather @!p1 [hbm4b:s13+s14], $0x80, $0x38;
	[tilespmem:$0x1C000] =	vst v63  }
0x7c: {  	s13 =	sadd.s32 @!p1 $0xE00, s17;
	s15 =	simm.s32 @!p1 $0x380  }
0x7d: {  	[tilespmem:s15], [sflag:$0x4] =	stream.linear.gather @!p1 [hbm4b:s13+s14], $0x80, $0x38;
	[tilespmem:$0x1C000] =	vst v63  }
0x7e: {  	_ =	swait.ge [sflag:s1], $0x80  }
0x7f: {  	[sflag:s1] =	ssyncset.done $0x0  }
0x80: {  	[sflag:s1] =	ssyncadd.s32 $0xFFFFFF80  }
0x81: {  	_ =	swait.ge [sflag:s1], $0x80  }
0x82: {  	s13 =	simm.s32 $0x800;
	[sflag:s1] =	ssyncset.done $0x0  }
.LBB2_2:
0x83: {  	[sflag:s1] =	ssyncadd.s32 $0xFFFFFF80;
	s14 =	smov.u32 s13;
	s13 =	sadd.s32 $0x800, s13  }
0x84: {  	[tilespmem:s5], [sflag:$0x6] =	stream.indirect.gather [hbm4b:s4+s24], $0x80, s24, s24, $0xb8;
	[tilespmem:$0x1C000] =	vst v63  }
0x85: {  	p1 =	sne.s32 s13, $0x9800;
	_ =	swait.ge [sflag:s6], $0x4000  }
0x86: {  	[sflag:s6] =	ssyncset.done $0x0  }
0x87: {  	[sflag:s6] =	ssyncadd.s32 $0xFFFFC000  }
0x88: {  	[spmem:s2] =	stream.indirect.scatter.add.f32 [tilespmem:s0], [sflag:$0x7], $0x80, s23, s24, $0xb8;
	[tilespmem:$0x1C000] =	vst v63  }
0x89: {  	s15 =	sadd.s32 s14, s20;
	_ =	swait.ge [sflag:s22], $0x4000  }
0x8a: {  	s17 =	sadd.s32 s14, s21;
	s16 =	sadd.s32 $0x800, s15;
	[sflag:s22] =	ssyncset.done $0x0  }
0x8b: {  	[sflag:s22] =	ssyncadd.s32 $0xFFFFC000  }
0x8c: {  	[tilespmem:s3], [sflag:$0x1] =	stream.linear.gather [hbm4b:s16+s3], $0x80, $0x38;
	[tilespmem:$0x1C000] =	vst v63  }
0x8d: {  	s16 =	sadd.s32 $0x800, s17  }
0x8e: {  	[tilespmem:s23], [sflag:$0x1] =	stream.linear.gather [hbm4b:s16+s3], $0x80, $0x38;
	[tilespmem:$0x1C000] =	vst v63  }
0x8f: {  	_ =	swait.ge [sflag:s8], $0x80  }
0x90: {  	[sflag:s8] =	ssyncset.done $0x0  }
0x91: {  	[sflag:s8] =	ssyncadd.s32 $0xFFFFFF80  }
0x92: {  	_ =	swait.ge [sflag:s8], $0x80  }
0x93: {  	[sflag:s8] =	ssyncset.done $0x0  }
0x94: {  	[sflag:s8] =	ssyncadd.s32 $0xFFFFFF80  }
0x95: {  	[tilespmem:s0], [sflag:$0x5] =	stream.indirect.gather [hbm4b:s4+s24], $0x80, s26, s24, $0xb8;
	[tilespmem:$0x1C000] =	vst v63  }
0x96: {  	_ =	swait.ge [sflag:s9], $0x4000  }
0x97: {  	[sflag:s9] =	ssyncset.done $0x0  }
0x98: {  	[sflag:s9] =	ssyncadd.s32 $0xFFFFC000  }
0x99: {  	[spmem:s2] =	stream.indirect.scatter.add.f32 [tilespmem:s5], [sflag:$0x7], $0x80, s25, s24, $0xb8;
	[tilespmem:$0x1C000] =	vst v63  }
0x9a: {  	_ =	swait.ge [sflag:s22], $0x4000  }
0x9b: {  	s15 =	sadd.s32 $0xA00, s15;
	[sflag:s22] =	ssyncset.done $0x0  }
0x9c: {  	[sflag:s22] =	ssyncadd.s32 $0xFFFFC000  }
0x9d: {  	[tilespmem:s24], [sflag:$0x2] =	stream.linear.gather [hbm4b:s15+s3], $0x80, $0x38;
	[tilespmem:$0x1C000] =	vst v63  }
0x9e: {  	s15 =	sadd.s32 $0xA00, s17  }
0x9f: {  	[tilespmem:s25], [sflag:$0x2] =	stream.linear.gather [hbm4b:s15+s3], $0x80, $0x38;
	[tilespmem:$0x1C000] =	vst v63  }
0xa0: {  	_ =	swait.ge [sflag:s10], $0x80  }
0xa1: {  	[sflag:s10] =	ssyncset.done $0x0  }
0xa2: {  	[sflag:s10] =	ssyncadd.s32 $0xFFFFFF80  }
0xa3: {  	_ =	swait.ge [sflag:s10], $0x80  }
0xa4: {  	[sflag:s10] =	ssyncset.done $0x0  }
0xa5: {  	[sflag:s10] =	ssyncadd.s32 $0xFFFFFF80  }
0xa6: {  	[tilespmem:s5], [sflag:$0x6] =	stream.indirect.gather [hbm4b:s4+s24], $0x80, s29, s24, $0xb8;
	[tilespmem:$0x1C000] =	vst v63  }
0xa7: {  	_ =	swait.ge [sflag:s6], $0x4000  }
0xa8: {  	[sflag:s6] =	ssyncset.done $0x0  }
0xa9: {  	p2 =	seq.s32 s14, $0x9000;
	[sflag:s6] =	ssyncadd.s32 $0xFFFFC000  }
0xaa: {  	[spmem:s2] =	stream.indirect.scatter.add.f32 [tilespmem:s0], [sflag:$0x7], $0x80, s28, s24, $0xb8;
	[tilespmem:$0x1C000] =	vst v63  }
0xab: {  	s16 =	simm.s32 @!p2 $0x0;
	s15 =	sadd.s32 @!p2 s14, s20;
	_ =	swait.ge [sflag:s22], $0x4000  }
0xac: {  	s18 =	simm.s32 @!p2 $0x100;
	s17 =	sadd.s32 @!p2 $0xC00, s15;
	[sflag:s22] =	ssyncset.done $0x0  }
0xad: {  	s19 =	simm.s32 @!p2 $0x300;
	s14 =	sadd.s32 @!p2 s14, s21;
	[sflag:s22] =	ssyncadd.s32 $0xFFFFC000  }
0xae: {  	[tilespmem:s18], [sflag:$0x3] =	stream.linear.gather @!p2 [hbm4b:s17+s16], $0x80, $0x38;
	[tilespmem:$0x1C000] =	vst v63  }
0xaf: {  	s17 =	sadd.s32 @!p2 $0xC00, s14;
	s14 =	sadd.s32 @!p2 $0xE00, s14  }
0xb0: {  	[tilespmem:s19], [sflag:$0x3] =	stream.linear.gather @!p2 [hbm4b:s17+s16], $0x80, $0x38;
	[tilespmem:$0x1C000] =	vst v63  }
0xb1: {  	_ =	swait.ge [sflag:s31], $0x80  }
0xb2: {  	[sflag:s31] =	ssyncset.done $0x0  }
0xb3: {  	[sflag:s31] =	ssyncadd.s32 $0xFFFFFF80  }
0xb4: {  	_ =	swait.ge [sflag:s31], $0x80  }
0xb5: {  	[sflag:s31] =	ssyncset.done $0x0  }
0xb6: {  	[sflag:s31] =	ssyncadd.s32 $0xFFFFFF80  }
0xb7: {  	[tilespmem:s0], [sflag:$0x5] =	stream.indirect.gather [hbm4b:s4+s24], $0x80, s3, s24, $0xb8;
	[tilespmem:$0x1C000] =	vst v63  }
0xb8: {  	_ =	swait.ge [sflag:s9], $0x4000  }
0xb9: {  	[sflag:s9] =	ssyncset.done $0x0  }
0xba: {  	[sflag:s9] =	ssyncadd.s32 $0xFFFFC000  }
0xbb: {  	[spmem:s2] =	stream.indirect.scatter.add.f32 [tilespmem:s5], [sflag:$0x7], $0x80, s30, s24, $0xb8;
	[tilespmem:$0x1C000] =	vst v63  }
0xbc: {  	_ =	swait.ge [sflag:s22], $0x4000  }
0xbd: {  	s15 =	sadd.s32 @!p2 $0xE00, s15;
	s17 =	simm.s32 @!p2 $0x180;
	[sflag:s22] =	ssyncset.done $0x0  }
0xbe: {  	s18 =	simm.s32 @!p2 $0x380;
	[sflag:s22] =	ssyncadd.s32 $0xFFFFC000  }
0xbf: {  	[tilespmem:s17], [sflag:$0x4] =	stream.linear.gather @!p2 [hbm4b:s15+s16], $0x80, $0x38;
	[tilespmem:$0x1C000] =	vst v63  }
0xc0: {  	_ = 	snop  }
0xc1: {  	[tilespmem:s18], [sflag:$0x4] =	stream.linear.gather @!p2 [hbm4b:s14+s16], $0x80, $0x38;
	[tilespmem:$0x1C000] =	vst v63  }
.Ltmp0:
0xc2: {  	_ =	swait.ge [sflag:s1], $0x80;
	(pc) =	sbr.rel @p1 .LBB2_2-.Ltmp0, $4  }
0xc3: {  	[sflag:s1] =	ssyncset.done $0x0  }
0xc4: {  	[sflag:s1] =	ssyncadd.s32 $0xFFFFFF80  }
0xc5: {  	_ =	swait.ge [sflag:s1], $0x80  }
0xc6: {  	[sflag:s1] =	ssyncset.done $0x0  }
0xc7: {  	[sflag:s1] =	ssyncadd.s32 $0xFFFFFF80  }
0xc8: {  	[tilespmem:s5], [sflag:$0x6] =	stream.indirect.gather [hbm4b:s4+s24], $0x80, s24, s24, $0xb8;
	[tilespmem:$0x1C000] =	vst v63  }
0xc9: {  	_ =	swait.ge [sflag:s6], $0x4000  }
0xca: {  	[sflag:s6] =	ssyncset.done $0x0  }
0xcb: {  	[sflag:s6] =	ssyncadd.s32 $0xFFFFC000  }
0xcc: {  	[spmem:s2] =	stream.indirect.scatter.add.f32 [tilespmem:s0], [sflag:$0x7], $0x80, s23, s24, $0xb8;
	[tilespmem:$0x1C000] =	vst v63  }
0xcd: {  	_ =	swait.ge [sflag:s22], $0x4000  }
0xce: {  	[sflag:s22] =	ssyncset.done $0x0  }
0xcf: {  	[sflag:s22] =	ssyncadd.s32 $0xFFFFC000  }
0xd0: {  	_ =	swait.ge [sflag:s9], $0x4000  }
0xd1: {  	[sflag:s9] =	ssyncset.done $0x0  }
0xd2: {  	[sflag:s9] =	ssyncadd.s32 $0xFFFFC000  }
0xd3: {  	[spmem:s2] =	stream.indirect.scatter.add.f32 [tilespmem:s5], [sflag:$0x7], $0x80, s25, s24, $0xb8;
	[tilespmem:$0x1C000] =	vst v63  }
0xd4: {  	_ =	swait.ge [sflag:s22], $0x4000  }
0xd5: {  	[sflag:s22] =	ssyncset.done $0x0  }
0xd6: {  	s13 =	simm.s32 @!p0 $0x0;
	s14 =	rddreg [dreg:$0xd];
	[sflag:s22] =	ssyncadd.s32 $0xFFFFC000  }
0xd7: {  	[tilespmem:s13], [sflag:$0x7] =	stream.linear.gather @!p0 [hbm4b:s14+s13], $0x80, $0x38;
	[tilespmem:$0x1C000] =	vst v63  }
0xd8: {  	s14 =	simm.s32 @!p0 $0x7  }
0xd9: {  	_ =	swait.ge @!p0 [sflag:s14], $0x80  }
0xda: {  	[sflag:s14] =	ssyncset.done @!p0 $0x0  }
0xdb: {  	s15 =	simm.s32 @!p0 $0x200;
	s16 =	rddreg [dreg:$0xe];
	[sflag:s14] =	ssyncadd.s32 @!p0 $0xFFFFFF80  }
0xdc: {  	[tilespmem:s15], [sflag:$0x7] =	stream.linear.gather @!p0 [hbm4b:s16+s13], $0x80, $0x38;
	[tilespmem:$0x1C000] =	vst v63  }
0xdd: {  	_ =	swait.ge @!p0 [sflag:s14], $0x80  }
0xde: {  	[sflag:s14] =	ssyncset.done @!p0 $0x0  }
0xdf: {  	s17 =	simm.s32 @!p0 $0x400;
	s16 =	simm.s32 @!p0 $0x80;
	[sflag:s14] =	ssyncadd.s32 @!p0 $0xFFFFFF80  }
0xe0: {  	[tilespmem:s17], [sflag:$0x5] =	stream.indirect.gather @!p0 [hbm4b:s4+s16], $0x80, s13, s16, $0xb8;
	[tilespmem:$0x1C000] =	vst v63  }
0xe1: {  	s13 =	simm.s32 @!p0 $0x5  }
0xe2: {  	_ =	swait.ge @!p0 [sflag:s13], $0x4000  }
0xe3: {  	[sflag:s13] =	ssyncset.done @!p0 $0x0  }
0xe4: {  	[sflag:s13] =	ssyncadd.s32 @!p0 $0xFFFFC000  }
0xe5: {  	[spmem:s2] =	stream.indirect.scatter.add.f32 @!p0 [tilespmem:s17], [sflag:$0x7], $0x80, s15, s16, $0xb8;
	[tilespmem:$0x1C000] =	vst v63  }
0xe6: {  	_ =	swait.ge @!p0 [sflag:s14], $0x4000  }
0xe7: {  	[sflag:s14] =	ssyncset.done @!p0 $0x0  }
0xe8: {  	[sflag:s14] =	ssyncadd.s32 @!p0 $0xFFFFC000  }
0xe9: {  	[bflag:$0x0] =	sbarrier.arrive $0xFFFF  }
0xea: {  	s18 =	rddreg [dreg:$0xf]  }
0xeb: {  	[hbm:s18], [sflag:s7] =	dma.local [spmem:s12], $0x2780  }
0xec: {  	_ =	swait.ge [sflag:s22], $0x2780  }
0xed: {  	s11 =	sadd.s32 $0x1, s11;
	s19 =	rddreg [dreg:$0x10]  }
0xee: {  	p1 =	sne.s32 s11, s19  }
.Ltmp1:
0xef: {  	_ = 	snop;
	(pc) =	sbr.rel @p1 .LBB2_1-.Ltmp1, $3  }
0xf0: {  	_ =	sdelay $0x1  }
0xf1: {  	[sflag:s22] =	ssyncset.done $0x0  }
0xf2: {  	[sflag:s22] =	ssyncadd.s32 $0xFFFFD880  }
0xf3: {  	_ =	sfence.sel $0x180000  }
0xf4: {  	[bflag:$0x0] =	sbarrier.arrive $0xFFFF  }
0xf5: {  	_ =	strace $0x90000050  }
0xf6: {  	s0 =	stileid.u32;
	[bflag:$0x2] =	sbarrier.arrive $0xFFFF  }
0xf7: {  	p0 =	sne.s32 s0, $0x0;
	s0 =	rddreg [dreg:$0x2]  }
0xf8: {  	s0 =	sadd.s32 @!p0 $0x100000, s0  }
0xf9: {  	[sflag:s0] =	ssyncadd.tile.s32 @!p0 $0x1;
	_ =	shalt  }
.Lfunc_end2:
_tile_overlayer_lowered:
.L_overlay_start_2:
0xfa: {  	(tag) =	ssettag $0x2  }
0xfb: {  	s0 =	rddreg [dreg:$0x0];
	s2 =	stileid.u32  }
0xfc: {  	s1 =	rddreg [dreg:$0x1];
	p0 =	sne.s32 s2, $0x0  }
0xfd: {  	s3 =	rddreg [dreg:$0x2];
	[bflag:$0x3] =	sbarrier.arrive $0xFFFF;
	s2 =	simm.s32 @!p0 $0x1C07  }
0xfe: {  	[timem:s3], [sflag:s2] =	dma.local @!p0 [hbm:s0], s1  }
0xff: {  	s0 =	simm.s32 @!p0 $0x7  }
0x100: {  	_ =	swait.ge @!p0 [sflag:s0], s1  }
0x101: {  	s1 =	ssub.s32 @!p0 $0x0, s1;
	[sflag:s0] =	ssyncset.done @!p0 $0x0  }
0x102: {  	[sflag:s0] =	ssyncadd.s32 @!p0 s1  }
0x103: {  	[bflag:$0x3] =	sbarrier.arrive $0xFFFF  }
0x104: {  	_ =	shalt  }

</sc_bundles>
